<compile_context>
chip_gen: v7x
topology: tpu7x:2x2x1
jax: 0.10.2.dev20260603
libtpu: 0.0.44.dev20260713+nightly
codegen_flags: <defaults>
</compile_context>

<pallas_src>
import jax
import jax.numpy as jnp
from jax import lax
from jax.experimental import pallas as pl
from jax.experimental.pallas import tpu as pltpu
from jax.experimental.pallas import tpu_sc as plsc

_ROWS = 100000
_COLS = 512
_NWORKERS = 32
_SHARD = 3128
_CHUNK = 112
_NCH = 28
_LAST_BASE = _ROWS - _SHARD


def _chunk_off(j):
    return j * _CHUNK if j < _NCH - 1 else _SHARD - _CHUNK


_mesh = plsc.VectorSubcoreMesh(core_axis_name="c", subcore_axis_name="s")


@pl.kernel(
    mesh=_mesh,
    out_type=jax.ShapeDtypeStruct((_ROWS, _COLS), jnp.float32),
    scratch_types=[
        pltpu.VMEM((2, _CHUNK, _COLS), jnp.float32),
        pltpu.SemaphoreType.DMA,
        pltpu.SemaphoreType.DMA,
        pltpu.SemaphoreType.DMA,
        pltpu.SemaphoreType.DMA,
    ],
)
def _sc_copy(x_hbm, o_hbm, buf, in_sem0, in_sem1, out_sem0, out_sem1):
    c = lax.axis_index("c")
    s = lax.axis_index("s")
    w = s * 2 + c
    base = jnp.where(w == _NWORKERS - 1, _LAST_BASE, w * _SHARD)
    base = pl.multiple_of(base, 8)
    in_sems = (in_sem0, in_sem1)
    out_sems = (out_sem0, out_sem1)

    def start_in(j):
        return pltpu.async_copy(
            x_hbm.at[pl.ds(base + _chunk_off(j), _CHUNK), :],
            buf.at[j & 1],
            in_sems[j & 1],
        )

    def start_out(j):
        return pltpu.async_copy(
            buf.at[j & 1],
            o_hbm.at[pl.ds(base + _chunk_off(j), _CHUNK), :],
            out_sems[j & 1],
        )

    ins = {0: start_in(0)}
    outs = {}
    for j in range(_NCH):
        b = j & 1
        ins.pop(j).wait()
        if j + 1 < _NCH:
            if j >= 1:
                outs.pop(j - 1).wait()
            ins[j + 1] = start_in(j + 1)
        if j == 0:
            @pl.when(w == 0)
            def _patch():
                two = jnp.full((16,), 2.0, jnp.float32)
                for i in range(_COLS // 16):
                    buf[b, 1, pl.ds(i * 16, 16)] = two
                    buf[b, 3, pl.ds(i * 16, 16)] = two
        outs[j] = start_out(j)
    outs.pop(_NCH - 2).wait()
    outs.pop(_NCH - 1).wait()


def kernel(x):
    return _sc_copy(x)

# --- scband reference (transcript-rebuilt; emitter-appended) ---
"""Pipeline reference for scband-my-model-61933428414473 (READ-ONLY COPY).

The authoritative reference and input builder live on the scoring server;
editing this copy changes nothing except your own understanding.
"""

import jax, jax.numpy as jnp
import numpy as np

def setup_inputs(seed: int = 0) -> dict:
    key = jax.random.key(seed)
    x = jax.random.normal(key, (100000, 512), dtype=jnp.float32)
    return {"x": x}

def reference(x):
    # Faithful translation of: x[[1, 3], :] = 2; return x
    idx = jnp.array([1, 3], dtype=jnp.int32)
    out = x.at[idx, :].set(2.0)
    return out

if __name__ == "__main__":
    import jax
    _d = setup_inputs()
    print(jax.jit(kernel)(*tuple(_d.values())))

</pallas_src>

<mosaic_0001>
#map = affine_map<(d0, d1) -> (0, 0)>
module attributes {stable_mosaic.version = 14 : i64} {
  func.func @_sc_copy(%arg0: i32, %arg1: i32, %arg2: memref<100000x512xf32, #tpu.memory_space<hbm>>, %arg3: memref<100000x512xf32, #tpu.memory_space<hbm>>, %arg4: memref<2x112x512xf32, #tpu.memory_space<vmem>>, %arg5: memref<!tpu.dma_semaphore, #tpu.memory_space<semaphore_mem>>, %arg6: memref<!tpu.dma_semaphore, #tpu.memory_space<semaphore_mem>>, %arg7: memref<!tpu.dma_semaphore, #tpu.memory_space<semaphore_mem>>, %arg8: memref<!tpu.dma_semaphore, #tpu.memory_space<semaphore_mem>>) attributes {dimension_semantics = [#tpu.dimension_semantics<core_parallel>, #tpu.dimension_semantics<subcore_parallel>], iteration_bounds = array<i64: 2, 16>, scalar_prefetch = 0 : i64, scratch_operands = 5 : i64, tpu.core_type = #tpu.core_type<sc_vector_subcore>, window_params = [{transform_indices = #map}, {transform_indices = #map}]} {
    %mul3A = arith.constant 2 : i32
    %mul3A_0 = arith.muli %arg1, %mul3A : i32
    %add3A = arith.addi %mul3A_0, %arg0 : i32
    %eq3A = arith.constant 31 : i32
    %eq3A_1 = arith.cmpi eq, %add3A, %eq3A : i32
    %mul3A_2 = arith.constant 3128 : i32
    %mul3A_3 = arith.muli %add3A, %mul3A_2 : i32
    %jit3A = arith.constant 96872 : i32
    %select_n3A = arith.select %eq3A_1, %jit3A, %mul3A_3 : i32
    %multiple_of3A = tpu.assume_multiple %select_n3A, 8 : i32
    %add3A_4 = arith.constant 0 : i32
    %add3A_5 = arith.addi %multiple_of3A, %add3A_4 : i32
    %dma_start3A = arith.constant 0 : i32
    %dma_start3A_6 = arith.constant 0 : i32
    %dma_start3A_7 = arith.constant 0 : i32
    %dma_start3A_8 = tpu.memref_slice %arg4[%dma_start3A, %dma_start3A_6, %dma_start3A_7] : memref<2x112x512xf32, #tpu.memory_space<vmem>> -> memref<1x112x512xf32, #tpu.memory_space<vmem>>
    %dma_start3A_9 = tpu.memref_squeeze %dma_start3A_8 : memref<1x112x512xf32, #tpu.memory_space<vmem>> -> memref<112x512xf32, #tpu.memory_space<vmem>>
    %dma_start3A_10 = arith.constant 0 : i32
    %dma_start3A_11 = tpu.memref_slice %arg2[%add3A_5, %dma_start3A_10] : memref<100000x512xf32, #tpu.memory_space<hbm>> -> memref<112x512xf32, #tpu.memory_space<hbm>>
    %dma_start3A_12 = arith.constant 0 : i32
    %dma_start3A_13 = arith.constant 0 : i32
    %dma_start3A_14 = tpu.memref_slice %arg4[%dma_start3A, %dma_start3A_12, %dma_start3A_13] : memref<2x112x512xf32, #tpu.memory_space<vmem>> -> memref<1x112x512xf32, #tpu.memory_space<vmem>>
    %dma_start3A_15 = tpu.memref_squeeze %dma_start3A_14 : memref<1x112x512xf32, #tpu.memory_space<vmem>> -> memref<112x512xf32, #tpu.memory_space<vmem>>
    %dma_start3A_16 = arith.constant 0 : i32
    %dma_start3A_17 = tpu.memref_slice %arg2[%add3A_5, %dma_start3A_16] : memref<100000x512xf32, #tpu.memory_space<hbm>> -> memref<112x512xf32, #tpu.memory_space<hbm>>
    tpu.enqueue_dma source(%dma_start3A_17 : memref<112x512xf32, #tpu.memory_space<hbm>>) target(%dma_start3A_15 : memref<112x512xf32, #tpu.memory_space<vmem>>) target_semaphore(%arg5 : memref<!tpu.dma_semaphore, #tpu.memory_space<semaphore_mem>>)
    %dma_wait3A = arith.constant 0 : i32
    %dma_wait3A_18 = arith.constant 0 : i32
    %dma_wait3A_19 = arith.constant 0 : i32
    %dma_wait3A_20 = tpu.memref_slice %arg4[%dma_wait3A, %dma_wait3A_18, %dma_wait3A_19] : memref<2x112x512xf32, #tpu.memory_space<vmem>> -> memref<1x112x512xf32, #tpu.memory_space<vmem>>
    %dma_wait3A_21 = tpu.memref_squeeze %dma_wait3A_20 : memref<1x112x512xf32, #tpu.memory_space<vmem>> -> memref<112x512xf32, #tpu.memory_space<vmem>>
    %dma_wait3A_22 = arith.constant 0 : i32
    %dma_wait3A_23 = tpu.memref_slice %arg2[%add3A_5, %dma_wait3A_22] : memref<100000x512xf32, #tpu.memory_space<hbm>> -> memref<112x512xf32, #tpu.memory_space<hbm>>
    %dma_wait3A_24 = arith.constant 0 : i32
    %dma_wait3A_25 = arith.constant 0 : i32
    %dma_wait3A_26 = tpu.memref_slice %arg4[%dma_wait3A, %dma_wait3A_24, %dma_wait3A_25] : memref<2x112x512xf32, #tpu.memory_space<vmem>> -> memref<1x112x512xf32, #tpu.memory_space<vmem>>
    %dma_wait3A_27 = tpu.memref_squeeze %dma_wait3A_26 : memref<1x112x512xf32, #tpu.memory_space<vmem>> -> memref<112x512xf32, #tpu.memory_space<vmem>>
    %dma_wait3A_28 = arith.constant 0 : i32
    %dma_wait3A_29 = tpu.memref_slice %arg2[%add3A_5, %dma_wait3A_28] : memref<100000x512xf32, #tpu.memory_space<hbm>> -> memref<112x512xf32, #tpu.memory_space<hbm>>
    tpu.wait_dma2 semaphore(%arg5 : memref<!tpu.dma_semaphore, #tpu.memory_space<semaphore_mem>>) src(%dma_wait3A_29 : memref<112x512xf32, #tpu.memory_space<hbm>>) dst(%dma_wait3A_27 : memref<112x512xf32, #tpu.memory_space<vmem>>)
    %add3A_30 = arith.constant 112 : i32
    %add3A_31 = arith.addi %multiple_of3A, %add3A_30 : i32
    %dma_start3A_32 = arith.constant 1 : i32
    %dma_start3A_33 = arith.constant 0 : i32
    %dma_start3A_34 = arith.constant 0 : i32
    %dma_start3A_35 = tpu.memref_slice %arg4[%dma_start3A_32, %dma_start3A_33, %dma_start3A_34] : memref<2x112x512xf32, #tpu.memory_space<vmem>> -> memref<1x112x512xf32, #tpu.memory_space<vmem>>
    %dma_start3A_36 = tpu.memref_squeeze %dma_start3A_35 : memref<1x112x512xf32, #tpu.memory_space<vmem>> -> memref<112x512xf32, #tpu.memory_space<vmem>>
    %dma_start3A_37 = arith.constant 0 : i32
    %dma_start3A_38 = tpu.memref_slice %arg2[%add3A_31, %dma_start3A_37] : memref<100000x512xf32, #tpu.memory_space<hbm>> -> memref<112x512xf32, #tpu.memory_space<hbm>>
    %dma_start3A_39 = arith.constant 0 : i32
    %dma_start3A_40 = arith.constant 0 : i32
    %dma_start3A_41 = tpu.memref_slice %arg4[%dma_start3A_32, %dma_start3A_39, %dma_start3A_40] : memref<2x112x512xf32, #tpu.memory_space<vmem>> -> memref<1x112x512xf32, #tpu.memory_space<vmem>>
    %dma_start3A_42 = tpu.memref_squeeze %dma_start3A_41 : memref<1x112x512xf32, #tpu.memory_space<vmem>> -> memref<112x512xf32, #tpu.memory_space<vmem>>
    %dma_start3A_43 = arith.constant 0 : i32
    %dma_start3A_44 = tpu.memref_slice %arg2[%add3A_31, %dma_start3A_43] : memref<100000x512xf32, #tpu.memory_space<hbm>> -> memref<112x512xf32, #tpu.memory_space<hbm>>
    tpu.enqueue_dma source(%dma_start3A_44 : memref<112x512xf32, #tpu.memory_space<hbm>>) target(%dma_start3A_42 : memref<112x512xf32, #tpu.memory_space<vmem>>) target_semaphore(%arg6 : memref<!tpu.dma_semaphore, #tpu.memory_space<semaphore_mem>>)
    %eq3A_45 = arith.constant 0 : i32
    %eq3A_46 = arith.cmpi eq, %add3A, %eq3A_45 : i32
    %convert_element_type3A = arith.extui %eq3A_46 : i1 to i32
    %cond3A = arith.constant 0 : i32
    %cond3A_47 = arith.cmpi ne, %convert_element_type3A, %cond3A : i32
    scf.if %cond3A_47 {
      %broadcast_in_dim3A = arith.constant 2.000000e+00 : f32
      %broadcast_in_dim3A_1573 = vector.broadcast %broadcast_in_dim3A : f32 to vector<16xf32>
      %swap3A = arith.constant 0 : i32
      %swap3A_1574 = arith.constant 1 : i32
      %swap3A_1575 = arith.index_cast %swap3A : i32 to index
      %swap3A_1576 = arith.index_cast %swap3A_1574 : i32 to index
      %swap3A_1577 = arith.constant 0 : index
      %swap3A_1578 = tpu.vector_load %arg4[%swap3A_1575, %swap3A_1576, %swap3A_1577] {strides = array<i32>} : memref<2x112x512xf32, #tpu.memory_space<vmem>>, vector<1x1x16xf32>,
      %swap3A_1579 = vector.shape_cast %swap3A_1578 : vector<1x1x16xf32> to vector<16xf32>
      %swap3A_1580 = vector.shape_cast %broadcast_in_dim3A_1573 : vector<16xf32> to vector<1x1x16xf32>
      tpu.vector_store %arg4[%swap3A_1575, %swap3A_1576, %swap3A_1577], %swap3A_1580 {strides = array<i32>} : memref<2x112x512xf32, #tpu.memory_space<vmem>>, vector<1x1x16xf32>,
      %swap3A_1581 = arith.constant 0 : i32
      %swap3A_1582 = arith.constant 3 : i32
      %swap3A_1583 = arith.index_cast %swap3A_1581 : i32 to index
      %swap3A_1584 = arith.index_cast %swap3A_1582 : i32 to index
      %swap3A_1585 = arith.constant 0 : index
      %swap3A_1586 = tpu.vector_load %arg4[%swap3A_1583, %swap3A_1584, %swap3A_1585] {strides = array<i32>} : memref<2x112x512xf32, #tpu.memory_space<vmem>>, vector<1x1x16xf32>,
      %swap3A_1587 = vector.shape_cast %swap3A_1586 : vector<1x1x16xf32> to vector<16xf32>
      %swap3A_1588 = vector.shape_cast %broadcast_in_dim3A_1573 : vector<16xf32> to vector<1x1x16xf32>
      tpu.vector_store %arg4[%swap3A_1583, %swap3A_1584, %swap3A_1585], %swap3A_1588 {strides = array<i32>} : memref<2x112x512xf32, #tpu.memory_space<vmem>>, vector<1x1x16xf32>,
      %swap3A_1589 = arith.constant 0 : i32
      %swap3A_1590 = arith.constant 1 : i32
      %swap3A_1591 = arith.index_cast %swap3A_1589 : i32 to index
      %swap3A_1592 = arith.index_cast %swap3A_1590 : i32 to index
      %swap3A_1593 = arith.constant 16 : index
      %swap3A_1594 = tpu.vector_load %arg4[%swap3A_1591, %swap3A_1592, %swap3A_1593] {strides = array<i32>} : memref<2x112x512xf32, #tpu.memory_space<vmem>>, vector<1x1x16xf32>,
      %swap3A_1595 = vector.shape_cast %swap3A_1594 : vector<1x1x16xf32> to vector<16xf32>
      %swap3A_1596 = vector.shape_cast %broadcast_in_dim3A_1573 : vector<16xf32> to vector<1x1x16xf32>
      tpu.vector_store %arg4[%swap3A_1591, %swap3A_1592, %swap3A_1593], %swap3A_1596 {strides = array<i32>} : memref<2x112x512xf32, #tpu.memory_space<vmem>>, vector<1x1x16xf32>,
      %swap3A_1597 = arith.constant 0 : i32
      %swap3A_1598 = arith.constant 3 : i32
      %swap3A_1599 = arith.index_cast %swap3A_1597 : i32 to index
      %swap3A_1600 = arith.index_cast %swap3A_1598 : i32 to index
      %swap3A_1601 = arith.constant 16 : index
      %swap3A_1602 = tpu.vector_load %arg4[%swap3A_1599, %swap3A_1600, %swap3A_1601] {strides = array<i32>} : memref<2x112x512xf32, #tpu.memory_space<vmem>>, vector<1x1x16xf32>,
      %swap3A_1603 = vector.shape_cast %swap3A_1602 : vector<1x1x16xf32> to vector<16xf32>
      %swap3A_1604 = vector.shape_cast %broadcast_in_dim3A_1573 : vector<16xf32> to vector<1x1x16xf32>
      tpu.vector_store %arg4[%swap3A_1599, %swap3A_1600, %swap3A_1601], %swap3A_1604 {strides = array<i32>} : memref<2x112x512xf32, #tpu.memory_space<vmem>>, vector<1x1x16xf32>,
      %swap3A_1605 = arith.constant 0 : i32
      %swap3A_1606 = arith.constant 1 : i32
      %swap3A_1607 = arith.index_cast %swap3A_1605 : i32 to index
      %swap3A_1608 = arith.index_cast %swap3A_1606 : i32 to index
      %swap3A_1609 = arith.constant 32 : index
      %swap3A_1610 = tpu.vector_load %arg4[%swap3A_1607, %swap3A_1608, %swap3A_1609] {strides = array<i32>} : memref<2x112x512xf32, #tpu.memory_space<vmem>>, vector<1x1x16xf32>,
      %swap3A_1611 = vector.shape_cast %swap3A_1610 : vector<1x1x16xf32> to vector<16xf32>
      %swap3A_1612 = vector.shape_cast %broadcast_in_dim3A_1573 : vector<16xf32> to vector<1x1x16xf32>
      tpu.vector_store %arg4[%swap3A_1607, %swap3A_1608, %swap3A_1609], %swap3A_1612 {strides = array<i32>} : memref<2x112x512xf32, #tpu.memory_space<vmem>>, vector<1x1x16xf32>,
      %swap3A_1613 = arith.constant 0 : i32
      %swap3A_1614 = arith.constant 3 : i32
      %swap3A_1615 = arith.index_cast %swap3A_1613 : i32 to index
      %swap3A_1616 = arith.index_cast %swap3A_1614 : i32 to index
      %swap3A_1617 = arith.constant 32 : index
      %swap3A_1618 = tpu.vector_load %arg4[%swap3A_1615, %swap3A_1616, %swap3A_1617] {strides = array<i32>} : memref<2x112x512xf32, #tpu.memory_space<vmem>>, vector<1x1x16xf32>,
      %swap3A_1619 = vector.shape_cast %swap3A_1618 : vector<1x1x16xf32> to vector<16xf32>
      %swap3A_1620 = vector.shape_cast %broadcast_in_dim3A_1573 : vector<16xf32> to vector<1x1x16xf32>
      tpu.vector_store %arg4[%swap3A_1615, %swap3A_1616, %swap3A_1617], %swap3A_1620 {strides = array<i32>} : memref<2x112x512xf32, #tpu.memory_space<vmem>>, vector<1x1x16xf32>,
      %swap3A_1621 = arith.constant 0 : i32
      %swap3A_1622 = arith.constant 1 : i32
      %swap3A_1623 = arith.index_cast %swap3A_1621 : i32 to index
      %swap3A_1624 = arith.index_cast %swap3A_1622 : i32 to index
      %swap3A_1625 = arith.constant 48 : index
      %swap3A_1626 = tpu.vector_load %arg4[%swap3A_1623, %swap3A_1624, %swap3A_1625] {strides = array<i32>} : memref<2x112x512xf32, #tpu.memory_space<vmem>>, vector<1x1x16xf32>,
      %swap3A_1627 = vector.shape_cast %swap3A_1626 : vector<1x1x16xf32> to vector<16xf32>
      %swap3A_1628 = vector.shape_cast %broadcast_in_dim3A_1573 : vector<16xf32> to vector<1x1x16xf32>
      tpu.vector_store %arg4[%swap3A_1623, %swap3A_1624, %swap3A_1625], %swap3A_1628 {strides = array<i32>} : memref<2x112x512xf32, #tpu.memory_space<vmem>>, vector<1x1x16xf32>,
      %swap3A_1629 = arith.constant 0 : i32
      %swap3A_1630 = arith.constant 3 : i32
      %swap3A_1631 = arith.index_cast %swap3A_1629 : i32 to index
      %swap3A_1632 = arith.index_cast %swap3A_1630 : i32 to index
      %swap3A_1633 = arith.constant 48 : index
      %swap3A_1634 = tpu.vector_load %arg4[%swap3A_1631, %swap3A_1632, %swap3A_1633] {strides = array<i32>} : memref<2x112x512xf32, #tpu.memory_space<vmem>>, vector<1x1x16xf32>,
      %swap3A_1635 = vector.shape_cast %swap3A_1634 : vector<1x1x16xf32> to vector<16xf32>
      %swap3A_1636 = vector.shape_cast %broadcast_in_dim3A_1573 : vector<16xf32> to vector<1x1x16xf32>
      tpu.vector_store %arg4[%swap3A_1631, %swap3A_1632, %swap3A_1633], %swap3A_1636 {strides = array<i32>} : memref<2x112x512xf32, #tpu.memory_space<vmem>>, vector<1x1x16xf32>,
      %swap3A_1637 = arith.constant 0 : i32
      %swap3A_1638 = arith.constant 1 : i32
      %swap3A_1639 = arith.index_cast %swap3A_1637 : i32 to index
      %swap3A_1640 = arith.index_cast %swap3A_1638 : i32 to index
      %swap3A_1641 = arith.constant 64 : index
      %swap3A_1642 = tpu.vector_load %arg4[%swap3A_1639, %swap3A_1640, %swap3A_1641] {strides = array<i32>} : memref<2x112x512xf32, #tpu.memory_space<vmem>>, vector<1x1x16xf32>,
      %swap3A_1643 = vector.shape_cast %swap3A_1642 : vector<1x1x16xf32> to vector<16xf32>
      %swap3A_1644 = vector.shape_cast %broadcast_in_dim3A_1573 : vector<16xf32> to vector<1x1x16xf32>
      tpu.vector_store %arg4[%swap3A_1639, %swap3A_1640, %swap3A_1641], %swap3A_1644 {strides = array<i32>} : memref<2x112x512xf32, #tpu.memory_space<vmem>>, vector<1x1x16xf32>,
      %swap3A_1645 = arith.constant 0 : i32
      %swap3A_1646 = arith.constant 3 : i32
      %swap3A_1647 = arith.index_cast %swap3A_1645 : i32 to index
      %swap3A_1648 = arith.index_cast %swap3A_1646 : i32 to index
      %swap3A_1649 = arith.constant 64 : index
      %swap3A_1650 = tpu.vector_load %arg4[%swap3A_1647, %swap3A_1648, %swap3A_1649] {strides = array<i32>} : memref<2x112x512xf32, #tpu.memory_space<vmem>>, vector<1x1x16xf32>,
      %swap3A_1651 = vector.shape_cast %swap3A_1650 : vector<1x1x16xf32> to vector<16xf32>
      %swap3A_1652 = vector.shape_cast %broadcast_in_dim3A_1573 : vector<16xf32> to vector<1x1x16xf32>
      tpu.vector_store %arg4[%swap3A_1647, %swap3A_1648, %swap3A_1649], %swap3A_1652 {strides = array<i32>} : memref<2x112x512xf32, #tpu.memory_space<vmem>>, vector<1x1x16xf32>,
      %swap3A_1653 = arith.constant 0 : i32
      %swap3A_1654 = arith.constant 1 : i32
      %swap3A_1655 = arith.index_cast %swap3A_1653 : i32 to index
      %swap3A_1656 = arith.index_cast %swap3A_1654 : i32 to index
      %swap3A_1657 = arith.constant 80 : index
      %swap3A_1658 = tpu.vector_load %arg4[%swap3A_1655, %swap3A_1656, %swap3A_1657] {strides = array<i32>} : memref<2x112x512xf32, #tpu.memory_space<vmem>>, vector<1x1x16xf32>,
      %swap3A_1659 = vector.shape_cast %swap3A_1658 : vector<1x1x16xf32> to vector<16xf32>
      %swap3A_1660 = vector.shape_cast %broadcast_in_dim3A_1573 : vector<16xf32> to vector<1x1x16xf32>
      tpu.vector_store %arg4[%swap3A_1655, %swap3A_1656, %swap3A_1657], %swap3A_1660 {strides = array<i32>} : memref<2x112x512xf32, #tpu.memory_space<vmem>>, vector<1x1x16xf32>,
      %swap3A_1661 = arith.constant 0 : i32
      %swap3A_1662 = arith.constant 3 : i32
      %swap3A_1663 = arith.index_cast %swap3A_1661 : i32 to index
      %swap3A_1664 = arith.index_cast %swap3A_1662 : i32 to index
      %swap3A_1665 = arith.constant 80 : index
      %swap3A_1666 = tpu.vector_load %arg4[%swap3A_1663, %swap3A_1664, %swap3A_1665] {strides = array<i32>} : memref<2x112x512xf32, #tpu.memory_space<vmem>>, vector<1x1x16xf32>,
      %swap3A_1667 = vector.shape_cast %swap3A_1666 : vector<1x1x16xf32> to vector<16xf32>
      %swap3A_1668 = vector.shape_cast %broadcast_in_dim3A_1573 : vector<16xf32> to vector<1x1x16xf32>
      tpu.vector_store %arg4[%swap3A_1663, %swap3A_1664, %swap3A_1665], %swap3A_1668 {strides = array<i32>} : memref<2x112x512xf32, #tpu.memory_space<vmem>>, vector<1x1x16xf32>,
      %swap3A_1669 = arith.constant 0 : i32
      %swap3A_1670 = arith.constant 1 : i32
      %swap3A_1671 = arith.index_cast %swap3A_1669 : i32 to index
      %swap3A_1672 = arith.index_cast %swap3A_1670 : i32 to index
      %swap3A_1673 = arith.constant 96 : index
      %swap3A_1674 = tpu.vector_load %arg4[%swap3A_1671, %swap3A_1672, %swap3A_1673] {strides = array<i32>} : memref<2x112x512xf32, #tpu.memory_space<vmem>>, vector<1x1x16xf32>,
      %swap3A_1675 = vector.shape_cast %swap3A_1674 : vector<1x1x16xf32> to vector<16xf32>
      %swap3A_1676 = vector.shape_cast %broadcast_in_dim3A_1573 : vector<16xf32> to vector<1x1x16xf32>
      tpu.vector_store %arg4[%swap3A_1671, %swap3A_1672, %swap3A_1673], %swap3A_1676 {strides = array<i32>} : memref<2x112x512xf32, #tpu.memory_space<vmem>>, vector<1x1x16xf32>,
      %swap3A_1677 = arith.constant 0 : i32
      %swap3A_1678 = arith.constant 3 : i32
      %swap3A_1679 = arith.index_cast %swap3A_1677 : i32 to index
      %swap3A_1680 = arith.index_cast %swap3A_1678 : i32 to index
      %swap3A_1681 = arith.constant 96 : index
      %swap3A_1682 = tpu.vector_load %arg4[%swap3A_1679, %swap3A_1680, %swap3A_1681] {strides = array<i32>} : memref<2x112x512xf32, #tpu.memory_space<vmem>>, vector<1x1x16xf32>,
      %swap3A_1683 = vector.shape_cast %swap3A_1682 : vector<1x1x16xf32> to vector<16xf32>
      %swap3A_1684 = vector.shape_cast %broadcast_in_dim3A_1573 : vector<16xf32> to vector<1x1x16xf32>
      tpu.vector_store %arg4[%swap3A_1679, %swap3A_1680, %swap3A_1681], %swap3A_1684 {strides = array<i32>} : memref<2x112x512xf32, #tpu.memory_space<vmem>>, vector<1x1x16xf32>,
      %swap3A_1685 = arith.constant 0 : i32
      %swap3A_1686 = arith.constant 1 : i32
      %swap3A_1687 = arith.index_cast %swap3A_1685 : i32 to index
      %swap3A_1688 = arith.index_cast %swap3A_1686 : i32 to index
      %swap3A_1689 = arith.constant 112 : index
      %swap3A_1690 = tpu.vector_load %arg4[%swap3A_1687, %swap3A_1688, %swap3A_1689] {strides = array<i32>} : memref<2x112x512xf32, #tpu.memory_space<vmem>>, vector<1x1x16xf32>,
      %swap3A_1691 = vector.shape_cast %swap3A_1690 : vector<1x1x16xf32> to vector<16xf32>
      %swap3A_1692 = vector.shape_cast %broadcast_in_dim3A_1573 : vector<16xf32> to vector<1x1x16xf32>
      tpu.vector_store %arg4[%swap3A_1687, %swap3A_1688, %swap3A_1689], %swap3A_1692 {strides = array<i32>} : memref<2x112x512xf32, #tpu.memory_space<vmem>>, vector<1x1x16xf32>,
      %swap3A_1693 = arith.constant 0 : i32
      %swap3A_1694 = arith.constant 3 : i32
      %swap3A_1695 = arith.index_cast %swap3A_1693 : i32 to index
      %swap3A_1696 = arith.index_cast %swap3A_1694 : i32 to index
      %swap3A_1697 = arith.constant 112 : index
      %swap3A_1698 = tpu.vector_load %arg4[%swap3A_1695, %swap3A_1696, %swap3A_1697] {strides = array<i32>} : memref<2x112x512xf32, #tpu.memory_space<vmem>>, vector<1x1x16xf32>,
      %swap3A_1699 = vector.shape_cast %swap3A_1698 : vector<1x1x16xf32> to vector<16xf32>
      %swap3A_1700 = vector.shape_cast %broadcast_in_dim3A_1573 : vector<16xf32> to vector<1x1x16xf32>
      tpu.vector_store %arg4[%swap3A_1695, %swap3A_1696, %swap3A_1697], %swap3A_1700 {strides = array<i32>} : memref<2x112x512xf32, #tpu.memory_space<vmem>>, vector<1x1x16xf32>,
      %swap3A_1701 = arith.constant 0 : i32
      %swap3A_1702 = arith.constant 1 : i32
      %swap3A_1703 = arith.index_cast %swap3A_1701 : i32 to index
      %swap3A_1704 = arith.index_cast %swap3A_1702 : i32 to index
      %swap3A_1705 = arith.constant 128 : index
      %swap3A_1706 = tpu.vector_load %arg4[%swap3A_1703, %swap3A_1704, %swap3A_1705] {strides = array<i32>} : memref<2x112x512xf32, #tpu.memory_space<vmem>>, vector<1x1x16xf32>,
      %swap3A_1707 = vector.shape_cast %swap3A_1706 : vector<1x1x16xf32> to vector<16xf32>
      %swap3A_1708 = vector.shape_cast %broadcast_in_dim3A_1573 : vector<16xf32> to vector<1x1x16xf32>
      tpu.vector_store %arg4[%swap3A_1703, %swap3A_1704, %swap3A_1705], %swap3A_1708 {strides = array<i32>} : memref<2x112x512xf32, #tpu.memory_space<vmem>>, vector<1x1x16xf32>,
      %swap3A_1709 = arith.constant 0 : i32
      %swap3A_1710 = arith.constant 3 : i32
      %swap3A_1711 = arith.index_cast %swap3A_1709 : i32 to index
      %swap3A_1712 = arith.index_cast %swap3A_1710 : i32 to index
      %swap3A_1713 = arith.constant 128 : index
      %swap3A_1714 = tpu.vector_load %arg4[%swap3A_1711, %swap3A_1712, %swap3A_1713] {strides = array<i32>} : memref<2x112x512xf32, #tpu.memory_space<vmem>>, vector<1x1x16xf32>,
      %swap3A_1715 = vector.shape_cast %swap3A_1714 : vector<1x1x16xf32> to vector<16xf32>
      %swap3A_1716 = vector.shape_cast %broadcast_in_dim3A_1573 : vector<16xf32> to vector<1x1x16xf32>
      tpu.vector_store %arg4[%swap3A_1711, %swap3A_1712, %swap3A_1713], %swap3A_1716 {strides = array<i32>} : memref<2x112x512xf32, #tpu.memory_space<vmem>>, vector<1x1x16xf32>,
      %swap3A_1717 = arith.constant 0 : i32
      %swap3A_1718 = arith.constant 1 : i32
      %swap3A_1719 = arith.index_cast %swap3A_1717 : i32 to index
      %swap3A_1720 = arith.index_cast %swap3A_1718 : i32 to index
      %swap3A_1721 = arith.constant 144 : index
      %swap3A_1722 = tpu.vector_load %arg4[%swap3A_1719, %swap3A_1720, %swap3A_1721] {strides = array<i32>} : memref<2x112x512xf32, #tpu.memory_space<vmem>>, vector<1x1x16xf32>,
      %swap3A_1723 = vector.shape_cast %swap3A_1722 : vector<1x1x16xf32> to vector<16xf32>
      %swap3A_1724 = vector.shape_cast %broadcast_in_dim3A_1573 : vector<16xf32> to vector<1x1x16xf32>
      tpu.vector_store %arg4[%swap3A_1719, %swap3A_1720, %swap3A_1721], %swap3A_1724 {strides = array<i32>} : memref<2x112x512xf32, #tpu.memory_space<vmem>>, vector<1x1x16xf32>,
      %swap3A_1725 = arith.constant 0 : i32
      %swap3A_1726 = arith.constant 3 : i32
      %swap3A_1727 = arith.index_cast %swap3A_1725 : i32 to index
      %swap3A_1728 = arith.index_cast %swap3A_1726 : i32 to index
      %swap3A_1729 = arith.constant 144 : index
      %swap3A_1730 = tpu.vector_load %arg4[%swap3A_1727, %swap3A_1728, %swap3A_1729] {strides = array<i32>} : memref<2x112x512xf32, #tpu.memory_space<vmem>>, vector<1x1x16xf32>,
      %swap3A_1731 = vector.shape_cast %swap3A_1730 : vector<1x1x16xf32> to vector<16xf32>
      %swap3A_1732 = vector.shape_cast %broadcast_in_dim3A_1573 : vector<16xf32> to vector<1x1x16xf32>
      tpu.vector_store %arg4[%swap3A_1727, %swap3A_1728, %swap3A_1729], %swap3A_1732 {strides = array<i32>} : memref<2x112x512xf32, #tpu.memory_space<vmem>>, vector<1x1x16xf32>,
      %swap3A_1733 = arith.constant 0 : i32
      %swap3A_1734 = arith.constant 1 : i32
      %swap3A_1735 = arith.index_cast %swap3A_1733 : i32 to index
      %swap3A_1736 = arith.index_cast %swap3A_1734 : i32 to index
      %swap3A_1737 = arith.constant 160 : index
      %swap3A_1738 = tpu.vector_load %arg4[%swap3A_1735, %swap3A_1736, %swap3A_1737] {strides = array<i32>} : memref<2x112x512xf32, #tpu.memory_space<vmem>>, vector<1x1x16xf32>,
      %swap3A_1739 = vector.shape_cast %swap3A_1738 : vector<1x1x16xf32> to vector<16xf32>
      %swap3A_1740 = vector.shape_cast %broadcast_in_dim3A_1573 : vector<16xf32> to vector<1x1x16xf32>
      tpu.vector_store %arg4[%swap3A_1735, %swap3A_1736, %swap3A_1737], %swap3A_1740 {strides = array<i32>} : memref<2x112x512xf32, #tpu.memory_space<vmem>>, vector<1x1x16xf32>,
      %swap3A_1741 = arith.constant 0 : i32
      %swap3A_1742 = arith.constant 3 : i32
      %swap3A_1743 = arith.index_cast %swap3A_1741 : i32 to index
      %swap3A_1744 = arith.index_cast %swap3A_1742 : i32 to index
      %swap3A_1745 = arith.constant 160 : index
      %swap3A_1746 = tpu.vector_load %arg4[%swap3A_1743, %swap3A_1744, %swap3A_1745] {strides = array<i32>} : memref<2x112x512xf32, #tpu.memory_space<vmem>>, vector<1x1x16xf32>,
      %swap3A_1747 = vector.shape_cast %swap3A_1746 : vector<1x1x16xf32> to vector<16xf32>
      %swap3A_1748 = vector.shape_cast %broadcast_in_dim3A_1573 : vector<16xf32> to vector<1x1x16xf32>
      tpu.vector_store %arg4[%swap3A_1743, %swap3A_1744, %swap3A_1745], %swap3A_1748 {strides = array<i32>} : memref<2x112x512xf32, #tpu.memory_space<vmem>>, vector<1x1x16xf32>,
      %swap3A_1749 = arith.constant 0 : i32
      %swap3A_1750 = arith.constant 1 : i32
      %swap3A_1751 = arith.index_cast %swap3A_1749 : i32 to index
      %swap3A_1752 = arith.index_cast %swap3A_1750 : i32 to index
      %swap3A_1753 = arith.constant 176 : index
      %swap3A_1754 = tpu.vector_load %arg4[%swap3A_1751, %swap3A_1752, %swap3A_1753] {strides = array<i32>} : memref<2x112x512xf32, #tpu.memory_space<vmem>>, vector<1x1x16xf32>,
      %swap3A_1755 = vector.shape_cast %swap3A_1754 : vector<1x1x16xf32> to vector<16xf32>
      %swap3A_1756 = vector.shape_cast %broadcast_in_dim3A_1573 : vector<16xf32> to vector<1x1x16xf32>
      tpu.vector_store %arg4[%swap3A_1751, %swap3A_1752, %swap3A_1753], %swap3A_1756 {strides = array<i32>} : memref<2x112x512xf32, #tpu.memory_space<vmem>>, vector<1x1x16xf32>,
      %swap3A_1757 = arith.constant 0 : i32
      %swap3A_1758 = arith.constant 3 : i32
      %swap3A_1759 = arith.index_cast %swap3A_1757 : i32 to index
      %swap3A_1760 = arith.index_cast %swap3A_1758 : i32 to index
      %swap3A_1761 = arith.constant 176 : index
      %swap3A_1762 = tpu.vector_load %arg4[%swap3A_1759, %swap3A_1760, %swap3A_1761] {strides = array<i32>} : memref<2x112x512xf32, #tpu.memory_space<vmem>>, vector<1x1x16xf32>,
      %swap3A_1763 = vector.shape_cast %swap3A_1762 : vector<1x1x16xf32> to vector<16xf32>
      %swap3A_1764 = vector.shape_cast %broadcast_in_dim3A_1573 : vector<16xf32> to vector<1x1x16xf32>
      tpu.vector_store %arg4[%swap3A_1759, %swap3A_1760, %swap3A_1761], %swap3A_1764 {strides = array<i32>} : memref<2x112x512xf32, #tpu.memory_space<vmem>>, vector<1x1x16xf32>,
      %swap3A_1765 = arith.constant 0 : i32
      %swap3A_1766 = arith.constant 1 : i32
      %swap3A_1767 = arith.index_cast %swap3A_1765 : i32 to index
      %swap3A_1768 = arith.index_cast %swap3A_1766 : i32 to index
      %swap3A_1769 = arith.constant 192 : index
      %swap3A_1770 = tpu.vector_load %arg4[%swap3A_1767, %swap3A_1768, %swap3A_1769] {strides = array<i32>} : memref<2x112x512xf32, #tpu.memory_space<vmem>>, vector<1x1x16xf32>,
      %swap3A_1771 = vector.shape_cast %swap3A_1770 : vector<1x1x16xf32> to vector<16xf32>
      %swap3A_1772 = vector.shape_cast %broadcast_in_dim3A_1573 : vector<16xf32> to vector<1x1x16xf32>
      tpu.vector_store %arg4[%swap3A_1767, %swap3A_1768, %swap3A_1769], %swap3A_1772 {strides = array<i32>} : memref<2x112x512xf32, #tpu.memory_space<vmem>>, vector<1x1x16xf32>,
      %swap3A_1773 = arith.constant 0 : i32
      %swap3A_1774 = arith.constant 3 : i32
      %swap3A_1775 = arith.index_cast %swap3A_1773 : i32 to index
      %swap3A_1776 = arith.index_cast %swap3A_1774 : i32 to index
      %swap3A_1777 = arith.constant 192 : index
      %swap3A_1778 = tpu.vector_load %arg4[%swap3A_1775, %swap3A_1776, %swap3A_1777] {strides = array<i32>} : memref<2x112x512xf32, #tpu.memory_space<vmem>>, vector<1x1x16xf32>,
      %swap3A_1779 = vector.shape_cast %swap3A_1778 : vector<1x1x16xf32> to vector<16xf32>
      %swap3A_1780 = vector.shape_cast %broadcast_in_dim3A_1573 : vector<16xf32> to vector<1x1x16xf32>
      tpu.vector_store %arg4[%swap3A_1775, %swap3A_1776, %swap3A_1777], %swap3A_1780 {strides = array<i32>} : memref<2x112x512xf32, #tpu.memory_space<vmem>>, vector<1x1x16xf32>,
      %swap3A_1781 = arith.constant 0 : i32
      %swap3A_1782 = arith.constant 1 : i32
      %swap3A_1783 = arith.index_cast %swap3A_1781 : i32 to index
      %swap3A_1784 = arith.index_cast %swap3A_1782 : i32 to index
      %swap3A_1785 = arith.constant 208 : index
      %swap3A_1786 = tpu.vector_load %arg4[%swap3A_1783, %swap3A_1784, %swap3A_1785] {strides = array<i32>} : memref<2x112x512xf32, #tpu.memory_space<vmem>>, vector<1x1x16xf32>,
      %swap3A_1787 = vector.shape_cast %swap3A_1786 : vector<1x1x16xf32> to vector<16xf32>
      %swap3A_1788 = vector.shape_cast %broadcast_in_dim3A_1573 : vector<16xf32> to vector<1x1x16xf32>
      tpu.vector_store %arg4[%swap3A_1783, %swap3A_1784, %swap3A_1785], %swap3A_1788 {strides = array<i32>} : memref<2x112x512xf32, #tpu.memory_space<vmem>>, vector<1x1x16xf32>,
      %swap3A_1789 = arith.constant 0 : i32
      %swap3A_1790 = arith.constant 3 : i32
      %swap3A_1791 = arith.index_cast %swap3A_1789 : i32 to index
      %swap3A_1792 = arith.index_cast %swap3A_1790 : i32 to index
      %swap3A_1793 = arith.constant 208 : index
      %swap3A_1794 = tpu.vector_load %arg4[%swap3A_1791, %swap3A_1792, %swap3A_1793] {strides = array<i32>} : memref<2x112x512xf32, #tpu.memory_space<vmem>>, vector<1x1x16xf32>,
      %swap3A_1795 = vector.shape_cast %swap3A_1794 : vector<1x1x16xf32> to vector<16xf32>
      %swap3A_1796 = vector.shape_cast %broadcast_in_dim3A_1573 : vector<16xf32> to vector<1x1x16xf32>
      tpu.vector_store %arg4[%swap3A_1791, %swap3A_1792, %swap3A_1793], %swap3A_1796 {strides = array<i32>} : memref<2x112x512xf32, #tpu.memory_space<vmem>>, vector<1x1x16xf32>,
      %swap3A_1797 = arith.constant 0 : i32
      %swap3A_1798 = arith.constant 1 : i32
      %swap3A_1799 = arith.index_cast %swap3A_1797 : i32 to index
      %swap3A_1800 = arith.index_cast %swap3A_1798 : i32 to index
      %swap3A_1801 = arith.constant 224 : index
      %swap3A_1802 = tpu.vector_load %arg4[%swap3A_1799, %swap3A_1800, %swap3A_1801] {strides = array<i32>} : memref<2x112x512xf32, #tpu.memory_space<vmem>>, vector<1x1x16xf32>,
      %swap3A_1803 = vector.shape_cast %swap3A_1802 : vector<1x1x16xf32> to vector<16xf32>
      %swap3A_1804 = vector.shape_cast %broadcast_in_dim3A_1573 : vector<16xf32> to vector<1x1x16xf32>
      tpu.vector_store %arg4[%swap3A_1799, %swap3A_1800, %swap3A_1801], %swap3A_1804 {strides = array<i32>} : memref<2x112x512xf32, #tpu.memory_space<vmem>>, vector<1x1x16xf32>,
      %swap3A_1805 = arith.constant 0 : i32
      %swap3A_1806 = arith.constant 3 : i32
      %swap3A_1807 = arith.index_cast %swap3A_1805 : i32 to index
      %swap3A_1808 = arith.index_cast %swap3A_1806 : i32 to index
      %swap3A_1809 = arith.constant 224 : index
      %swap3A_1810 = tpu.vector_load %arg4[%swap3A_1807, %swap3A_1808, %swap3A_1809] {strides = array<i32>} : memref<2x112x512xf32, #tpu.memory_space<vmem>>, vector<1x1x16xf32>,
      %swap3A_1811 = vector.shape_cast %swap3A_1810 : vector<1x1x16xf32> to vector<16xf32>
      %swap3A_1812 = vector.shape_cast %broadcast_in_dim3A_1573 : vector<16xf32> to vector<1x1x16xf32>
      tpu.vector_store %arg4[%swap3A_1807, %swap3A_1808, %swap3A_1809], %swap3A_1812 {strides = array<i32>} : memref<2x112x512xf32, #tpu.memory_space<vmem>>, vector<1x1x16xf32>,
      %swap3A_1813 = arith.constant 0 : i32
      %swap3A_1814 = arith.constant 1 : i32
      %swap3A_1815 = arith.index_cast %swap3A_1813 : i32 to index
      %swap3A_1816 = arith.index_cast %swap3A_1814 : i32 to index
      %swap3A_1817 = arith.constant 240 : index
      %swap3A_1818 = tpu.vector_load %arg4[%swap3A_1815, %swap3A_1816, %swap3A_1817] {strides = array<i32>} : memref<2x112x512xf32, #tpu.memory_space<vmem>>, vector<1x1x16xf32>,
      %swap3A_1819 = vector.shape_cast %swap3A_1818 : vector<1x1x16xf32> to vector<16xf32>
      %swap3A_1820 = vector.shape_cast %broadcast_in_dim3A_1573 : vector<16xf32> to vector<1x1x16xf32>
      tpu.vector_store %arg4[%swap3A_1815, %swap3A_1816, %swap3A_1817], %swap3A_1820 {strides = array<i32>} : memref<2x112x512xf32, #tpu.memory_space<vmem>>, vector<1x1x16xf32>,
      %swap3A_1821 = arith.constant 0 : i32
      %swap3A_1822 = arith.constant 3 : i32
      %swap3A_1823 = arith.index_cast %swap3A_1821 : i32 to index
      %swap3A_1824 = arith.index_cast %swap3A_1822 : i32 to index
      %swap3A_1825 = arith.constant 240 : index
      %swap3A_1826 = tpu.vector_load %arg4[%swap3A_1823, %swap3A_1824, %swap3A_1825] {strides = array<i32>} : memref<2x112x512xf32, #tpu.memory_space<vmem>>, vector<1x1x16xf32>,
      %swap3A_1827 = vector.shape_cast %swap3A_1826 : vector<1x1x16xf32> to vector<16xf32>
      %swap3A_1828 = vector.shape_cast %broadcast_in_dim3A_1573 : vector<16xf32> to vector<1x1x16xf32>
      tpu.vector_store %arg4[%swap3A_1823, %swap3A_1824, %swap3A_1825], %swap3A_1828 {strides = array<i32>} : memref<2x112x512xf32, #tpu.memory_space<vmem>>, vector<1x1x16xf32>,
      %swap3A_1829 = arith.constant 0 : i32
      %swap3A_1830 = arith.constant 1 : i32
      %swap3A_1831 = arith.index_cast %swap3A_1829 : i32 to index
      %swap3A_1832 = arith.index_cast %swap3A_1830 : i32 to index
      %swap3A_1833 = arith.constant 256 : index
      %swap3A_1834 = tpu.vector_load %arg4[%swap3A_1831, %swap3A_1832, %swap3A_1833] {strides = array<i32>} : memref<2x112x512xf32, #tpu.memory_space<vmem>>, vector<1x1x16xf32>,
      %swap3A_1835 = vector.shape_cast %swap3A_1834 : vector<1x1x16xf32> to vector<16xf32>
      %swap3A_1836 = vector.shape_cast %broadcast_in_dim3A_1573 : vector<16xf32> to vector<1x1x16xf32>
      tpu.vector_store %arg4[%swap3A_1831, %swap3A_1832, %swap3A_1833], %swap3A_1836 {strides = array<i32>} : memref<2x112x512xf32, #tpu.memory_space<vmem>>, vector<1x1x16xf32>,
      %swap3A_1837 = arith.constant 0 : i32
      %swap3A_1838 = arith.constant 3 : i32
      %swap3A_1839 = arith.index_cast %swap3A_1837 : i32 to index
      %swap3A_1840 = arith.index_cast %swap3A_1838 : i32 to index
      %swap3A_1841 = arith.constant 256 : index
      %swap3A_1842 = tpu.vector_load %arg4[%swap3A_1839, %swap3A_1840, %swap3A_1841] {strides = array<i32>} : memref<2x112x512xf32, #tpu.memory_space<vmem>>, vector<1x1x16xf32>,
      %swap3A_1843 = vector.shape_cast %swap3A_1842 : vector<1x1x16xf32> to vector<16xf32>
      %swap3A_1844 = vector.shape_cast %broadcast_in_dim3A_1573 : vector<16xf32> to vector<1x1x16xf32>
      tpu.vector_store %arg4[%swap3A_1839, %swap3A_1840, %swap3A_1841], %swap3A_1844 {strides = array<i32>} : memref<2x112x512xf32, #tpu.memory_space<vmem>>, vector<1x1x16xf32>,
      %swap3A_1845 = arith.constant 0 : i32
      %swap3A_1846 = arith.constant 1 : i32
      %swap3A_1847 = arith.index_cast %swap3A_1845 : i32 to index
      %swap3A_1848 = arith.index_cast %swap3A_1846 : i32 to index
      %swap3A_1849 = arith.constant 272 : index
      %swap3A_1850 = tpu.vector_load %arg4[%swap3A_1847, %swap3A_1848, %swap3A_1849] {strides = array<i32>} : memref<2x112x512xf32, #tpu.memory_space<vmem>>, vector<1x1x16xf32>,
      %swap3A_1851 = vector.shape_cast %swap3A_1850 : vector<1x1x16xf32> to vector<16xf32>
      %swap3A_1852 = vector.shape_cast %broadcast_in_dim3A_1573 : vector<16xf32> to vector<1x1x16xf32>
      tpu.vector_store %arg4[%swap3A_1847, %swap3A_1848, %swap3A_1849], %swap3A_1852 {strides = array<i32>} : memref<2x112x512xf32, #tpu.memory_space<vmem>>, vector<1x1x16xf32>,
      %swap3A_1853 = arith.constant 0 : i32
      %swap3A_1854 = arith.constant 3 : i32
      %swap3A_1855 = arith.index_cast %swap3A_1853 : i32 to index
      %swap3A_1856 = arith.index_cast %swap3A_1854 : i32 to index
      %swap3A_1857 = arith.constant 272 : index
      %swap3A_1858 = tpu.vector_load %arg4[%swap3A_1855, %swap3A_1856, %swap3A_1857] {strides = array<i32>} : memref<2x112x512xf32, #tpu.memory_space<vmem>>, vector<1x1x16xf32>,
      %swap3A_1859 = vector.shape_cast %swap3A_1858 : vector<1x1x16xf32> to vector<16xf32>
      %swap3A_1860 = vector.shape_cast %broadcast_in_dim3A_1573 : vector<16xf32> to vector<1x1x16xf32>
      tpu.vector_store %arg4[%swap3A_1855, %swap3A_1856, %swap3A_1857], %swap3A_1860 {strides = array<i32>} : memref<2x112x512xf32, #tpu.memory_space<vmem>>, vector<1x1x16xf32>,
      %swap3A_1861 = arith.constant 0 : i32
      %swap3A_1862 = arith.constant 1 : i32
      %swap3A_1863 = arith.index_cast %swap3A_1861 : i32 to index
      %swap3A_1864 = arith.index_cast %swap3A_1862 : i32 to index
      %swap3A_1865 = arith.constant 288 : index
      %swap3A_1866 = tpu.vector_load %arg4[%swap3A_1863, %swap3A_1864, %swap3A_1865] {strides = array<i32>} : memref<2x112x512xf32, #tpu.memory_space<vmem>>, vector<1x1x16xf32>,
      %swap3A_1867 = vector.shape_cast %swap3A_1866 : vector<1x1x16xf32> to vector<16xf32>
      %swap3A_1868 = vector.shape_cast %broadcast_in_dim3A_1573 : vector<16xf32> to vector<1x1x16xf32>
      tpu.vector_store %arg4[%swap3A_1863, %swap3A_1864, %swap3A_1865], %swap3A_1868 {strides = array<i32>} : memref<2x112x512xf32, #tpu.memory_space<vmem>>, vector<1x1x16xf32>,
      %swap3A_1869 = arith.constant 0 : i32
      %swap3A_1870 = arith.constant 3 : i32
      %swap3A_1871 = arith.index_cast %swap3A_1869 : i32 to index
      %swap3A_1872 = arith.index_cast %swap3A_1870 : i32 to index
      %swap3A_1873 = arith.constant 288 : index
      %swap3A_1874 = tpu.vector_load %arg4[%swap3A_1871, %swap3A_1872, %swap3A_1873] {strides = array<i32>} : memref<2x112x512xf32, #tpu.memory_space<vmem>>, vector<1x1x16xf32>,
      %swap3A_1875 = vector.shape_cast %swap3A_1874 : vector<1x1x16xf32> to vector<16xf32>
      %swap3A_1876 = vector.shape_cast %broadcast_in_dim3A_1573 : vector<16xf32> to vector<1x1x16xf32>
      tpu.vector_store %arg4[%swap3A_1871, %swap3A_1872, %swap3A_1873], %swap3A_1876 {strides = array<i32>} : memref<2x112x512xf32, #tpu.memory_space<vmem>>, vector<1x1x16xf32>,
      %swap3A_1877 = arith.constant 0 : i32
      %swap3A_1878 = arith.constant 1 : i32
      %swap3A_1879 = arith.index_cast %swap3A_1877 : i32 to index
      %swap3A_1880 = arith.index_cast %swap3A_1878 : i32 to index
      %swap3A_1881 = arith.constant 304 : index
      %swap3A_1882 = tpu.vector_load %arg4[%swap3A_1879, %swap3A_1880, %swap3A_1881] {strides = array<i32>} : memref<2x112x512xf32, #tpu.memory_space<vmem>>, vector<1x1x16xf32>,
      %swap3A_1883 = vector.shape_cast %swap3A_1882 : vector<1x1x16xf32> to vector<16xf32>
      %swap3A_1884 = vector.shape_cast %broadcast_in_dim3A_1573 : vector<16xf32> to vector<1x1x16xf32>
      tpu.vector_store %arg4[%swap3A_1879, %swap3A_1880, %swap3A_1881], %swap3A_1884 {strides = array<i32>} : memref<2x112x512xf32, #tpu.memory_space<vmem>>, vector<1x1x16xf32>,
      %swap3A_1885 = arith.constant 0 : i32
      %swap3A_1886 = arith.constant 3 : i32
      %swap3A_1887 = arith.index_cast %swap3A_1885 : i32 to index
      %swap3A_1888 = arith.index_cast %swap3A_1886 : i32 to index
      %swap3A_1889 = arith.constant 304 : index
      %swap3A_1890 = tpu.vector_load %arg4[%swap3A_1887, %swap3A_1888, %swap3A_1889] {strides = array<i32>} : memref<2x112x512xf32, #tpu.memory_space<vmem>>, vector<1x1x16xf32>,
      %swap3A_1891 = vector.shape_cast %swap3A_1890 : vector<1x1x16xf32> to vector<16xf32>
      %swap3A_1892 = vector.shape_cast %broadcast_in_dim3A_1573 : vector<16xf32> to vector<1x1x16xf32>
      tpu.vector_store %arg4[%swap3A_1887, %swap3A_1888, %swap3A_1889], %swap3A_1892 {strides = array<i32>} : memref<2x112x512xf32, #tpu.memory_space<vmem>>, vector<1x1x16xf32>,
      %swap3A_1893 = arith.constant 0 : i32
      %swap3A_1894 = arith.constant 1 : i32
      %swap3A_1895 = arith.index_cast %swap3A_1893 : i32 to index
      %swap3A_1896 = arith.index_cast %swap3A_1894 : i32 to index
      %swap3A_1897 = arith.constant 320 : index
      %swap3A_1898 = tpu.vector_load %arg4[%swap3A_1895, %swap3A_1896, %swap3A_1897] {strides = array<i32>} : memref<2x112x512xf32, #tpu.memory_space<vmem>>, vector<1x1x16xf32>,
      %swap3A_1899 = vector.shape_cast %swap3A_1898 : vector<1x1x16xf32> to vector<16xf32>
      %swap3A_1900 = vector.shape_cast %broadcast_in_dim3A_1573 : vector<16xf32> to vector<1x1x16xf32>
      tpu.vector_store %arg4[%swap3A_1895, %swap3A_1896, %swap3A_1897], %swap3A_1900 {strides = array<i32>} : memref<2x112x512xf32, #tpu.memory_space<vmem>>, vector<1x1x16xf32>,
      %swap3A_1901 = arith.constant 0 : i32
      %swap3A_1902 = arith.constant 3 : i32
      %swap3A_1903 = arith.index_cast %swap3A_1901 : i32 to index
      %swap3A_1904 = arith.index_cast %swap3A_1902 : i32 to index
      %swap3A_1905 = arith.constant 320 : index
      %swap3A_1906 = tpu.vector_load %arg4[%swap3A_1903, %swap3A_1904, %swap3A_1905] {strides = array<i32>} : memref<2x112x512xf32, #tpu.memory_space<vmem>>, vector<1x1x16xf32>,
      %swap3A_1907 = vector.shape_cast %swap3A_1906 : vector<1x1x16xf32> to vector<16xf32>
      %swap3A_1908 = vector.shape_cast %broadcast_in_dim3A_1573 : vector<16xf32> to vector<1x1x16xf32>
      tpu.vector_store %arg4[%swap3A_1903, %swap3A_1904, %swap3A_1905], %swap3A_1908 {strides = array<i32>} : memref<2x112x512xf32, #tpu.memory_space<vmem>>, vector<1x1x16xf32>,
      %swap3A_1909 = arith.constant 0 : i32
      %swap3A_1910 = arith.constant 1 : i32
      %swap3A_1911 = arith.index_cast %swap3A_1909 : i32 to index
      %swap3A_1912 = arith.index_cast %swap3A_1910 : i32 to index
      %swap3A_1913 = arith.constant 336 : index
      %swap3A_1914 = tpu.vector_load %arg4[%swap3A_1911, %swap3A_1912, %swap3A_1913] {strides = array<i32>} : memref<2x112x512xf32, #tpu.memory_space<vmem>>, vector<1x1x16xf32>,
      %swap3A_1915 = vector.shape_cast %swap3A_1914 : vector<1x1x16xf32> to vector<16xf32>
      %swap3A_1916 = vector.shape_cast %broadcast_in_dim3A_1573 : vector<16xf32> to vector<1x1x16xf32>
      tpu.vector_store %arg4[%swap3A_1911, %swap3A_1912, %swap3A_1913], %swap3A_1916 {strides = array<i32>} : memref<2x112x512xf32, #tpu.memory_space<vmem>>, vector<1x1x16xf32>,
      %swap3A_1917 = arith.constant 0 : i32
      %swap3A_1918 = arith.constant 3 : i32
      %swap3A_1919 = arith.index_cast %swap3A_1917 : i32 to index
      %swap3A_1920 = arith.index_cast %swap3A_1918 : i32 to index
      %swap3A_1921 = arith.constant 336 : index
      %swap3A_1922 = tpu.vector_load %arg4[%swap3A_1919, %swap3A_1920, %swap3A_1921] {strides = array<i32>} : memref<2x112x512xf32, #tpu.memory_space<vmem>>, vector<1x1x16xf32>,
      %swap3A_1923 = vector.shape_cast %swap3A_1922 : vector<1x1x16xf32> to vector<16xf32>
      %swap3A_1924 = vector.shape_cast %broadcast_in_dim3A_1573 : vector<16xf32> to vector<1x1x16xf32>
      tpu.vector_store %arg4[%swap3A_1919, %swap3A_1920, %swap3A_1921], %swap3A_1924 {strides = array<i32>} : memref<2x112x512xf32, #tpu.memory_space<vmem>>, vector<1x1x16xf32>,
      %swap3A_1925 = arith.constant 0 : i32
      %swap3A_1926 = arith.constant 1 : i32
      %swap3A_1927 = arith.index_cast %swap3A_1925 : i32 to index
      %swap3A_1928 = arith.index_cast %swap3A_1926 : i32 to index
      %swap3A_1929 = arith.constant 352 : index
      %swap3A_1930 = tpu.vector_load %arg4[%swap3A_1927, %swap3A_1928, %swap3A_1929] {strides = array<i32>} : memref<2x112x512xf32, #tpu.memory_space<vmem>>, vector<1x1x16xf32>,
      %swap3A_1931 = vector.shape_cast %swap3A_1930 : vector<1x1x16xf32> to vector<16xf32>
      %swap3A_1932 = vector.shape_cast %broadcast_in_dim3A_1573 : vector<16xf32> to vector<1x1x16xf32>
      tpu.vector_store %arg4[%swap3A_1927, %swap3A_1928, %swap3A_1929], %swap3A_1932 {strides = array<i32>} : memref<2x112x512xf32, #tpu.memory_space<vmem>>, vector<1x1x16xf32>,
      %swap3A_1933 = arith.constant 0 : i32
      %swap3A_1934 = arith.constant 3 : i32
      %swap3A_1935 = arith.index_cast %swap3A_1933 : i32 to index
      %swap3A_1936 = arith.index_cast %swap3A_1934 : i32 to index
      %swap3A_1937 = arith.constant 352 : index
      %swap3A_1938 = tpu.vector_load %arg4[%swap3A_1935, %swap3A_1936, %swap3A_1937] {strides = array<i32>} : memref<2x112x512xf32, #tpu.memory_space<vmem>>, vector<1x1x16xf32>,
      %swap3A_1939 = vector.shape_cast %swap3A_1938 : vector<1x1x16xf32> to vector<16xf32>
      %swap3A_1940 = vector.shape_cast %broadcast_in_dim3A_1573 : vector<16xf32> to vector<1x1x16xf32>
      tpu.vector_store %arg4[%swap3A_1935, %swap3A_1936, %swap3A_1937], %swap3A_1940 {strides = array<i32>} : memref<2x112x512xf32, #tpu.memory_space<vmem>>, vector<1x1x16xf32>,
      %swap3A_1941 = arith.constant 0 : i32
      %swap3A_1942 = arith.constant 1 : i32
      %swap3A_1943 = arith.index_cast %swap3A_1941 : i32 to index
      %swap3A_1944 = arith.index_cast %swap3A_1942 : i32 to index
      %swap3A_1945 = arith.constant 368 : index
      %swap3A_1946 = tpu.vector_load %arg4[%swap3A_1943, %swap3A_1944, %swap3A_1945] {strides = array<i32>} : memref<2x112x512xf32, #tpu.memory_space<vmem>>, vector<1x1x16xf32>,
      %swap3A_1947 = vector.shape_cast %swap3A_1946 : vector<1x1x16xf32> to vector<16xf32>
      %swap3A_1948 = vector.shape_cast %broadcast_in_dim3A_1573 : vector<16xf32> to vector<1x1x16xf32>
      tpu.vector_store %arg4[%swap3A_1943, %swap3A_1944, %swap3A_1945], %swap3A_1948 {strides = array<i32>} : memref<2x112x512xf32, #tpu.memory_space<vmem>>, vector<1x1x16xf32>,
      %swap3A_1949 = arith.constant 0 : i32
      %swap3A_1950 = arith.constant 3 : i32
      %swap3A_1951 = arith.index_cast %swap3A_1949 : i32 to index
      %swap3A_1952 = arith.index_cast %swap3A_1950 : i32 to index
      %swap3A_1953 = arith.constant 368 : index
      %swap3A_1954 = tpu.vector_load %arg4[%swap3A_1951, %swap3A_1952, %swap3A_1953] {strides = array<i32>} : memref<2x112x512xf32, #tpu.memory_space<vmem>>, vector<1x1x16xf32>,
      %swap3A_1955 = vector.shape_cast %swap3A_1954 : vector<1x1x16xf32> to vector<16xf32>
      %swap3A_1956 = vector.shape_cast %broadcast_in_dim3A_1573 : vector<16xf32> to vector<1x1x16xf32>
      tpu.vector_store %arg4[%swap3A_1951, %swap3A_1952, %swap3A_1953], %swap3A_1956 {strides = array<i32>} : memref<2x112x512xf32, #tpu.memory_space<vmem>>, vector<1x1x16xf32>,
      %swap3A_1957 = arith.constant 0 : i32
      %swap3A_1958 = arith.constant 1 : i32
      %swap3A_1959 = arith.index_cast %swap3A_1957 : i32 to index
      %swap3A_1960 = arith.index_cast %swap3A_1958 : i32 to index
      %swap3A_1961 = arith.constant 384 : index
      %swap3A_1962 = tpu.vector_load %arg4[%swap3A_1959, %swap3A_1960, %swap3A_1961] {strides = array<i32>} : memref<2x112x512xf32, #tpu.memory_space<vmem>>, vector<1x1x16xf32>,
      %swap3A_1963 = vector.shape_cast %swap3A_1962 : vector<1x1x16xf32> to vector<16xf32>
      %swap3A_1964 = vector.shape_cast %broadcast_in_dim3A_1573 : vector<16xf32> to vector<1x1x16xf32>
      tpu.vector_store %arg4[%swap3A_1959, %swap3A_1960, %swap3A_1961], %swap3A_1964 {strides = array<i32>} : memref<2x112x512xf32, #tpu.memory_space<vmem>>, vector<1x1x16xf32>,
      %swap3A_1965 = arith.constant 0 : i32
      %swap3A_1966 = arith.constant 3 : i32
      %swap3A_1967 = arith.index_cast %swap3A_1965 : i32 to index
      %swap3A_1968 = arith.index_cast %swap3A_1966 : i32 to index
      %swap3A_1969 = arith.constant 384 : index
      %swap3A_1970 = tpu.vector_load %arg4[%swap3A_1967, %swap3A_1968, %swap3A_1969] {strides = array<i32>} : memref<2x112x512xf32, #tpu.memory_space<vmem>>, vector<1x1x16xf32>,
      %swap3A_1971 = vector.shape_cast %swap3A_1970 : vector<1x1x16xf32> to vector<16xf32>
      %swap3A_1972 = vector.shape_cast %broadcast_in_dim3A_1573 : vector<16xf32> to vector<1x1x16xf32>
      tpu.vector_store %arg4[%swap3A_1967, %swap3A_1968, %swap3A_1969], %swap3A_1972 {strides = array<i32>} : memref<2x112x512xf32, #tpu.memory_space<vmem>>, vector<1x1x16xf32>,
      %swap3A_1973 = arith.constant 0 : i32
      %swap3A_1974 = arith.constant 1 : i32
      %swap3A_1975 = arith.index_cast %swap3A_1973 : i32 to index
      %swap3A_1976 = arith.index_cast %swap3A_1974 : i32 to index
      %swap3A_1977 = arith.constant 400 : index
      %swap3A_1978 = tpu.vector_load %arg4[%swap3A_1975, %swap3A_1976, %swap3A_1977] {strides = array<i32>} : memref<2x112x512xf32, #tpu.memory_space<vmem>>, vector<1x1x16xf32>,
      %swap3A_1979 = vector.shape_cast %swap3A_1978 : vector<1x1x16xf32> to vector<16xf32>
      %swap3A_1980 = vector.shape_cast %broadcast_in_dim3A_1573 : vector<16xf32> to vector<1x1x16xf32>
      tpu.vector_store %arg4[%swap3A_1975, %swap3A_1976, %swap3A_1977], %swap3A_1980 {strides = array<i32>} : memref<2x112x512xf32, #tpu.memory_space<vmem>>, vector<1x1x16xf32>,
      %swap3A_1981 = arith.constant 0 : i32
      %swap3A_1982 = arith.constant 3 : i32
      %swap3A_1983 = arith.index_cast %swap3A_1981 : i32 to index
      %swap3A_1984 = arith.index_cast %swap3A_1982 : i32 to index
      %swap3A_1985 = arith.constant 400 : index
      %swap3A_1986 = tpu.vector_load %arg4[%swap3A_1983, %swap3A_1984, %swap3A_1985] {strides = array<i32>} : memref<2x112x512xf32, #tpu.memory_space<vmem>>, vector<1x1x16xf32>,
      %swap3A_1987 = vector.shape_cast %swap3A_1986 : vector<1x1x16xf32> to vector<16xf32>
      %swap3A_1988 = vector.shape_cast %broadcast_in_dim3A_1573 : vector<16xf32> to vector<1x1x16xf32>
      tpu.vector_store %arg4[%swap3A_1983, %swap3A_1984, %swap3A_1985], %swap3A_1988 {strides = array<i32>} : memref<2x112x512xf32, #tpu.memory_space<vmem>>, vector<1x1x16xf32>,
      %swap3A_1989 = arith.constant 0 : i32
      %swap3A_1990 = arith.constant 1 : i32
      %swap3A_1991 = arith.index_cast %swap3A_1989 : i32 to index
      %swap3A_1992 = arith.index_cast %swap3A_1990 : i32 to index
      %swap3A_1993 = arith.constant 416 : index
      %swap3A_1994 = tpu.vector_load %arg4[%swap3A_1991, %swap3A_1992, %swap3A_1993] {strides = array<i32>} : memref<2x112x512xf32, #tpu.memory_space<vmem>>, vector<1x1x16xf32>,
      %swap3A_1995 = vector.shape_cast %swap3A_1994 : vector<1x1x16xf32> to vector<16xf32>
      %swap3A_1996 = vector.shape_cast %broadcast_in_dim3A_1573 : vector<16xf32> to vector<1x1x16xf32>
      tpu.vector_store %arg4[%swap3A_1991, %swap3A_1992, %swap3A_1993], %swap3A_1996 {strides = array<i32>} : memref<2x112x512xf32, #tpu.memory_space<vmem>>, vector<1x1x16xf32>,
      %swap3A_1997 = arith.constant 0 : i32
      %swap3A_1998 = arith.constant 3 : i32
      %swap3A_1999 = arith.index_cast %swap3A_1997 : i32 to index
      %swap3A_2000 = arith.index_cast %swap3A_1998 : i32 to index
      %swap3A_2001 = arith.constant 416 : index
      %swap3A_2002 = tpu.vector_load %arg4[%swap3A_1999, %swap3A_2000, %swap3A_2001] {strides = array<i32>} : memref<2x112x512xf32, #tpu.memory_space<vmem>>, vector<1x1x16xf32>,
      %swap3A_2003 = vector.shape_cast %swap3A_2002 : vector<1x1x16xf32> to vector<16xf32>
      %swap3A_2004 = vector.shape_cast %broadcast_in_dim3A_1573 : vector<16xf32> to vector<1x1x16xf32>
      tpu.vector_store %arg4[%swap3A_1999, %swap3A_2000, %swap3A_2001], %swap3A_2004 {strides = array<i32>} : memref<2x112x512xf32, #tpu.memory_space<vmem>>, vector<1x1x16xf32>,
      %swap3A_2005 = arith.constant 0 : i32
      %swap3A_2006 = arith.constant 1 : i32
      %swap3A_2007 = arith.index_cast %swap3A_2005 : i32 to index
      %swap3A_2008 = arith.index_cast %swap3A_2006 : i32 to index
      %swap3A_2009 = arith.constant 432 : index
      %swap3A_2010 = tpu.vector_load %arg4[%swap3A_2007, %swap3A_2008, %swap3A_2009] {strides = array<i32>} : memref<2x112x512xf32, #tpu.memory_space<vmem>>, vector<1x1x16xf32>,
      %swap3A_2011 = vector.shape_cast %swap3A_2010 : vector<1x1x16xf32> to vector<16xf32>
      %swap3A_2012 = vector.shape_cast %broadcast_in_dim3A_1573 : vector<16xf32> to vector<1x1x16xf32>
      tpu.vector_store %arg4[%swap3A_2007, %swap3A_2008, %swap3A_2009], %swap3A_2012 {strides = array<i32>} : memref<2x112x512xf32, #tpu.memory_space<vmem>>, vector<1x1x16xf32>,
      %swap3A_2013 = arith.constant 0 : i32
      %swap3A_2014 = arith.constant 3 : i32
      %swap3A_2015 = arith.index_cast %swap3A_2013 : i32 to index
      %swap3A_2016 = arith.index_cast %swap3A_2014 : i32 to index
      %swap3A_2017 = arith.constant 432 : index
      %swap3A_2018 = tpu.vector_load %arg4[%swap3A_2015, %swap3A_2016, %swap3A_2017] {strides = array<i32>} : memref<2x112x512xf32, #tpu.memory_space<vmem>>, vector<1x1x16xf32>,
      %swap3A_2019 = vector.shape_cast %swap3A_2018 : vector<1x1x16xf32> to vector<16xf32>
      %swap3A_2020 = vector.shape_cast %broadcast_in_dim3A_1573 : vector<16xf32> to vector<1x1x16xf32>
      tpu.vector_store %arg4[%swap3A_2015, %swap3A_2016, %swap3A_2017], %swap3A_2020 {strides = array<i32>} : memref<2x112x512xf32, #tpu.memory_space<vmem>>, vector<1x1x16xf32>,
      %swap3A_2021 = arith.constant 0 : i32
      %swap3A_2022 = arith.constant 1 : i32
      %swap3A_2023 = arith.index_cast %swap3A_2021 : i32 to index
      %swap3A_2024 = arith.index_cast %swap3A_2022 : i32 to index
      %swap3A_2025 = arith.constant 448 : index
      %swap3A_2026 = tpu.vector_load %arg4[%swap3A_2023, %swap3A_2024, %swap3A_2025] {strides = array<i32>} : memref<2x112x512xf32, #tpu.memory_space<vmem>>, vector<1x1x16xf32>,
      %swap3A_2027 = vector.shape_cast %swap3A_2026 : vector<1x1x16xf32> to vector<16xf32>
      %swap3A_2028 = vector.shape_cast %broadcast_in_dim3A_1573 : vector<16xf32> to vector<1x1x16xf32>
      tpu.vector_store %arg4[%swap3A_2023, %swap3A_2024, %swap3A_2025], %swap3A_2028 {strides = array<i32>} : memref<2x112x512xf32, #tpu.memory_space<vmem>>, vector<1x1x16xf32>,
      %swap3A_2029 = arith.constant 0 : i32
      %swap3A_2030 = arith.constant 3 : i32
      %swap3A_2031 = arith.index_cast %swap3A_2029 : i32 to index
      %swap3A_2032 = arith.index_cast %swap3A_2030 : i32 to index
      %swap3A_2033 = arith.constant 448 : index
      %swap3A_2034 = tpu.vector_load %arg4[%swap3A_2031, %swap3A_2032, %swap3A_2033] {strides = array<i32>} : memref<2x112x512xf32, #tpu.memory_space<vmem>>, vector<1x1x16xf32>,
      %swap3A_2035 = vector.shape_cast %swap3A_2034 : vector<1x1x16xf32> to vector<16xf32>
      %swap3A_2036 = vector.shape_cast %broadcast_in_dim3A_1573 : vector<16xf32> to vector<1x1x16xf32>
      tpu.vector_store %arg4[%swap3A_2031, %swap3A_2032, %swap3A_2033], %swap3A_2036 {strides = array<i32>} : memref<2x112x512xf32, #tpu.memory_space<vmem>>, vector<1x1x16xf32>,
      %swap3A_2037 = arith.constant 0 : i32
      %swap3A_2038 = arith.constant 1 : i32
      %swap3A_2039 = arith.index_cast %swap3A_2037 : i32 to index
      %swap3A_2040 = arith.index_cast %swap3A_2038 : i32 to index
      %swap3A_2041 = arith.constant 464 : index
      %swap3A_2042 = tpu.vector_load %arg4[%swap3A_2039, %swap3A_2040, %swap3A_2041] {strides = array<i32>} : memref<2x112x512xf32, #tpu.memory_space<vmem>>, vector<1x1x16xf32>,
      %swap3A_2043 = vector.shape_cast %swap3A_2042 : vector<1x1x16xf32> to vector<16xf32>
      %swap3A_2044 = vector.shape_cast %broadcast_in_dim3A_1573 : vector<16xf32> to vector<1x1x16xf32>
      tpu.vector_store %arg4[%swap3A_2039, %swap3A_2040, %swap3A_2041], %swap3A_2044 {strides = array<i32>} : memref<2x112x512xf32, #tpu.memory_space<vmem>>, vector<1x1x16xf32>,
      %swap3A_2045 = arith.constant 0 : i32
      %swap3A_2046 = arith.constant 3 : i32
      %swap3A_2047 = arith.index_cast %swap3A_2045 : i32 to index
      %swap3A_2048 = arith.index_cast %swap3A_2046 : i32 to index
      %swap3A_2049 = arith.constant 464 : index
      %swap3A_2050 = tpu.vector_load %arg4[%swap3A_2047, %swap3A_2048, %swap3A_2049] {strides = array<i32>} : memref<2x112x512xf32, #tpu.memory_space<vmem>>, vector<1x1x16xf32>,
      %swap3A_2051 = vector.shape_cast %swap3A_2050 : vector<1x1x16xf32> to vector<16xf32>
      %swap3A_2052 = vector.shape_cast %broadcast_in_dim3A_1573 : vector<16xf32> to vector<1x1x16xf32>
      tpu.vector_store %arg4[%swap3A_2047, %swap3A_2048, %swap3A_2049], %swap3A_2052 {strides = array<i32>} : memref<2x112x512xf32, #tpu.memory_space<vmem>>, vector<1x1x16xf32>,
      %swap3A_2053 = arith.constant 0 : i32
      %swap3A_2054 = arith.constant 1 : i32
      %swap3A_2055 = arith.index_cast %swap3A_2053 : i32 to index
      %swap3A_2056 = arith.index_cast %swap3A_2054 : i32 to index
      %swap3A_2057 = arith.constant 480 : index
      %swap3A_2058 = tpu.vector_load %arg4[%swap3A_2055, %swap3A_2056, %swap3A_2057] {strides = array<i32>} : memref<2x112x512xf32, #tpu.memory_space<vmem>>, vector<1x1x16xf32>,
      %swap3A_2059 = vector.shape_cast %swap3A_2058 : vector<1x1x16xf32> to vector<16xf32>
      %swap3A_2060 = vector.shape_cast %broadcast_in_dim3A_1573 : vector<16xf32> to vector<1x1x16xf32>
      tpu.vector_store %arg4[%swap3A_2055, %swap3A_2056, %swap3A_2057], %swap3A_2060 {strides = array<i32>} : memref<2x112x512xf32, #tpu.memory_space<vmem>>, vector<1x1x16xf32>,
      %swap3A_2061 = arith.constant 0 : i32
      %swap3A_2062 = arith.constant 3 : i32
      %swap3A_2063 = arith.index_cast %swap3A_2061 : i32 to index
      %swap3A_2064 = arith.index_cast %swap3A_2062 : i32 to index
      %swap3A_2065 = arith.constant 480 : index
      %swap3A_2066 = tpu.vector_load %arg4[%swap3A_2063, %swap3A_2064, %swap3A_2065] {strides = array<i32>} : memref<2x112x512xf32, #tpu.memory_space<vmem>>, vector<1x1x16xf32>,
      %swap3A_2067 = vector.shape_cast %swap3A_2066 : vector<1x1x16xf32> to vector<16xf32>
      %swap3A_2068 = vector.shape_cast %broadcast_in_dim3A_1573 : vector<16xf32> to vector<1x1x16xf32>
      tpu.vector_store %arg4[%swap3A_2063, %swap3A_2064, %swap3A_2065], %swap3A_2068 {strides = array<i32>} : memref<2x112x512xf32, #tpu.memory_space<vmem>>, vector<1x1x16xf32>,
      %swap3A_2069 = arith.constant 0 : i32
      %swap3A_2070 = arith.constant 1 : i32
      %swap3A_2071 = arith.index_cast %swap3A_2069 : i32 to index
      %swap3A_2072 = arith.index_cast %swap3A_2070 : i32 to index
      %swap3A_2073 = arith.constant 496 : index
      %swap3A_2074 = tpu.vector_load %arg4[%swap3A_2071, %swap3A_2072, %swap3A_2073] {strides = array<i32>} : memref<2x112x512xf32, #tpu.memory_space<vmem>>, vector<1x1x16xf32>,
      %swap3A_2075 = vector.shape_cast %swap3A_2074 : vector<1x1x16xf32> to vector<16xf32>
      %swap3A_2076 = vector.shape_cast %broadcast_in_dim3A_1573 : vector<16xf32> to vector<1x1x16xf32>
      tpu.vector_store %arg4[%swap3A_2071, %swap3A_2072, %swap3A_2073], %swap3A_2076 {strides = array<i32>} : memref<2x112x512xf32, #tpu.memory_space<vmem>>, vector<1x1x16xf32>,
      %swap3A_2077 = arith.constant 0 : i32
      %swap3A_2078 = arith.constant 3 : i32
      %swap3A_2079 = arith.index_cast %swap3A_2077 : i32 to index
      %swap3A_2080 = arith.index_cast %swap3A_2078 : i32 to index
      %swap3A_2081 = arith.constant 496 : index
      %swap3A_2082 = tpu.vector_load %arg4[%swap3A_2079, %swap3A_2080, %swap3A_2081] {strides = array<i32>} : memref<2x112x512xf32, #tpu.memory_space<vmem>>, vector<1x1x16xf32>,
      %swap3A_2083 = vector.shape_cast %swap3A_2082 : vector<1x1x16xf32> to vector<16xf32>
      %swap3A_2084 = vector.shape_cast %broadcast_in_dim3A_1573 : vector<16xf32> to vector<1x1x16xf32>
      tpu.vector_store %arg4[%swap3A_2079, %swap3A_2080, %swap3A_2081], %swap3A_2084 {strides = array<i32>} : memref<2x112x512xf32, #tpu.memory_space<vmem>>, vector<1x1x16xf32>,
    } else {
    }
    %add3A_48 = arith.constant 0 : i32
    %add3A_49 = arith.addi %multiple_of3A, %add3A_48 : i32
    %dma_start3A_50 = arith.constant 0 : i32
    %dma_start3A_51 = arith.constant 0 : i32
    %dma_start3A_52 = arith.constant 0 : i32
    %dma_start3A_53 = tpu.memref_slice %arg4[%dma_start3A_50, %dma_start3A_51, %dma_start3A_52] : memref<2x112x512xf32, #tpu.memory_space<vmem>> -> memref<1x112x512xf32, #tpu.memory_space<vmem>>
    %dma_start3A_54 = tpu.memref_squeeze %dma_start3A_53 : memref<1x112x512xf32, #tpu.memory_space<vmem>> -> memref<112x512xf32, #tpu.memory_space<vmem>>
    %dma_start3A_55 = arith.constant 0 : i32
    %dma_start3A_56 = tpu.memref_slice %arg3[%add3A_49, %dma_start3A_55] : memref<100000x512xf32, #tpu.memory_space<hbm>> -> memref<112x512xf32, #tpu.memory_space<hbm>>
    %dma_start3A_57 = arith.constant 0 : i32
    %dma_start3A_58 = tpu.memref_slice %arg3[%add3A_49, %dma_start3A_57] : memref<100000x512xf32, #tpu.memory_space<hbm>> -> memref<112x512xf32, #tpu.memory_space<hbm>>
    %dma_start3A_59 = arith.constant 0 : i32
    %dma_start3A_60 = arith.constant 0 : i32
    %dma_start3A_61 = tpu.memref_slice %arg4[%dma_start3A_50, %dma_start3A_59, %dma_start3A_60] : memref<2x112x512xf32, #tpu.memory_space<vmem>> -> memref<1x112x512xf32, #tpu.memory_space<vmem>>
    %dma_start3A_62 = tpu.memref_squeeze %dma_start3A_61 : memref<1x112x512xf32, #tpu.memory_space<vmem>> -> memref<112x512xf32, #tpu.memory_space<vmem>>
    tpu.enqueue_dma source(%dma_start3A_62 : memref<112x512xf32, #tpu.memory_space<vmem>>) target(%dma_start3A_58 : memref<112x512xf32, #tpu.memory_space<hbm>>) target_semaphore(%arg7 : memref<!tpu.dma_semaphore, #tpu.memory_space<semaphore_mem>>)
    %dma_wait3A_63 = arith.constant 1 : i32
    %dma_wait3A_64 = arith.constant 0 : i32
    %dma_wait3A_65 = arith.constant 0 : i32
    %dma_wait3A_66 = tpu.memref_slice %arg4[%dma_wait3A_63, %dma_wait3A_64, %dma_wait3A_65] : memref<2x112x512xf32, #tpu.memory_space<vmem>> -> memref<1x112x512xf32, #tpu.memory_space<vmem>>
    %dma_wait3A_67 = tpu.memref_squeeze %dma_wait3A_66 : memref<1x112x512xf32, #tpu.memory_space<vmem>> -> memref<112x512xf32, #tpu.memory_space<vmem>>
    %dma_wait3A_68 = arith.constant 0 : i32
    %dma_wait3A_69 = tpu.memref_slice %arg2[%add3A_31, %dma_wait3A_68] : memref<100000x512xf32, #tpu.memory_space<hbm>> -> memref<112x512xf32, #tpu.memory_space<hbm>>
    %dma_wait3A_70 = arith.constant 0 : i32
    %dma_wait3A_71 = arith.constant 0 : i32
    %dma_wait3A_72 = tpu.memref_slice %arg4[%dma_wait3A_63, %dma_wait3A_70, %dma_wait3A_71] : memref<2x112x512xf32, #tpu.memory_space<vmem>> -> memref<1x112x512xf32, #tpu.memory_space<vmem>>
    %dma_wait3A_73 = tpu.memref_squeeze %dma_wait3A_72 : memref<1x112x512xf32, #tpu.memory_space<vmem>> -> memref<112x512xf32, #tpu.memory_space<vmem>>
    %dma_wait3A_74 = arith.constant 0 : i32
    %dma_wait3A_75 = tpu.memref_slice %arg2[%add3A_31, %dma_wait3A_74] : memref<100000x512xf32, #tpu.memory_space<hbm>> -> memref<112x512xf32, #tpu.memory_space<hbm>>
    tpu.wait_dma2 semaphore(%arg6 : memref<!tpu.dma_semaphore, #tpu.memory_space<semaphore_mem>>) src(%dma_wait3A_75 : memref<112x512xf32, #tpu.memory_space<hbm>>) dst(%dma_wait3A_73 : memref<112x512xf32, #tpu.memory_space<vmem>>)
    %dma_wait3A_76 = arith.constant 0 : i32
    %dma_wait3A_77 = arith.constant 0 : i32
    %dma_wait3A_78 = arith.constant 0 : i32
    %dma_wait3A_79 = tpu.memref_slice %arg4[%dma_wait3A_76, %dma_wait3A_77, %dma_wait3A_78] : memref<2x112x512xf32, #tpu.memory_space<vmem>> -> memref<1x112x512xf32, #tpu.memory_space<vmem>>
    %dma_wait3A_80 = tpu.memref_squeeze %dma_wait3A_79 : memref<1x112x512xf32, #tpu.memory_space<vmem>> -> memref<112x512xf32, #tpu.memory_space<vmem>>
    %dma_wait3A_81 = arith.constant 0 : i32
    %dma_wait3A_82 = tpu.memref_slice %arg3[%add3A_49, %dma_wait3A_81] : memref<100000x512xf32, #tpu.memory_space<hbm>> -> memref<112x512xf32, #tpu.memory_space<hbm>>
    %dma_wait3A_83 = arith.constant 0 : i32
    %dma_wait3A_84 = tpu.memref_slice %arg3[%add3A_49, %dma_wait3A_83] : memref<100000x512xf32, #tpu.memory_space<hbm>> -> memref<112x512xf32, #tpu.memory_space<hbm>>
    %dma_wait3A_85 = arith.constant 0 : i32
    %dma_wait3A_86 = arith.constant 0 : i32
    %dma_wait3A_87 = tpu.memref_slice %arg4[%dma_wait3A_76, %dma_wait3A_85, %dma_wait3A_86] : memref<2x112x512xf32, #tpu.memory_space<vmem>> -> memref<1x112x512xf32, #tpu.memory_space<vmem>>
    %dma_wait3A_88 = tpu.memref_squeeze %dma_wait3A_87 : memref<1x112x512xf32, #tpu.memory_space<vmem>> -> memref<112x512xf32, #tpu.memory_space<vmem>>
    tpu.wait_dma2 semaphore(%arg7 : memref<!tpu.dma_semaphore, #tpu.memory_space<semaphore_mem>>) src(%dma_wait3A_88 : memref<112x512xf32, #tpu.memory_space<vmem>>) dst(%dma_wait3A_84 : memref<112x512xf32, #tpu.memory_space<hbm>>)
    %add3A_89 = arith.constant 224 : i32
    %add3A_90 = arith.addi %multiple_of3A, %add3A_89 : i32
    %dma_start3A_91 = arith.constant 0 : i32
    %dma_start3A_92 = arith.constant 0 : i32
    %dma_start3A_93 = arith.constant 0 : i32
    %dma_start3A_94 = tpu.memref_slice %arg4[%dma_start3A_91, %dma_start3A_92, %dma_start3A_93] : memref<2x112x512xf32, #tpu.memory_space<vmem>> -> memref<1x112x512xf32, #tpu.memory_space<vmem>>
    %dma_start3A_95 = tpu.memref_squeeze %dma_start3A_94 : memref<1x112x512xf32, #tpu.memory_space<vmem>> -> memref<112x512xf32, #tpu.memory_space<vmem>>
    %dma_start3A_96 = arith.constant 0 : i32
    %dma_start3A_97 = tpu.memref_slice %arg2[%add3A_90, %dma_start3A_96] : memref<100000x512xf32, #tpu.memory_space<hbm>> -> memref<112x512xf32, #tpu.memory_space<hbm>>
    %dma_start3A_98 = arith.constant 0 : i32
    %dma_start3A_99 = arith.constant 0 : i32
    %dma_start3A_100 = tpu.memref_slice %arg4[%dma_start3A_91, %dma_start3A_98, %dma_start3A_99] : memref<2x112x512xf32, #tpu.memory_space<vmem>> -> memref<1x112x512xf32, #tpu.memory_space<vmem>>
    %dma_start3A_101 = tpu.memref_squeeze %dma_start3A_100 : memref<1x112x512xf32, #tpu.memory_space<vmem>> -> memref<112x512xf32, #tpu.memory_space<vmem>>
    %dma_start3A_102 = arith.constant 0 : i32
    %dma_start3A_103 = tpu.memref_slice %arg2[%add3A_90, %dma_start3A_102] : memref<100000x512xf32, #tpu.memory_space<hbm>> -> memref<112x512xf32, #tpu.memory_space<hbm>>
    tpu.enqueue_dma source(%dma_start3A_103 : memref<112x512xf32, #tpu.memory_space<hbm>>) target(%dma_start3A_101 : memref<112x512xf32, #tpu.memory_space<vmem>>) target_semaphore(%arg5 : memref<!tpu.dma_semaphore, #tpu.memory_space<semaphore_mem>>)
    %add3A_104 = arith.constant 112 : i32
    %add3A_105 = arith.addi %multiple_of3A, %add3A_104 : i32
    %dma_start3A_106 = arith.constant 1 : i32
    %dma_start3A_107 = arith.constant 0 : i32
    %dma_start3A_108 = arith.constant 0 : i32
    %dma_start3A_109 = tpu.memref_slice %arg4[%dma_start3A_106, %dma_start3A_107, %dma_start3A_108] : memref<2x112x512xf32, #tpu.memory_space<vmem>> -> memref<1x112x512xf32, #tpu.memory_space<vmem>>
    %dma_start3A_110 = tpu.memref_squeeze %dma_start3A_109 : memref<1x112x512xf32, #tpu.memory_space<vmem>> -> memref<112x512xf32, #tpu.memory_space<vmem>>
    %dma_start3A_111 = arith.constant 0 : i32
    %dma_start3A_112 = tpu.memref_slice %arg3[%add3A_105, %dma_start3A_111] : memref<100000x512xf32, #tpu.memory_space<hbm>> -> memref<112x512xf32, #tpu.memory_space<hbm>>
    %dma_start3A_113 = arith.constant 0 : i32
    %dma_start3A_114 = tpu.memref_slice %arg3[%add3A_105, %dma_start3A_113] : memref<100000x512xf32, #tpu.memory_space<hbm>> -> memref<112x512xf32, #tpu.memory_space<hbm>>
    %dma_start3A_115 = arith.constant 0 : i32
    %dma_start3A_116 = arith.constant 0 : i32
    %dma_start3A_117 = tpu.memref_slice %arg4[%dma_start3A_106, %dma_start3A_115, %dma_start3A_116] : memref<2x112x512xf32, #tpu.memory_space<vmem>> -> memref<1x112x512xf32, #tpu.memory_space<vmem>>
    %dma_start3A_118 = tpu.memref_squeeze %dma_start3A_117 : memref<1x112x512xf32, #tpu.memory_space<vmem>> -> memref<112x512xf32, #tpu.memory_space<vmem>>
    tpu.enqueue_dma source(%dma_start3A_118 : memref<112x512xf32, #tpu.memory_space<vmem>>) target(%dma_start3A_114 : memref<112x512xf32, #tpu.memory_space<hbm>>) target_semaphore(%arg8 : memref<!tpu.dma_semaphore, #tpu.memory_space<semaphore_mem>>)
    %dma_wait3A_119 = arith.constant 0 : i32
    %dma_wait3A_120 = arith.constant 0 : i32
    %dma_wait3A_121 = arith.constant 0 : i32
    %dma_wait3A_122 = tpu.memref_slice %arg4[%dma_wait3A_119, %dma_wait3A_120, %dma_wait3A_121] : memref<2x112x512xf32, #tpu.memory_space<vmem>> -> memref<1x112x512xf32, #tpu.memory_space<vmem>>
    %dma_wait3A_123 = tpu.memref_squeeze %dma_wait3A_122 : memref<1x112x512xf32, #tpu.memory_space<vmem>> -> memref<112x512xf32, #tpu.memory_space<vmem>>
    %dma_wait3A_124 = arith.constant 0 : i32
    %dma_wait3A_125 = tpu.memref_slice %arg2[%add3A_90, %dma_wait3A_124] : memref<100000x512xf32, #tpu.memory_space<hbm>> -> memref<112x512xf32, #tpu.memory_space<hbm>>
    %dma_wait3A_126 = arith.constant 0 : i32
    %dma_wait3A_127 = arith.constant 0 : i32
    %dma_wait3A_128 = tpu.memref_slice %arg4[%dma_wait3A_119, %dma_wait3A_126, %dma_wait3A_127] : memref<2x112x512xf32, #tpu.memory_space<vmem>> -> memref<1x112x512xf32, #tpu.memory_space<vmem>>
    %dma_wait3A_129 = tpu.memref_squeeze %dma_wait3A_128 : memref<1x112x512xf32, #tpu.memory_space<vmem>> -> memref<112x512xf32, #tpu.memory_space<vmem>>
    %dma_wait3A_130 = arith.constant 0 : i32
    %dma_wait3A_131 = tpu.memref_slice %arg2[%add3A_90, %dma_wait3A_130] : memref<100000x512xf32, #tpu.memory_space<hbm>> -> memref<112x512xf32, #tpu.memory_space<hbm>>
    tpu.wait_dma2 semaphore(%arg5 : memref<!tpu.dma_semaphore, #tpu.memory_space<semaphore_mem>>) src(%dma_wait3A_131 : memref<112x512xf32, #tpu.memory_space<hbm>>) dst(%dma_wait3A_129 : memref<112x512xf32, #tpu.memory_space<vmem>>)
    %dma_wait3A_132 = arith.constant 1 : i32
    %dma_wait3A_133 = arith.constant 0 : i32
    %dma_wait3A_134 = arith.constant 0 : i32
    %dma_wait3A_135 = tpu.memref_slice %arg4[%dma_wait3A_132, %dma_wait3A_133, %dma_wait3A_134] : memref<2x112x512xf32, #tpu.memory_space<vmem>> -> memref<1x112x512xf32, #tpu.memory_space<vmem>>
    %dma_wait3A_136 = tpu.memref_squeeze %dma_wait3A_135 : memref<1x112x512xf32, #tpu.memory_space<vmem>> -> memref<112x512xf32, #tpu.memory_space<vmem>>
    %dma_wait3A_137 = arith.constant 0 : i32
    %dma_wait3A_138 = tpu.memref_slice %arg3[%add3A_105, %dma_wait3A_137] : memref<100000x512xf32, #tpu.memory_space<hbm>> -> memref<112x512xf32, #tpu.memory_space<hbm>>
    %dma_wait3A_139 = arith.constant 0 : i32
    %dma_wait3A_140 = tpu.memref_slice %arg3[%add3A_105, %dma_wait3A_139] : memref<100000x512xf32, #tpu.memory_space<hbm>> -> memref<112x512xf32, #tpu.memory_space<hbm>>
    %dma_wait3A_141 = arith.constant 0 : i32
    %dma_wait3A_142 = arith.constant 0 : i32
    %dma_wait3A_143 = tpu.memref_slice %arg4[%dma_wait3A_132, %dma_wait3A_141, %dma_wait3A_142] : memref<2x112x512xf32, #tpu.memory_space<vmem>> -> memref<1x112x512xf32, #tpu.memory_space<vmem>>
    %dma_wait3A_144 = tpu.memref_squeeze %dma_wait3A_143 : memref<1x112x512xf32, #tpu.memory_space<vmem>> -> memref<112x512xf32, #tpu.memory_space<vmem>>
    tpu.wait_dma2 semaphore(%arg8 : memref<!tpu.dma_semaphore, #tpu.memory_space<semaphore_mem>>) src(%dma_wait3A_144 : memref<112x512xf32, #tpu.memory_space<vmem>>) dst(%dma_wait3A_140 : memref<112x512xf32, #tpu.memory_space<hbm>>)
    %add3A_145 = arith.constant 336 : i32
    %add3A_146 = arith.addi %multiple_of3A, %add3A_145 : i32
    %dma_start3A_147 = arith.constant 1 : i32
    %dma_start3A_148 = arith.constant 0 : i32
    %dma_start3A_149 = arith.constant 0 : i32
    %dma_start3A_150 = tpu.memref_slice %arg4[%dma_start3A_147, %dma_start3A_148, %dma_start3A_149] : memref<2x112x512xf32, #tpu.memory_space<vmem>> -> memref<1x112x512xf32, #tpu.memory_space<vmem>>
    %dma_start3A_151 = tpu.memref_squeeze %dma_start3A_150 : memref<1x112x512xf32, #tpu.memory_space<vmem>> -> memref<112x512xf32, #tpu.memory_space<vmem>>
    %dma_start3A_152 = arith.constant 0 : i32
    %dma_start3A_153 = tpu.memref_slice %arg2[%add3A_146, %dma_start3A_152] : memref<100000x512xf32, #tpu.memory_space<hbm>> -> memref<112x512xf32, #tpu.memory_space<hbm>>
    %dma_start3A_154 = arith.constant 0 : i32
    %dma_start3A_155 = arith.constant 0 : i32
    %dma_start3A_156 = tpu.memref_slice %arg4[%dma_start3A_147, %dma_start3A_154, %dma_start3A_155] : memref<2x112x512xf32, #tpu.memory_space<vmem>> -> memref<1x112x512xf32, #tpu.memory_space<vmem>>
    %dma_start3A_157 = tpu.memref_squeeze %dma_start3A_156 : memref<1x112x512xf32, #tpu.memory_space<vmem>> -> memref<112x512xf32, #tpu.memory_space<vmem>>
    %dma_start3A_158 = arith.constant 0 : i32
    %dma_start3A_159 = tpu.memref_slice %arg2[%add3A_146, %dma_start3A_158] : memref<100000x512xf32, #tpu.memory_space<hbm>> -> memref<112x512xf32, #tpu.memory_space<hbm>>
    tpu.enqueue_dma source(%dma_start3A_159 : memref<112x512xf32, #tpu.memory_space<hbm>>) target(%dma_start3A_157 : memref<112x512xf32, #tpu.memory_space<vmem>>) target_semaphore(%arg6 : memref<!tpu.dma_semaphore, #tpu.memory_space<semaphore_mem>>)
    %add3A_160 = arith.constant 224 : i32
    %add3A_161 = arith.addi %multiple_of3A, %add3A_160 : i32
    %dma_start3A_162 = arith.constant 0 : i32
    %dma_start3A_163 = arith.constant 0 : i32
    %dma_start3A_164 = arith.constant 0 : i32
    %dma_start3A_165 = tpu.memref_slice %arg4[%dma_start3A_162, %dma_start3A_163, %dma_start3A_164] : memref<2x112x512xf32, #tpu.memory_space<vmem>> -> memref<1x112x512xf32, #tpu.memory_space<vmem>>
    %dma_start3A_166 = tpu.memref_squeeze %dma_start3A_165 : memref<1x112x512xf32, #tpu.memory_space<vmem>> -> memref<112x512xf32, #tpu.memory_space<vmem>>
    %dma_start3A_167 = arith.constant 0 : i32
    %dma_start3A_168 = tpu.memref_slice %arg3[%add3A_161, %dma_start3A_167] : memref<100000x512xf32, #tpu.memory_space<hbm>> -> memref<112x512xf32, #tpu.memory_space<hbm>>
    %dma_start3A_169 = arith.constant 0 : i32
    %dma_start3A_170 = tpu.memref_slice %arg3[%add3A_161, %dma_start3A_169] : memref<100000x512xf32, #tpu.memory_space<hbm>> -> memref<112x512xf32, #tpu.memory_space<hbm>>
    %dma_start3A_171 = arith.constant 0 : i32
    %dma_start3A_172 = arith.constant 0 : i32
    %dma_start3A_173 = tpu.memref_slice %arg4[%dma_start3A_162, %dma_start3A_171, %dma_start3A_172] : memref<2x112x512xf32, #tpu.memory_space<vmem>> -> memref<1x112x512xf32, #tpu.memory_space<vmem>>
    %dma_start3A_174 = tpu.memref_squeeze %dma_start3A_173 : memref<1x112x512xf32, #tpu.memory_space<vmem>> -> memref<112x512xf32, #tpu.memory_space<vmem>>
    tpu.enqueue_dma source(%dma_start3A_174 : memref<112x512xf32, #tpu.memory_space<vmem>>) target(%dma_start3A_170 : memref<112x512xf32, #tpu.memory_space<hbm>>) target_semaphore(%arg7 : memref<!tpu.dma_semaphore, #tpu.memory_space<semaphore_mem>>)
    %dma_wait3A_175 = arith.constant 1 : i32
    %dma_wait3A_176 = arith.constant 0 : i32
    %dma_wait3A_177 = arith.constant 0 : i32
    %dma_wait3A_178 = tpu.memref_slice %arg4[%dma_wait3A_175, %dma_wait3A_176, %dma_wait3A_177] : memref<2x112x512xf32, #tpu.memory_space<vmem>> -> memref<1x112x512xf32, #tpu.memory_space<vmem>>
    %dma_wait3A_179 = tpu.memref_squeeze %dma_wait3A_178 : memref<1x112x512xf32, #tpu.memory_space<vmem>> -> memref<112x512xf32, #tpu.memory_space<vmem>>
    %dma_wait3A_180 = arith.constant 0 : i32
    %dma_wait3A_181 = tpu.memref_slice %arg2[%add3A_146, %dma_wait3A_180] : memref<100000x512xf32, #tpu.memory_space<hbm>> -> memref<112x512xf32, #tpu.memory_space<hbm>>
    %dma_wait3A_182 = arith.constant 0 : i32
    %dma_wait3A_183 = arith.constant 0 : i32
    %dma_wait3A_184 = tpu.memref_slice %arg4[%dma_wait3A_175, %dma_wait3A_182, %dma_wait3A_183] : memref<2x112x512xf32, #tpu.memory_space<vmem>> -> memref<1x112x512xf32, #tpu.memory_space<vmem>>
    %dma_wait3A_185 = tpu.memref_squeeze %dma_wait3A_184 : memref<1x112x512xf32, #tpu.memory_space<vmem>> -> memref<112x512xf32, #tpu.memory_space<vmem>>
    %dma_wait3A_186 = arith.constant 0 : i32
    %dma_wait3A_187 = tpu.memref_slice %arg2[%add3A_146, %dma_wait3A_186] : memref<100000x512xf32, #tpu.memory_space<hbm>> -> memref<112x512xf32, #tpu.memory_space<hbm>>
    tpu.wait_dma2 semaphore(%arg6 : memref<!tpu.dma_semaphore, #tpu.memory_space<semaphore_mem>>) src(%dma_wait3A_187 : memref<112x512xf32, #tpu.memory_space<hbm>>) dst(%dma_wait3A_185 : memref<112x512xf32, #tpu.memory_space<vmem>>)
    %dma_wait3A_188 = arith.constant 0 : i32
    %dma_wait3A_189 = arith.constant 0 : i32
    %dma_wait3A_190 = arith.constant 0 : i32
    %dma_wait3A_191 = tpu.memref_slice %arg4[%dma_wait3A_188, %dma_wait3A_189, %dma_wait3A_190] : memref<2x112x512xf32, #tpu.memory_space<vmem>> -> memref<1x112x512xf32, #tpu.memory_space<vmem>>
    %dma_wait3A_192 = tpu.memref_squeeze %dma_wait3A_191 : memref<1x112x512xf32, #tpu.memory_space<vmem>> -> memref<112x512xf32, #tpu.memory_space<vmem>>
    %dma_wait3A_193 = arith.constant 0 : i32
    %dma_wait3A_194 = tpu.memref_slice %arg3[%add3A_161, %dma_wait3A_193] : memref<100000x512xf32, #tpu.memory_space<hbm>> -> memref<112x512xf32, #tpu.memory_space<hbm>>
    %dma_wait3A_195 = arith.constant 0 : i32
    %dma_wait3A_196 = tpu.memref_slice %arg3[%add3A_161, %dma_wait3A_195] : memref<100000x512xf32, #tpu.memory_space<hbm>> -> memref<112x512xf32, #tpu.memory_space<hbm>>
    %dma_wait3A_197 = arith.constant 0 : i32
    %dma_wait3A_198 = arith.constant 0 : i32
    %dma_wait3A_199 = tpu.memref_slice %arg4[%dma_wait3A_188, %dma_wait3A_197, %dma_wait3A_198] : memref<2x112x512xf32, #tpu.memory_space<vmem>> -> memref<1x112x512xf32, #tpu.memory_space<vmem>>
    %dma_wait3A_200 = tpu.memref_squeeze %dma_wait3A_199 : memref<1x112x512xf32, #tpu.memory_space<vmem>> -> memref<112x512xf32, #tpu.memory_space<vmem>>
    tpu.wait_dma2 semaphore(%arg7 : memref<!tpu.dma_semaphore, #tpu.memory_space<semaphore_mem>>) src(%dma_wait3A_200 : memref<112x512xf32, #tpu.memory_space<vmem>>) dst(%dma_wait3A_196 : memref<112x512xf32, #tpu.memory_space<hbm>>)
    %add3A_201 = arith.constant 448 : i32
    %add3A_202 = arith.addi %multiple_of3A, %add3A_201 : i32
    %dma_start3A_203 = arith.constant 0 : i32
    %dma_start3A_204 = arith.constant 0 : i32
    %dma_start3A_205 = arith.constant 0 : i32
    %dma_start3A_206 = tpu.memref_slice %arg4[%dma_start3A_203, %dma_start3A_204, %dma_start3A_205] : memref<2x112x512xf32, #tpu.memory_space<vmem>> -> memref<1x112x512xf32, #tpu.memory_space<vmem>>
    %dma_start3A_207 = tpu.memref_squeeze %dma_start3A_206 : memref<1x112x512xf32, #tpu.memory_space<vmem>> -> memref<112x512xf32, #tpu.memory_space<vmem>>
    %dma_start3A_208 = arith.constant 0 : i32
    %dma_start3A_209 = tpu.memref_slice %arg2[%add3A_202, %dma_start3A_208] : memref<100000x512xf32, #tpu.memory_space<hbm>> -> memref<112x512xf32, #tpu.memory_space<hbm>>
    %dma_start3A_210 = arith.constant 0 : i32
    %dma_start3A_211 = arith.constant 0 : i32
    %dma_start3A_212 = tpu.memref_slice %arg4[%dma_start3A_203, %dma_start3A_210, %dma_start3A_211] : memref<2x112x512xf32, #tpu.memory_space<vmem>> -> memref<1x112x512xf32, #tpu.memory_space<vmem>>
    %dma_start3A_213 = tpu.memref_squeeze %dma_start3A_212 : memref<1x112x512xf32, #tpu.memory_space<vmem>> -> memref<112x512xf32, #tpu.memory_space<vmem>>
    %dma_start3A_214 = arith.constant 0 : i32
    %dma_start3A_215 = tpu.memref_slice %arg2[%add3A_202, %dma_start3A_214] : memref<100000x512xf32, #tpu.memory_space<hbm>> -> memref<112x512xf32, #tpu.memory_space<hbm>>
    tpu.enqueue_dma source(%dma_start3A_215 : memref<112x512xf32, #tpu.memory_space<hbm>>) target(%dma_start3A_213 : memref<112x512xf32, #tpu.memory_space<vmem>>) target_semaphore(%arg5 : memref<!tpu.dma_semaphore, #tpu.memory_space<semaphore_mem>>)
    %add3A_216 = arith.constant 336 : i32
    %add3A_217 = arith.addi %multiple_of3A, %add3A_216 : i32
    %dma_start3A_218 = arith.constant 1 : i32
    %dma_start3A_219 = arith.constant 0 : i32
    %dma_start3A_220 = arith.constant 0 : i32
    %dma_start3A_221 = tpu.memref_slice %arg4[%dma_start3A_218, %dma_start3A_219, %dma_start3A_220] : memref<2x112x512xf32, #tpu.memory_space<vmem>> -> memref<1x112x512xf32, #tpu.memory_space<vmem>>
    %dma_start3A_222 = tpu.memref_squeeze %dma_start3A_221 : memref<1x112x512xf32, #tpu.memory_space<vmem>> -> memref<112x512xf32, #tpu.memory_space<vmem>>
    %dma_start3A_223 = arith.constant 0 : i32
    %dma_start3A_224 = tpu.memref_slice %arg3[%add3A_217, %dma_start3A_223] : memref<100000x512xf32, #tpu.memory_space<hbm>> -> memref<112x512xf32, #tpu.memory_space<hbm>>
    %dma_start3A_225 = arith.constant 0 : i32
    %dma_start3A_226 = tpu.memref_slice %arg3[%add3A_217, %dma_start3A_225] : memref<100000x512xf32, #tpu.memory_space<hbm>> -> memref<112x512xf32, #tpu.memory_space<hbm>>
    %dma_start3A_227 = arith.constant 0 : i32
    %dma_start3A_228 = arith.constant 0 : i32
    %dma_start3A_229 = tpu.memref_slice %arg4[%dma_start3A_218, %dma_start3A_227, %dma_start3A_228] : memref<2x112x512xf32, #tpu.memory_space<vmem>> -> memref<1x112x512xf32, #tpu.memory_space<vmem>>
    %dma_start3A_230 = tpu.memref_squeeze %dma_start3A_229 : memref<1x112x512xf32, #tpu.memory_space<vmem>> -> memref<112x512xf32, #tpu.memory_space<vmem>>
    tpu.enqueue_dma source(%dma_start3A_230 : memref<112x512xf32, #tpu.memory_space<vmem>>) target(%dma_start3A_226 : memref<112x512xf32, #tpu.memory_space<hbm>>) target_semaphore(%arg8 : memref<!tpu.dma_semaphore, #tpu.memory_space<semaphore_mem>>)
    %dma_wait3A_231 = arith.constant 0 : i32
    %dma_wait3A_232 = arith.constant 0 : i32
    %dma_wait3A_233 = arith.constant 0 : i32
    %dma_wait3A_234 = tpu.memref_slice %arg4[%dma_wait3A_231, %dma_wait3A_232, %dma_wait3A_233] : memref<2x112x512xf32, #tpu.memory_space<vmem>> -> memref<1x112x512xf32, #tpu.memory_space<vmem>>
    %dma_wait3A_235 = tpu.memref_squeeze %dma_wait3A_234 : memref<1x112x512xf32, #tpu.memory_space<vmem>> -> memref<112x512xf32, #tpu.memory_space<vmem>>
    %dma_wait3A_236 = arith.constant 0 : i32
    %dma_wait3A_237 = tpu.memref_slice %arg2[%add3A_202, %dma_wait3A_236] : memref<100000x512xf32, #tpu.memory_space<hbm>> -> memref<112x512xf32, #tpu.memory_space<hbm>>
    %dma_wait3A_238 = arith.constant 0 : i32
    %dma_wait3A_239 = arith.constant 0 : i32
    %dma_wait3A_240 = tpu.memref_slice %arg4[%dma_wait3A_231, %dma_wait3A_238, %dma_wait3A_239] : memref<2x112x512xf32, #tpu.memory_space<vmem>> -> memref<1x112x512xf32, #tpu.memory_space<vmem>>
    %dma_wait3A_241 = tpu.memref_squeeze %dma_wait3A_240 : memref<1x112x512xf32, #tpu.memory_space<vmem>> -> memref<112x512xf32, #tpu.memory_space<vmem>>
    %dma_wait3A_242 = arith.constant 0 : i32
    %dma_wait3A_243 = tpu.memref_slice %arg2[%add3A_202, %dma_wait3A_242] : memref<100000x512xf32, #tpu.memory_space<hbm>> -> memref<112x512xf32, #tpu.memory_space<hbm>>
    tpu.wait_dma2 semaphore(%arg5 : memref<!tpu.dma_semaphore, #tpu.memory_space<semaphore_mem>>) src(%dma_wait3A_243 : memref<112x512xf32, #tpu.memory_space<hbm>>) dst(%dma_wait3A_241 : memref<112x512xf32, #tpu.memory_space<vmem>>)
    %dma_wait3A_244 = arith.constant 1 : i32
    %dma_wait3A_245 = arith.constant 0 : i32
    %dma_wait3A_246 = arith.constant 0 : i32
    %dma_wait3A_247 = tpu.memref_slice %arg4[%dma_wait3A_244, %dma_wait3A_245, %dma_wait3A_246] : memref<2x112x512xf32, #tpu.memory_space<vmem>> -> memref<1x112x512xf32, #tpu.memory_space<vmem>>
    %dma_wait3A_248 = tpu.memref_squeeze %dma_wait3A_247 : memref<1x112x512xf32, #tpu.memory_space<vmem>> -> memref<112x512xf32, #tpu.memory_space<vmem>>
    %dma_wait3A_249 = arith.constant 0 : i32
    %dma_wait3A_250 = tpu.memref_slice %arg3[%add3A_217, %dma_wait3A_249] : memref<100000x512xf32, #tpu.memory_space<hbm>> -> memref<112x512xf32, #tpu.memory_space<hbm>>
    %dma_wait3A_251 = arith.constant 0 : i32
    %dma_wait3A_252 = tpu.memref_slice %arg3[%add3A_217, %dma_wait3A_251] : memref<100000x512xf32, #tpu.memory_space<hbm>> -> memref<112x512xf32, #tpu.memory_space<hbm>>
    %dma_wait3A_253 = arith.constant 0 : i32
    %dma_wait3A_254 = arith.constant 0 : i32
    %dma_wait3A_255 = tpu.memref_slice %arg4[%dma_wait3A_244, %dma_wait3A_253, %dma_wait3A_254] : memref<2x112x512xf32, #tpu.memory_space<vmem>> -> memref<1x112x512xf32, #tpu.memory_space<vmem>>
    %dma_wait3A_256 = tpu.memref_squeeze %dma_wait3A_255 : memref<1x112x512xf32, #tpu.memory_space<vmem>> -> memref<112x512xf32, #tpu.memory_space<vmem>>
    tpu.wait_dma2 semaphore(%arg8 : memref<!tpu.dma_semaphore, #tpu.memory_space<semaphore_mem>>) src(%dma_wait3A_256 : memref<112x512xf32, #tpu.memory_space<vmem>>) dst(%dma_wait3A_252 : memref<112x512xf32, #tpu.memory_space<hbm>>)
    %add3A_257 = arith.constant 560 : i32
    %add3A_258 = arith.addi %multiple_of3A, %add3A_257 : i32
    %dma_start3A_259 = arith.constant 1 : i32
    %dma_start3A_260 = arith.constant 0 : i32
    %dma_start3A_261 = arith.constant 0 : i32
    %dma_start3A_262 = tpu.memref_slice %arg4[%dma_start3A_259, %dma_start3A_260, %dma_start3A_261] : memref<2x112x512xf32, #tpu.memory_space<vmem>> -> memref<1x112x512xf32, #tpu.memory_space<vmem>>
    %dma_start3A_263 = tpu.memref_squeeze %dma_start3A_262 : memref<1x112x512xf32, #tpu.memory_space<vmem>> -> memref<112x512xf32, #tpu.memory_space<vmem>>
    %dma_start3A_264 = arith.constant 0 : i32
    %dma_start3A_265 = tpu.memref_slice %arg2[%add3A_258, %dma_start3A_264] : memref<100000x512xf32, #tpu.memory_space<hbm>> -> memref<112x512xf32, #tpu.memory_space<hbm>>
    %dma_start3A_266 = arith.constant 0 : i32
    %dma_start3A_267 = arith.constant 0 : i32
    %dma_start3A_268 = tpu.memref_slice %arg4[%dma_start3A_259, %dma_start3A_266, %dma_start3A_267] : memref<2x112x512xf32, #tpu.memory_space<vmem>> -> memref<1x112x512xf32, #tpu.memory_space<vmem>>
    %dma_start3A_269 = tpu.memref_squeeze %dma_start3A_268 : memref<1x112x512xf32, #tpu.memory_space<vmem>> -> memref<112x512xf32, #tpu.memory_space<vmem>>
    %dma_start3A_270 = arith.constant 0 : i32
    %dma_start3A_271 = tpu.memref_slice %arg2[%add3A_258, %dma_start3A_270] : memref<100000x512xf32, #tpu.memory_space<hbm>> -> memref<112x512xf32, #tpu.memory_space<hbm>>
    tpu.enqueue_dma source(%dma_start3A_271 : memref<112x512xf32, #tpu.memory_space<hbm>>) target(%dma_start3A_269 : memref<112x512xf32, #tpu.memory_space<vmem>>) target_semaphore(%arg6 : memref<!tpu.dma_semaphore, #tpu.memory_space<semaphore_mem>>)
    %add3A_272 = arith.constant 448 : i32
    %add3A_273 = arith.addi %multiple_of3A, %add3A_272 : i32
    %dma_start3A_274 = arith.constant 0 : i32
    %dma_start3A_275 = arith.constant 0 : i32
    %dma_start3A_276 = arith.constant 0 : i32
    %dma_start3A_277 = tpu.memref_slice %arg4[%dma_start3A_274, %dma_start3A_275, %dma_start3A_276] : memref<2x112x512xf32, #tpu.memory_space<vmem>> -> memref<1x112x512xf32, #tpu.memory_space<vmem>>
    %dma_start3A_278 = tpu.memref_squeeze %dma_start3A_277 : memref<1x112x512xf32, #tpu.memory_space<vmem>> -> memref<112x512xf32, #tpu.memory_space<vmem>>
    %dma_start3A_279 = arith.constant 0 : i32
    %dma_start3A_280 = tpu.memref_slice %arg3[%add3A_273, %dma_start3A_279] : memref<100000x512xf32, #tpu.memory_space<hbm>> -> memref<112x512xf32, #tpu.memory_space<hbm>>
    %dma_start3A_281 = arith.constant 0 : i32
    %dma_start3A_282 = tpu.memref_slice %arg3[%add3A_273, %dma_start3A_281] : memref<100000x512xf32, #tpu.memory_space<hbm>> -> memref<112x512xf32, #tpu.memory_space<hbm>>
    %dma_start3A_283 = arith.constant 0 : i32
    %dma_start3A_284 = arith.constant 0 : i32
    %dma_start3A_285 = tpu.memref_slice %arg4[%dma_start3A_274, %dma_start3A_283, %dma_start3A_284] : memref<2x112x512xf32, #tpu.memory_space<vmem>> -> memref<1x112x512xf32, #tpu.memory_space<vmem>>
    %dma_start3A_286 = tpu.memref_squeeze %dma_start3A_285 : memref<1x112x512xf32, #tpu.memory_space<vmem>> -> memref<112x512xf32, #tpu.memory_space<vmem>>
    tpu.enqueue_dma source(%dma_start3A_286 : memref<112x512xf32, #tpu.memory_space<vmem>>) target(%dma_start3A_282 : memref<112x512xf32, #tpu.memory_space<hbm>>) target_semaphore(%arg7 : memref<!tpu.dma_semaphore, #tpu.memory_space<semaphore_mem>>)
    %dma_wait3A_287 = arith.constant 1 : i32
    %dma_wait3A_288 = arith.constant 0 : i32
    %dma_wait3A_289 = arith.constant 0 : i32
    %dma_wait3A_290 = tpu.memref_slice %arg4[%dma_wait3A_287, %dma_wait3A_288, %dma_wait3A_289] : memref<2x112x512xf32, #tpu.memory_space<vmem>> -> memref<1x112x512xf32, #tpu.memory_space<vmem>>
    %dma_wait3A_291 = tpu.memref_squeeze %dma_wait3A_290 : memref<1x112x512xf32, #tpu.memory_space<vmem>> -> memref<112x512xf32, #tpu.memory_space<vmem>>
    %dma_wait3A_292 = arith.constant 0 : i32
    %dma_wait3A_293 = tpu.memref_slice %arg2[%add3A_258, %dma_wait3A_292] : memref<100000x512xf32, #tpu.memory_space<hbm>> -> memref<112x512xf32, #tpu.memory_space<hbm>>
    %dma_wait3A_294 = arith.constant 0 : i32
    %dma_wait3A_295 = arith.constant 0 : i32
    %dma_wait3A_296 = tpu.memref_slice %arg4[%dma_wait3A_287, %dma_wait3A_294, %dma_wait3A_295] : memref<2x112x512xf32, #tpu.memory_space<vmem>> -> memref<1x112x512xf32, #tpu.memory_space<vmem>>
    %dma_wait3A_297 = tpu.memref_squeeze %dma_wait3A_296 : memref<1x112x512xf32, #tpu.memory_space<vmem>> -> memref<112x512xf32, #tpu.memory_space<vmem>>
    %dma_wait3A_298 = arith.constant 0 : i32
    %dma_wait3A_299 = tpu.memref_slice %arg2[%add3A_258, %dma_wait3A_298] : memref<100000x512xf32, #tpu.memory_space<hbm>> -> memref<112x512xf32, #tpu.memory_space<hbm>>
    tpu.wait_dma2 semaphore(%arg6 : memref<!tpu.dma_semaphore, #tpu.memory_space<semaphore_mem>>) src(%dma_wait3A_299 : memref<112x512xf32, #tpu.memory_space<hbm>>) dst(%dma_wait3A_297 : memref<112x512xf32, #tpu.memory_space<vmem>>)
    %dma_wait3A_300 = arith.constant 0 : i32
    %dma_wait3A_301 = arith.constant 0 : i32
    %dma_wait3A_302 = arith.constant 0 : i32
    %dma_wait3A_303 = tpu.memref_slice %arg4[%dma_wait3A_300, %dma_wait3A_301, %dma_wait3A_302] : memref<2x112x512xf32, #tpu.memory_space<vmem>> -> memref<1x112x512xf32, #tpu.memory_space<vmem>>
    %dma_wait3A_304 = tpu.memref_squeeze %dma_wait3A_303 : memref<1x112x512xf32, #tpu.memory_space<vmem>> -> memref<112x512xf32, #tpu.memory_space<vmem>>
    %dma_wait3A_305 = arith.constant 0 : i32
    %dma_wait3A_306 = tpu.memref_slice %arg3[%add3A_273, %dma_wait3A_305] : memref<100000x512xf32, #tpu.memory_space<hbm>> -> memref<112x512xf32, #tpu.memory_space<hbm>>
    %dma_wait3A_307 = arith.constant 0 : i32
    %dma_wait3A_308 = tpu.memref_slice %arg3[%add3A_273, %dma_wait3A_307] : memref<100000x512xf32, #tpu.memory_space<hbm>> -> memref<112x512xf32, #tpu.memory_space<hbm>>
    %dma_wait3A_309 = arith.constant 0 : i32
    %dma_wait3A_310 = arith.constant 0 : i32
    %dma_wait3A_311 = tpu.memref_slice %arg4[%dma_wait3A_300, %dma_wait3A_309, %dma_wait3A_310] : memref<2x112x512xf32, #tpu.memory_space<vmem>> -> memref<1x112x512xf32, #tpu.memory_space<vmem>>
    %dma_wait3A_312 = tpu.memref_squeeze %dma_wait3A_311 : memref<1x112x512xf32, #tpu.memory_space<vmem>> -> memref<112x512xf32, #tpu.memory_space<vmem>>
    tpu.wait_dma2 semaphore(%arg7 : memref<!tpu.dma_semaphore, #tpu.memory_space<semaphore_mem>>) src(%dma_wait3A_312 : memref<112x512xf32, #tpu.memory_space<vmem>>) dst(%dma_wait3A_308 : memref<112x512xf32, #tpu.memory_space<hbm>>)
    %add3A_313 = arith.constant 672 : i32
    %add3A_314 = arith.addi %multiple_of3A, %add3A_313 : i32
    %dma_start3A_315 = arith.constant 0 : i32
    %dma_start3A_316 = arith.constant 0 : i32
    %dma_start3A_317 = arith.constant 0 : i32
    %dma_start3A_318 = tpu.memref_slice %arg4[%dma_start3A_315, %dma_start3A_316, %dma_start3A_317] : memref<2x112x512xf32, #tpu.memory_space<vmem>> -> memref<1x112x512xf32, #tpu.memory_space<vmem>>
    %dma_start3A_319 = tpu.memref_squeeze %dma_start3A_318 : memref<1x112x512xf32, #tpu.memory_space<vmem>> -> memref<112x512xf32, #tpu.memory_space<vmem>>
    %dma_start3A_320 = arith.constant 0 : i32
    %dma_start3A_321 = tpu.memref_slice %arg2[%add3A_314, %dma_start3A_320] : memref<100000x512xf32, #tpu.memory_space<hbm>> -> memref<112x512xf32, #tpu.memory_space<hbm>>
    %dma_start3A_322 = arith.constant 0 : i32
    %dma_start3A_323 = arith.constant 0 : i32
    %dma_start3A_324 = tpu.memref_slice %arg4[%dma_start3A_315, %dma_start3A_322, %dma_start3A_323] : memref<2x112x512xf32, #tpu.memory_space<vmem>> -> memref<1x112x512xf32, #tpu.memory_space<vmem>>
    %dma_start3A_325 = tpu.memref_squeeze %dma_start3A_324 : memref<1x112x512xf32, #tpu.memory_space<vmem>> -> memref<112x512xf32, #tpu.memory_space<vmem>>
    %dma_start3A_326 = arith.constant 0 : i32
    %dma_start3A_327 = tpu.memref_slice %arg2[%add3A_314, %dma_start3A_326] : memref<100000x512xf32, #tpu.memory_space<hbm>> -> memref<112x512xf32, #tpu.memory_space<hbm>>
    tpu.enqueue_dma source(%dma_start3A_327 : memref<112x512xf32, #tpu.memory_space<hbm>>) target(%dma_start3A_325 : memref<112x512xf32, #tpu.memory_space<vmem>>) target_semaphore(%arg5 : memref<!tpu.dma_semaphore, #tpu.memory_space<semaphore_mem>>)
    %add3A_328 = arith.constant 560 : i32
    %add3A_329 = arith.addi %multiple_of3A, %add3A_328 : i32
    %dma_start3A_330 = arith.constant 1 : i32
    %dma_start3A_331 = arith.constant 0 : i32
    %dma_start3A_332 = arith.constant 0 : i32
    %dma_start3A_333 = tpu.memref_slice %arg4[%dma_start3A_330, %dma_start3A_331, %dma_start3A_332] : memref<2x112x512xf32, #tpu.memory_space<vmem>> -> memref<1x112x512xf32, #tpu.memory_space<vmem>>
    %dma_start3A_334 = tpu.memref_squeeze %dma_start3A_333 : memref<1x112x512xf32, #tpu.memory_space<vmem>> -> memref<112x512xf32, #tpu.memory_space<vmem>>
    %dma_start3A_335 = arith.constant 0 : i32
    %dma_start3A_336 = tpu.memref_slice %arg3[%add3A_329, %dma_start3A_335] : memref<100000x512xf32, #tpu.memory_space<hbm>> -> memref<112x512xf32, #tpu.memory_space<hbm>>
    %dma_start3A_337 = arith.constant 0 : i32
    %dma_start3A_338 = tpu.memref_slice %arg3[%add3A_329, %dma_start3A_337] : memref<100000x512xf32, #tpu.memory_space<hbm>> -> memref<112x512xf32, #tpu.memory_space<hbm>>
    %dma_start3A_339 = arith.constant 0 : i32
    %dma_start3A_340 = arith.constant 0 : i32
    %dma_start3A_341 = tpu.memref_slice %arg4[%dma_start3A_330, %dma_start3A_339, %dma_start3A_340] : memref<2x112x512xf32, #tpu.memory_space<vmem>> -> memref<1x112x512xf32, #tpu.memory_space<vmem>>
    %dma_start3A_342 = tpu.memref_squeeze %dma_start3A_341 : memref<1x112x512xf32, #tpu.memory_space<vmem>> -> memref<112x512xf32, #tpu.memory_space<vmem>>
    tpu.enqueue_dma source(%dma_start3A_342 : memref<112x512xf32, #tpu.memory_space<vmem>>) target(%dma_start3A_338 : memref<112x512xf32, #tpu.memory_space<hbm>>) target_semaphore(%arg8 : memref<!tpu.dma_semaphore, #tpu.memory_space<semaphore_mem>>)
    %dma_wait3A_343 = arith.constant 0 : i32
    %dma_wait3A_344 = arith.constant 0 : i32
    %dma_wait3A_345 = arith.constant 0 : i32
    %dma_wait3A_346 = tpu.memref_slice %arg4[%dma_wait3A_343, %dma_wait3A_344, %dma_wait3A_345] : memref<2x112x512xf32, #tpu.memory_space<vmem>> -> memref<1x112x512xf32, #tpu.memory_space<vmem>>
    %dma_wait3A_347 = tpu.memref_squeeze %dma_wait3A_346 : memref<1x112x512xf32, #tpu.memory_space<vmem>> -> memref<112x512xf32, #tpu.memory_space<vmem>>
    %dma_wait3A_348 = arith.constant 0 : i32
    %dma_wait3A_349 = tpu.memref_slice %arg2[%add3A_314, %dma_wait3A_348] : memref<100000x512xf32, #tpu.memory_space<hbm>> -> memref<112x512xf32, #tpu.memory_space<hbm>>
    %dma_wait3A_350 = arith.constant 0 : i32
    %dma_wait3A_351 = arith.constant 0 : i32
    %dma_wait3A_352 = tpu.memref_slice %arg4[%dma_wait3A_343, %dma_wait3A_350, %dma_wait3A_351] : memref<2x112x512xf32, #tpu.memory_space<vmem>> -> memref<1x112x512xf32, #tpu.memory_space<vmem>>
    %dma_wait3A_353 = tpu.memref_squeeze %dma_wait3A_352 : memref<1x112x512xf32, #tpu.memory_space<vmem>> -> memref<112x512xf32, #tpu.memory_space<vmem>>
    %dma_wait3A_354 = arith.constant 0 : i32
    %dma_wait3A_355 = tpu.memref_slice %arg2[%add3A_314, %dma_wait3A_354] : memref<100000x512xf32, #tpu.memory_space<hbm>> -> memref<112x512xf32, #tpu.memory_space<hbm>>
    tpu.wait_dma2 semaphore(%arg5 : memref<!tpu.dma_semaphore, #tpu.memory_space<semaphore_mem>>) src(%dma_wait3A_355 : memref<112x512xf32, #tpu.memory_space<hbm>>) dst(%dma_wait3A_353 : memref<112x512xf32, #tpu.memory_space<vmem>>)
    %dma_wait3A_356 = arith.constant 1 : i32
    %dma_wait3A_357 = arith.constant 0 : i32
    %dma_wait3A_358 = arith.constant 0 : i32
    %dma_wait3A_359 = tpu.memref_slice %arg4[%dma_wait3A_356, %dma_wait3A_357, %dma_wait3A_358] : memref<2x112x512xf32, #tpu.memory_space<vmem>> -> memref<1x112x512xf32, #tpu.memory_space<vmem>>
    %dma_wait3A_360 = tpu.memref_squeeze %dma_wait3A_359 : memref<1x112x512xf32, #tpu.memory_space<vmem>> -> memref<112x512xf32, #tpu.memory_space<vmem>>
    %dma_wait3A_361 = arith.constant 0 : i32
    %dma_wait3A_362 = tpu.memref_slice %arg3[%add3A_329, %dma_wait3A_361] : memref<100000x512xf32, #tpu.memory_space<hbm>> -> memref<112x512xf32, #tpu.memory_space<hbm>>
    %dma_wait3A_363 = arith.constant 0 : i32
    %dma_wait3A_364 = tpu.memref_slice %arg3[%add3A_329, %dma_wait3A_363] : memref<100000x512xf32, #tpu.memory_space<hbm>> -> memref<112x512xf32, #tpu.memory_space<hbm>>
    %dma_wait3A_365 = arith.constant 0 : i32
    %dma_wait3A_366 = arith.constant 0 : i32
    %dma_wait3A_367 = tpu.memref_slice %arg4[%dma_wait3A_356, %dma_wait3A_365, %dma_wait3A_366] : memref<2x112x512xf32, #tpu.memory_space<vmem>> -> memref<1x112x512xf32, #tpu.memory_space<vmem>>
    %dma_wait3A_368 = tpu.memref_squeeze %dma_wait3A_367 : memref<1x112x512xf32, #tpu.memory_space<vmem>> -> memref<112x512xf32, #tpu.memory_space<vmem>>
    tpu.wait_dma2 semaphore(%arg8 : memref<!tpu.dma_semaphore, #tpu.memory_space<semaphore_mem>>) src(%dma_wait3A_368 : memref<112x512xf32, #tpu.memory_space<vmem>>) dst(%dma_wait3A_364 : memref<112x512xf32, #tpu.memory_space<hbm>>)
    %add3A_369 = arith.constant 784 : i32
    %add3A_370 = arith.addi %multiple_of3A, %add3A_369 : i32
    %dma_start3A_371 = arith.constant 1 : i32
    %dma_start3A_372 = arith.constant 0 : i32
    %dma_start3A_373 = arith.constant 0 : i32
    %dma_start3A_374 = tpu.memref_slice %arg4[%dma_start3A_371, %dma_start3A_372, %dma_start3A_373] : memref<2x112x512xf32, #tpu.memory_space<vmem>> -> memref<1x112x512xf32, #tpu.memory_space<vmem>>
    %dma_start3A_375 = tpu.memref_squeeze %dma_start3A_374 : memref<1x112x512xf32, #tpu.memory_space<vmem>> -> memref<112x512xf32, #tpu.memory_space<vmem>>
    %dma_start3A_376 = arith.constant 0 : i32
    %dma_start3A_377 = tpu.memref_slice %arg2[%add3A_370, %dma_start3A_376] : memref<100000x512xf32, #tpu.memory_space<hbm>> -> memref<112x512xf32, #tpu.memory_space<hbm>>
    %dma_start3A_378 = arith.constant 0 : i32
    %dma_start3A_379 = arith.constant 0 : i32
    %dma_start3A_380 = tpu.memref_slice %arg4[%dma_start3A_371, %dma_start3A_378, %dma_start3A_379] : memref<2x112x512xf32, #tpu.memory_space<vmem>> -> memref<1x112x512xf32, #tpu.memory_space<vmem>>
    %dma_start3A_381 = tpu.memref_squeeze %dma_start3A_380 : memref<1x112x512xf32, #tpu.memory_space<vmem>> -> memref<112x512xf32, #tpu.memory_space<vmem>>
    %dma_start3A_382 = arith.constant 0 : i32
    %dma_start3A_383 = tpu.memref_slice %arg2[%add3A_370, %dma_start3A_382] : memref<100000x512xf32, #tpu.memory_space<hbm>> -> memref<112x512xf32, #tpu.memory_space<hbm>>
    tpu.enqueue_dma source(%dma_start3A_383 : memref<112x512xf32, #tpu.memory_space<hbm>>) target(%dma_start3A_381 : memref<112x512xf32, #tpu.memory_space<vmem>>) target_semaphore(%arg6 : memref<!tpu.dma_semaphore, #tpu.memory_space<semaphore_mem>>)
    %add3A_384 = arith.constant 672 : i32
    %add3A_385 = arith.addi %multiple_of3A, %add3A_384 : i32
    %dma_start3A_386 = arith.constant 0 : i32
    %dma_start3A_387 = arith.constant 0 : i32
    %dma_start3A_388 = arith.constant 0 : i32
    %dma_start3A_389 = tpu.memref_slice %arg4[%dma_start3A_386, %dma_start3A_387, %dma_start3A_388] : memref<2x112x512xf32, #tpu.memory_space<vmem>> -> memref<1x112x512xf32, #tpu.memory_space<vmem>>
    %dma_start3A_390 = tpu.memref_squeeze %dma_start3A_389 : memref<1x112x512xf32, #tpu.memory_space<vmem>> -> memref<112x512xf32, #tpu.memory_space<vmem>>
    %dma_start3A_391 = arith.constant 0 : i32
    %dma_start3A_392 = tpu.memref_slice %arg3[%add3A_385, %dma_start3A_391] : memref<100000x512xf32, #tpu.memory_space<hbm>> -> memref<112x512xf32, #tpu.memory_space<hbm>>
    %dma_start3A_393 = arith.constant 0 : i32
    %dma_start3A_394 = tpu.memref_slice %arg3[%add3A_385, %dma_start3A_393] : memref<100000x512xf32, #tpu.memory_space<hbm>> -> memref<112x512xf32, #tpu.memory_space<hbm>>
    %dma_start3A_395 = arith.constant 0 : i32
    %dma_start3A_396 = arith.constant 0 : i32
    %dma_start3A_397 = tpu.memref_slice %arg4[%dma_start3A_386, %dma_start3A_395, %dma_start3A_396] : memref<2x112x512xf32, #tpu.memory_space<vmem>> -> memref<1x112x512xf32, #tpu.memory_space<vmem>>
    %dma_start3A_398 = tpu.memref_squeeze %dma_start3A_397 : memref<1x112x512xf32, #tpu.memory_space<vmem>> -> memref<112x512xf32, #tpu.memory_space<vmem>>
    tpu.enqueue_dma source(%dma_start3A_398 : memref<112x512xf32, #tpu.memory_space<vmem>>) target(%dma_start3A_394 : memref<112x512xf32, #tpu.memory_space<hbm>>) target_semaphore(%arg7 : memref<!tpu.dma_semaphore, #tpu.memory_space<semaphore_mem>>)
    %dma_wait3A_399 = arith.constant 1 : i32
    %dma_wait3A_400 = arith.constant 0 : i32
    %dma_wait3A_401 = arith.constant 0 : i32
    %dma_wait3A_402 = tpu.memref_slice %arg4[%dma_wait3A_399, %dma_wait3A_400, %dma_wait3A_401] : memref<2x112x512xf32, #tpu.memory_space<vmem>> -> memref<1x112x512xf32, #tpu.memory_space<vmem>>
    %dma_wait3A_403 = tpu.memref_squeeze %dma_wait3A_402 : memref<1x112x512xf32, #tpu.memory_space<vmem>> -> memref<112x512xf32, #tpu.memory_space<vmem>>
    %dma_wait3A_404 = arith.constant 0 : i32
    %dma_wait3A_405 = tpu.memref_slice %arg2[%add3A_370, %dma_wait3A_404] : memref<100000x512xf32, #tpu.memory_space<hbm>> -> memref<112x512xf32, #tpu.memory_space<hbm>>
    %dma_wait3A_406 = arith.constant 0 : i32
    %dma_wait3A_407 = arith.constant 0 : i32
    %dma_wait3A_408 = tpu.memref_slice %arg4[%dma_wait3A_399, %dma_wait3A_406, %dma_wait3A_407] : memref<2x112x512xf32, #tpu.memory_space<vmem>> -> memref<1x112x512xf32, #tpu.memory_space<vmem>>
    %dma_wait3A_409 = tpu.memref_squeeze %dma_wait3A_408 : memref<1x112x512xf32, #tpu.memory_space<vmem>> -> memref<112x512xf32, #tpu.memory_space<vmem>>
    %dma_wait3A_410 = arith.constant 0 : i32
    %dma_wait3A_411 = tpu.memref_slice %arg2[%add3A_370, %dma_wait3A_410] : memref<100000x512xf32, #tpu.memory_space<hbm>> -> memref<112x512xf32, #tpu.memory_space<hbm>>
    tpu.wait_dma2 semaphore(%arg6 : memref<!tpu.dma_semaphore, #tpu.memory_space<semaphore_mem>>) src(%dma_wait3A_411 : memref<112x512xf32, #tpu.memory_space<hbm>>) dst(%dma_wait3A_409 : memref<112x512xf32, #tpu.memory_space<vmem>>)
    %dma_wait3A_412 = arith.constant 0 : i32
    %dma_wait3A_413 = arith.constant 0 : i32
    %dma_wait3A_414 = arith.constant 0 : i32
    %dma_wait3A_415 = tpu.memref_slice %arg4[%dma_wait3A_412, %dma_wait3A_413, %dma_wait3A_414] : memref<2x112x512xf32, #tpu.memory_space<vmem>> -> memref<1x112x512xf32, #tpu.memory_space<vmem>>
    %dma_wait3A_416 = tpu.memref_squeeze %dma_wait3A_415 : memref<1x112x512xf32, #tpu.memory_space<vmem>> -> memref<112x512xf32, #tpu.memory_space<vmem>>
    %dma_wait3A_417 = arith.constant 0 : i32
    %dma_wait3A_418 = tpu.memref_slice %arg3[%add3A_385, %dma_wait3A_417] : memref<100000x512xf32, #tpu.memory_space<hbm>> -> memref<112x512xf32, #tpu.memory_space<hbm>>
    %dma_wait3A_419 = arith.constant 0 : i32
    %dma_wait3A_420 = tpu.memref_slice %arg3[%add3A_385, %dma_wait3A_419] : memref<100000x512xf32, #tpu.memory_space<hbm>> -> memref<112x512xf32, #tpu.memory_space<hbm>>
    %dma_wait3A_421 = arith.constant 0 : i32
    %dma_wait3A_422 = arith.constant 0 : i32
    %dma_wait3A_423 = tpu.memref_slice %arg4[%dma_wait3A_412, %dma_wait3A_421, %dma_wait3A_422] : memref<2x112x512xf32, #tpu.memory_space<vmem>> -> memref<1x112x512xf32, #tpu.memory_space<vmem>>
    %dma_wait3A_424 = tpu.memref_squeeze %dma_wait3A_423 : memref<1x112x512xf32, #tpu.memory_space<vmem>> -> memref<112x512xf32, #tpu.memory_space<vmem>>
    tpu.wait_dma2 semaphore(%arg7 : memref<!tpu.dma_semaphore, #tpu.memory_space<semaphore_mem>>) src(%dma_wait3A_424 : memref<112x512xf32, #tpu.memory_space<vmem>>) dst(%dma_wait3A_420 : memref<112x512xf32, #tpu.memory_space<hbm>>)
    %add3A_425 = arith.constant 896 : i32
    %add3A_426 = arith.addi %multiple_of3A, %add3A_425 : i32
    %dma_start3A_427 = arith.constant 0 : i32
    %dma_start3A_428 = arith.constant 0 : i32
    %dma_start3A_429 = arith.constant 0 : i32
    %dma_start3A_430 = tpu.memref_slice %arg4[%dma_start3A_427, %dma_start3A_428, %dma_start3A_429] : memref<2x112x512xf32, #tpu.memory_space<vmem>> -> memref<1x112x512xf32, #tpu.memory_space<vmem>>
    %dma_start3A_431 = tpu.memref_squeeze %dma_start3A_430 : memref<1x112x512xf32, #tpu.memory_space<vmem>> -> memref<112x512xf32, #tpu.memory_space<vmem>>
    %dma_start3A_432 = arith.constant 0 : i32
    %dma_start3A_433 = tpu.memref_slice %arg2[%add3A_426, %dma_start3A_432] : memref<100000x512xf32, #tpu.memory_space<hbm>> -> memref<112x512xf32, #tpu.memory_space<hbm>>
    %dma_start3A_434 = arith.constant 0 : i32
    %dma_start3A_435 = arith.constant 0 : i32
    %dma_start3A_436 = tpu.memref_slice %arg4[%dma_start3A_427, %dma_start3A_434, %dma_start3A_435] : memref<2x112x512xf32, #tpu.memory_space<vmem>> -> memref<1x112x512xf32, #tpu.memory_space<vmem>>
    %dma_start3A_437 = tpu.memref_squeeze %dma_start3A_436 : memref<1x112x512xf32, #tpu.memory_space<vmem>> -> memref<112x512xf32, #tpu.memory_space<vmem>>
    %dma_start3A_438 = arith.constant 0 : i32
    %dma_start3A_439 = tpu.memref_slice %arg2[%add3A_426, %dma_start3A_438] : memref<100000x512xf32, #tpu.memory_space<hbm>> -> memref<112x512xf32, #tpu.memory_space<hbm>>
    tpu.enqueue_dma source(%dma_start3A_439 : memref<112x512xf32, #tpu.memory_space<hbm>>) target(%dma_start3A_437 : memref<112x512xf32, #tpu.memory_space<vmem>>) target_semaphore(%arg5 : memref<!tpu.dma_semaphore, #tpu.memory_space<semaphore_mem>>)
    %add3A_440 = arith.constant 784 : i32
    %add3A_441 = arith.addi %multiple_of3A, %add3A_440 : i32
    %dma_start3A_442 = arith.constant 1 : i32
    %dma_start3A_443 = arith.constant 0 : i32
    %dma_start3A_444 = arith.constant 0 : i32
    %dma_start3A_445 = tpu.memref_slice %arg4[%dma_start3A_442, %dma_start3A_443, %dma_start3A_444] : memref<2x112x512xf32, #tpu.memory_space<vmem>> -> memref<1x112x512xf32, #tpu.memory_space<vmem>>
    %dma_start3A_446 = tpu.memref_squeeze %dma_start3A_445 : memref<1x112x512xf32, #tpu.memory_space<vmem>> -> memref<112x512xf32, #tpu.memory_space<vmem>>
    %dma_start3A_447 = arith.constant 0 : i32
    %dma_start3A_448 = tpu.memref_slice %arg3[%add3A_441, %dma_start3A_447] : memref<100000x512xf32, #tpu.memory_space<hbm>> -> memref<112x512xf32, #tpu.memory_space<hbm>>
    %dma_start3A_449 = arith.constant 0 : i32
    %dma_start3A_450 = tpu.memref_slice %arg3[%add3A_441, %dma_start3A_449] : memref<100000x512xf32, #tpu.memory_space<hbm>> -> memref<112x512xf32, #tpu.memory_space<hbm>>
    %dma_start3A_451 = arith.constant 0 : i32
    %dma_start3A_452 = arith.constant 0 : i32
    %dma_start3A_453 = tpu.memref_slice %arg4[%dma_start3A_442, %dma_start3A_451, %dma_start3A_452] : memref<2x112x512xf32, #tpu.memory_space<vmem>> -> memref<1x112x512xf32, #tpu.memory_space<vmem>>
    %dma_start3A_454 = tpu.memref_squeeze %dma_start3A_453 : memref<1x112x512xf32, #tpu.memory_space<vmem>> -> memref<112x512xf32, #tpu.memory_space<vmem>>
    tpu.enqueue_dma source(%dma_start3A_454 : memref<112x512xf32, #tpu.memory_space<vmem>>) target(%dma_start3A_450 : memref<112x512xf32, #tpu.memory_space<hbm>>) target_semaphore(%arg8 : memref<!tpu.dma_semaphore, #tpu.memory_space<semaphore_mem>>)
    %dma_wait3A_455 = arith.constant 0 : i32
    %dma_wait3A_456 = arith.constant 0 : i32
    %dma_wait3A_457 = arith.constant 0 : i32
    %dma_wait3A_458 = tpu.memref_slice %arg4[%dma_wait3A_455, %dma_wait3A_456, %dma_wait3A_457] : memref<2x112x512xf32, #tpu.memory_space<vmem>> -> memref<1x112x512xf32, #tpu.memory_space<vmem>>
    %dma_wait3A_459 = tpu.memref_squeeze %dma_wait3A_458 : memref<1x112x512xf32, #tpu.memory_space<vmem>> -> memref<112x512xf32, #tpu.memory_space<vmem>>
    %dma_wait3A_460 = arith.constant 0 : i32
    %dma_wait3A_461 = tpu.memref_slice %arg2[%add3A_426, %dma_wait3A_460] : memref<100000x512xf32, #tpu.memory_space<hbm>> -> memref<112x512xf32, #tpu.memory_space<hbm>>
    %dma_wait3A_462 = arith.constant 0 : i32
    %dma_wait3A_463 = arith.constant 0 : i32
    %dma_wait3A_464 = tpu.memref_slice %arg4[%dma_wait3A_455, %dma_wait3A_462, %dma_wait3A_463] : memref<2x112x512xf32, #tpu.memory_space<vmem>> -> memref<1x112x512xf32, #tpu.memory_space<vmem>>
    %dma_wait3A_465 = tpu.memref_squeeze %dma_wait3A_464 : memref<1x112x512xf32, #tpu.memory_space<vmem>> -> memref<112x512xf32, #tpu.memory_space<vmem>>
    %dma_wait3A_466 = arith.constant 0 : i32
    %dma_wait3A_467 = tpu.memref_slice %arg2[%add3A_426, %dma_wait3A_466] : memref<100000x512xf32, #tpu.memory_space<hbm>> -> memref<112x512xf32, #tpu.memory_space<hbm>>
    tpu.wait_dma2 semaphore(%arg5 : memref<!tpu.dma_semaphore, #tpu.memory_space<semaphore_mem>>) src(%dma_wait3A_467 : memref<112x512xf32, #tpu.memory_space<hbm>>) dst(%dma_wait3A_465 : memref<112x512xf32, #tpu.memory_space<vmem>>)
    %dma_wait3A_468 = arith.constant 1 : i32
    %dma_wait3A_469 = arith.constant 0 : i32
    %dma_wait3A_470 = arith.constant 0 : i32
    %dma_wait3A_471 = tpu.memref_slice %arg4[%dma_wait3A_468, %dma_wait3A_469, %dma_wait3A_470] : memref<2x112x512xf32, #tpu.memory_space<vmem>> -> memref<1x112x512xf32, #tpu.memory_space<vmem>>
    %dma_wait3A_472 = tpu.memref_squeeze %dma_wait3A_471 : memref<1x112x512xf32, #tpu.memory_space<vmem>> -> memref<112x512xf32, #tpu.memory_space<vmem>>
    %dma_wait3A_473 = arith.constant 0 : i32
    %dma_wait3A_474 = tpu.memref_slice %arg3[%add3A_441, %dma_wait3A_473] : memref<100000x512xf32, #tpu.memory_space<hbm>> -> memref<112x512xf32, #tpu.memory_space<hbm>>
    %dma_wait3A_475 = arith.constant 0 : i32
    %dma_wait3A_476 = tpu.memref_slice %arg3[%add3A_441, %dma_wait3A_475] : memref<100000x512xf32, #tpu.memory_space<hbm>> -> memref<112x512xf32, #tpu.memory_space<hbm>>
    %dma_wait3A_477 = arith.constant 0 : i32
    %dma_wait3A_478 = arith.constant 0 : i32
    %dma_wait3A_479 = tpu.memref_slice %arg4[%dma_wait3A_468, %dma_wait3A_477, %dma_wait3A_478] : memref<2x112x512xf32, #tpu.memory_space<vmem>> -> memref<1x112x512xf32, #tpu.memory_space<vmem>>
    %dma_wait3A_480 = tpu.memref_squeeze %dma_wait3A_479 : memref<1x112x512xf32, #tpu.memory_space<vmem>> -> memref<112x512xf32, #tpu.memory_space<vmem>>
    tpu.wait_dma2 semaphore(%arg8 : memref<!tpu.dma_semaphore, #tpu.memory_space<semaphore_mem>>) src(%dma_wait3A_480 : memref<112x512xf32, #tpu.memory_space<vmem>>) dst(%dma_wait3A_476 : memref<112x512xf32, #tpu.memory_space<hbm>>)
    %add3A_481 = arith.constant 1008 : i32
    %add3A_482 = arith.addi %multiple_of3A, %add3A_481 : i32
    %dma_start3A_483 = arith.constant 1 : i32
    %dma_start3A_484 = arith.constant 0 : i32
    %dma_start3A_485 = arith.constant 0 : i32
    %dma_start3A_486 = tpu.memref_slice %arg4[%dma_start3A_483, %dma_start3A_484, %dma_start3A_485] : memref<2x112x512xf32, #tpu.memory_space<vmem>> -> memref<1x112x512xf32, #tpu.memory_space<vmem>>
    %dma_start3A_487 = tpu.memref_squeeze %dma_start3A_486 : memref<1x112x512xf32, #tpu.memory_space<vmem>> -> memref<112x512xf32, #tpu.memory_space<vmem>>
    %dma_start3A_488 = arith.constant 0 : i32
    %dma_start3A_489 = tpu.memref_slice %arg2[%add3A_482, %dma_start3A_488] : memref<100000x512xf32, #tpu.memory_space<hbm>> -> memref<112x512xf32, #tpu.memory_space<hbm>>
    %dma_start3A_490 = arith.constant 0 : i32
    %dma_start3A_491 = arith.constant 0 : i32
    %dma_start3A_492 = tpu.memref_slice %arg4[%dma_start3A_483, %dma_start3A_490, %dma_start3A_491] : memref<2x112x512xf32, #tpu.memory_space<vmem>> -> memref<1x112x512xf32, #tpu.memory_space<vmem>>
    %dma_start3A_493 = tpu.memref_squeeze %dma_start3A_492 : memref<1x112x512xf32, #tpu.memory_space<vmem>> -> memref<112x512xf32, #tpu.memory_space<vmem>>
    %dma_start3A_494 = arith.constant 0 : i32
    %dma_start3A_495 = tpu.memref_slice %arg2[%add3A_482, %dma_start3A_494] : memref<100000x512xf32, #tpu.memory_space<hbm>> -> memref<112x512xf32, #tpu.memory_space<hbm>>
    tpu.enqueue_dma source(%dma_start3A_495 : memref<112x512xf32, #tpu.memory_space<hbm>>) target(%dma_start3A_493 : memref<112x512xf32, #tpu.memory_space<vmem>>) target_semaphore(%arg6 : memref<!tpu.dma_semaphore, #tpu.memory_space<semaphore_mem>>)
    %add3A_496 = arith.constant 896 : i32
    %add3A_497 = arith.addi %multiple_of3A, %add3A_496 : i32
    %dma_start3A_498 = arith.constant 0 : i32
    %dma_start3A_499 = arith.constant 0 : i32
    %dma_start3A_500 = arith.constant 0 : i32
    %dma_start3A_501 = tpu.memref_slice %arg4[%dma_start3A_498, %dma_start3A_499, %dma_start3A_500] : memref<2x112x512xf32, #tpu.memory_space<vmem>> -> memref<1x112x512xf32, #tpu.memory_space<vmem>>
    %dma_start3A_502 = tpu.memref_squeeze %dma_start3A_501 : memref<1x112x512xf32, #tpu.memory_space<vmem>> -> memref<112x512xf32, #tpu.memory_space<vmem>>
    %dma_start3A_503 = arith.constant 0 : i32
    %dma_start3A_504 = tpu.memref_slice %arg3[%add3A_497, %dma_start3A_503] : memref<100000x512xf32, #tpu.memory_space<hbm>> -> memref<112x512xf32, #tpu.memory_space<hbm>>
    %dma_start3A_505 = arith.constant 0 : i32
    %dma_start3A_506 = tpu.memref_slice %arg3[%add3A_497, %dma_start3A_505] : memref<100000x512xf32, #tpu.memory_space<hbm>> -> memref<112x512xf32, #tpu.memory_space<hbm>>
    %dma_start3A_507 = arith.constant 0 : i32
    %dma_start3A_508 = arith.constant 0 : i32
    %dma_start3A_509 = tpu.memref_slice %arg4[%dma_start3A_498, %dma_start3A_507, %dma_start3A_508] : memref<2x112x512xf32, #tpu.memory_space<vmem>> -> memref<1x112x512xf32, #tpu.memory_space<vmem>>
    %dma_start3A_510 = tpu.memref_squeeze %dma_start3A_509 : memref<1x112x512xf32, #tpu.memory_space<vmem>> -> memref<112x512xf32, #tpu.memory_space<vmem>>
    tpu.enqueue_dma source(%dma_start3A_510 : memref<112x512xf32, #tpu.memory_space<vmem>>) target(%dma_start3A_506 : memref<112x512xf32, #tpu.memory_space<hbm>>) target_semaphore(%arg7 : memref<!tpu.dma_semaphore, #tpu.memory_space<semaphore_mem>>)
    %dma_wait3A_511 = arith.constant 1 : i32
    %dma_wait3A_512 = arith.constant 0 : i32
    %dma_wait3A_513 = arith.constant 0 : i32
    %dma_wait3A_514 = tpu.memref_slice %arg4[%dma_wait3A_511, %dma_wait3A_512, %dma_wait3A_513] : memref<2x112x512xf32, #tpu.memory_space<vmem>> -> memref<1x112x512xf32, #tpu.memory_space<vmem>>
    %dma_wait3A_515 = tpu.memref_squeeze %dma_wait3A_514 : memref<1x112x512xf32, #tpu.memory_space<vmem>> -> memref<112x512xf32, #tpu.memory_space<vmem>>
    %dma_wait3A_516 = arith.constant 0 : i32
    %dma_wait3A_517 = tpu.memref_slice %arg2[%add3A_482, %dma_wait3A_516] : memref<100000x512xf32, #tpu.memory_space<hbm>> -> memref<112x512xf32, #tpu.memory_space<hbm>>
    %dma_wait3A_518 = arith.constant 0 : i32
    %dma_wait3A_519 = arith.constant 0 : i32
    %dma_wait3A_520 = tpu.memref_slice %arg4[%dma_wait3A_511, %dma_wait3A_518, %dma_wait3A_519] : memref<2x112x512xf32, #tpu.memory_space<vmem>> -> memref<1x112x512xf32, #tpu.memory_space<vmem>>
    %dma_wait3A_521 = tpu.memref_squeeze %dma_wait3A_520 : memref<1x112x512xf32, #tpu.memory_space<vmem>> -> memref<112x512xf32, #tpu.memory_space<vmem>>
    %dma_wait3A_522 = arith.constant 0 : i32
    %dma_wait3A_523 = tpu.memref_slice %arg2[%add3A_482, %dma_wait3A_522] : memref<100000x512xf32, #tpu.memory_space<hbm>> -> memref<112x512xf32, #tpu.memory_space<hbm>>
    tpu.wait_dma2 semaphore(%arg6 : memref<!tpu.dma_semaphore, #tpu.memory_space<semaphore_mem>>) src(%dma_wait3A_523 : memref<112x512xf32, #tpu.memory_space<hbm>>) dst(%dma_wait3A_521 : memref<112x512xf32, #tpu.memory_space<vmem>>)
    %dma_wait3A_524 = arith.constant 0 : i32
    %dma_wait3A_525 = arith.constant 0 : i32
    %dma_wait3A_526 = arith.constant 0 : i32
    %dma_wait3A_527 = tpu.memref_slice %arg4[%dma_wait3A_524, %dma_wait3A_525, %dma_wait3A_526] : memref<2x112x512xf32, #tpu.memory_space<vmem>> -> memref<1x112x512xf32, #tpu.memory_space<vmem>>
    %dma_wait3A_528 = tpu.memref_squeeze %dma_wait3A_527 : memref<1x112x512xf32, #tpu.memory_space<vmem>> -> memref<112x512xf32, #tpu.memory_space<vmem>>
    %dma_wait3A_529 = arith.constant 0 : i32
    %dma_wait3A_530 = tpu.memref_slice %arg3[%add3A_497, %dma_wait3A_529] : memref<100000x512xf32, #tpu.memory_space<hbm>> -> memref<112x512xf32, #tpu.memory_space<hbm>>
    %dma_wait3A_531 = arith.constant 0 : i32
    %dma_wait3A_532 = tpu.memref_slice %arg3[%add3A_497, %dma_wait3A_531] : memref<100000x512xf32, #tpu.memory_space<hbm>> -> memref<112x512xf32, #tpu.memory_space<hbm>>
    %dma_wait3A_533 = arith.constant 0 : i32
    %dma_wait3A_534 = arith.constant 0 : i32
    %dma_wait3A_535 = tpu.memref_slice %arg4[%dma_wait3A_524, %dma_wait3A_533, %dma_wait3A_534] : memref<2x112x512xf32, #tpu.memory_space<vmem>> -> memref<1x112x512xf32, #tpu.memory_space<vmem>>
    %dma_wait3A_536 = tpu.memref_squeeze %dma_wait3A_535 : memref<1x112x512xf32, #tpu.memory_space<vmem>> -> memref<112x512xf32, #tpu.memory_space<vmem>>
    tpu.wait_dma2 semaphore(%arg7 : memref<!tpu.dma_semaphore, #tpu.memory_space<semaphore_mem>>) src(%dma_wait3A_536 : memref<112x512xf32, #tpu.memory_space<vmem>>) dst(%dma_wait3A_532 : memref<112x512xf32, #tpu.memory_space<hbm>>)
    %add3A_537 = arith.constant 1120 : i32
    %add3A_538 = arith.addi %multiple_of3A, %add3A_537 : i32
    %dma_start3A_539 = arith.constant 0 : i32
    %dma_start3A_540 = arith.constant 0 : i32
    %dma_start3A_541 = arith.constant 0 : i32
    %dma_start3A_542 = tpu.memref_slice %arg4[%dma_start3A_539, %dma_start3A_540, %dma_start3A_541] : memref<2x112x512xf32, #tpu.memory_space<vmem>> -> memref<1x112x512xf32, #tpu.memory_space<vmem>>
    %dma_start3A_543 = tpu.memref_squeeze %dma_start3A_542 : memref<1x112x512xf32, #tpu.memory_space<vmem>> -> memref<112x512xf32, #tpu.memory_space<vmem>>
    %dma_start3A_544 = arith.constant 0 : i32
    %dma_start3A_545 = tpu.memref_slice %arg2[%add3A_538, %dma_start3A_544] : memref<100000x512xf32, #tpu.memory_space<hbm>> -> memref<112x512xf32, #tpu.memory_space<hbm>>
    %dma_start3A_546 = arith.constant 0 : i32
    %dma_start3A_547 = arith.constant 0 : i32
    %dma_start3A_548 = tpu.memref_slice %arg4[%dma_start3A_539, %dma_start3A_546, %dma_start3A_547] : memref<2x112x512xf32, #tpu.memory_space<vmem>> -> memref<1x112x512xf32, #tpu.memory_space<vmem>>
    %dma_start3A_549 = tpu.memref_squeeze %dma_start3A_548 : memref<1x112x512xf32, #tpu.memory_space<vmem>> -> memref<112x512xf32, #tpu.memory_space<vmem>>
    %dma_start3A_550 = arith.constant 0 : i32
    %dma_start3A_551 = tpu.memref_slice %arg2[%add3A_538, %dma_start3A_550] : memref<100000x512xf32, #tpu.memory_space<hbm>> -> memref<112x512xf32, #tpu.memory_space<hbm>>
    tpu.enqueue_dma source(%dma_start3A_551 : memref<112x512xf32, #tpu.memory_space<hbm>>) target(%dma_start3A_549 : memref<112x512xf32, #tpu.memory_space<vmem>>) target_semaphore(%arg5 : memref<!tpu.dma_semaphore, #tpu.memory_space<semaphore_mem>>)
    %add3A_552 = arith.constant 1008 : i32
    %add3A_553 = arith.addi %multiple_of3A, %add3A_552 : i32
    %dma_start3A_554 = arith.constant 1 : i32
    %dma_start3A_555 = arith.constant 0 : i32
    %dma_start3A_556 = arith.constant 0 : i32
    %dma_start3A_557 = tpu.memref_slice %arg4[%dma_start3A_554, %dma_start3A_555, %dma_start3A_556] : memref<2x112x512xf32, #tpu.memory_space<vmem>> -> memref<1x112x512xf32, #tpu.memory_space<vmem>>
    %dma_start3A_558 = tpu.memref_squeeze %dma_start3A_557 : memref<1x112x512xf32, #tpu.memory_space<vmem>> -> memref<112x512xf32, #tpu.memory_space<vmem>>
    %dma_start3A_559 = arith.constant 0 : i32
    %dma_start3A_560 = tpu.memref_slice %arg3[%add3A_553, %dma_start3A_559] : memref<100000x512xf32, #tpu.memory_space<hbm>> -> memref<112x512xf32, #tpu.memory_space<hbm>>
    %dma_start3A_561 = arith.constant 0 : i32
    %dma_start3A_562 = tpu.memref_slice %arg3[%add3A_553, %dma_start3A_561] : memref<100000x512xf32, #tpu.memory_space<hbm>> -> memref<112x512xf32, #tpu.memory_space<hbm>>
    %dma_start3A_563 = arith.constant 0 : i32
    %dma_start3A_564 = arith.constant 0 : i32
    %dma_start3A_565 = tpu.memref_slice %arg4[%dma_start3A_554, %dma_start3A_563, %dma_start3A_564] : memref<2x112x512xf32, #tpu.memory_space<vmem>> -> memref<1x112x512xf32, #tpu.memory_space<vmem>>
    %dma_start3A_566 = tpu.memref_squeeze %dma_start3A_565 : memref<1x112x512xf32, #tpu.memory_space<vmem>> -> memref<112x512xf32, #tpu.memory_space<vmem>>
    tpu.enqueue_dma source(%dma_start3A_566 : memref<112x512xf32, #tpu.memory_space<vmem>>) target(%dma_start3A_562 : memref<112x512xf32, #tpu.memory_space<hbm>>) target_semaphore(%arg8 : memref<!tpu.dma_semaphore, #tpu.memory_space<semaphore_mem>>)
    %dma_wait3A_567 = arith.constant 0 : i32
    %dma_wait3A_568 = arith.constant 0 : i32
    %dma_wait3A_569 = arith.constant 0 : i32
    %dma_wait3A_570 = tpu.memref_slice %arg4[%dma_wait3A_567, %dma_wait3A_568, %dma_wait3A_569] : memref<2x112x512xf32, #tpu.memory_space<vmem>> -> memref<1x112x512xf32, #tpu.memory_space<vmem>>
    %dma_wait3A_571 = tpu.memref_squeeze %dma_wait3A_570 : memref<1x112x512xf32, #tpu.memory_space<vmem>> -> memref<112x512xf32, #tpu.memory_space<vmem>>
    %dma_wait3A_572 = arith.constant 0 : i32
    %dma_wait3A_573 = tpu.memref_slice %arg2[%add3A_538, %dma_wait3A_572] : memref<100000x512xf32, #tpu.memory_space<hbm>> -> memref<112x512xf32, #tpu.memory_space<hbm>>
    %dma_wait3A_574 = arith.constant 0 : i32
    %dma_wait3A_575 = arith.constant 0 : i32
    %dma_wait3A_576 = tpu.memref_slice %arg4[%dma_wait3A_567, %dma_wait3A_574, %dma_wait3A_575] : memref<2x112x512xf32, #tpu.memory_space<vmem>> -> memref<1x112x512xf32, #tpu.memory_space<vmem>>
    %dma_wait3A_577 = tpu.memref_squeeze %dma_wait3A_576 : memref<1x112x512xf32, #tpu.memory_space<vmem>> -> memref<112x512xf32, #tpu.memory_space<vmem>>
    %dma_wait3A_578 = arith.constant 0 : i32
    %dma_wait3A_579 = tpu.memref_slice %arg2[%add3A_538, %dma_wait3A_578] : memref<100000x512xf32, #tpu.memory_space<hbm>> -> memref<112x512xf32, #tpu.memory_space<hbm>>
    tpu.wait_dma2 semaphore(%arg5 : memref<!tpu.dma_semaphore, #tpu.memory_space<semaphore_mem>>) src(%dma_wait3A_579 : memref<112x512xf32, #tpu.memory_space<hbm>>) dst(%dma_wait3A_577 : memref<112x512xf32, #tpu.memory_space<vmem>>)
    %dma_wait3A_580 = arith.constant 1 : i32
    %dma_wait3A_581 = arith.constant 0 : i32
    %dma_wait3A_582 = arith.constant 0 : i32
    %dma_wait3A_583 = tpu.memref_slice %arg4[%dma_wait3A_580, %dma_wait3A_581, %dma_wait3A_582] : memref<2x112x512xf32, #tpu.memory_space<vmem>> -> memref<1x112x512xf32, #tpu.memory_space<vmem>>
    %dma_wait3A_584 = tpu.memref_squeeze %dma_wait3A_583 : memref<1x112x512xf32, #tpu.memory_space<vmem>> -> memref<112x512xf32, #tpu.memory_space<vmem>>
    %dma_wait3A_585 = arith.constant 0 : i32
    %dma_wait3A_586 = tpu.memref_slice %arg3[%add3A_553, %dma_wait3A_585] : memref<100000x512xf32, #tpu.memory_space<hbm>> -> memref<112x512xf32, #tpu.memory_space<hbm>>
    %dma_wait3A_587 = arith.constant 0 : i32
    %dma_wait3A_588 = tpu.memref_slice %arg3[%add3A_553, %dma_wait3A_587] : memref<100000x512xf32, #tpu.memory_space<hbm>> -> memref<112x512xf32, #tpu.memory_space<hbm>>
    %dma_wait3A_589 = arith.constant 0 : i32
    %dma_wait3A_590 = arith.constant 0 : i32
    %dma_wait3A_591 = tpu.memref_slice %arg4[%dma_wait3A_580, %dma_wait3A_589, %dma_wait3A_590] : memref<2x112x512xf32, #tpu.memory_space<vmem>> -> memref<1x112x512xf32, #tpu.memory_space<vmem>>
    %dma_wait3A_592 = tpu.memref_squeeze %dma_wait3A_591 : memref<1x112x512xf32, #tpu.memory_space<vmem>> -> memref<112x512xf32, #tpu.memory_space<vmem>>
    tpu.wait_dma2 semaphore(%arg8 : memref<!tpu.dma_semaphore, #tpu.memory_space<semaphore_mem>>) src(%dma_wait3A_592 : memref<112x512xf32, #tpu.memory_space<vmem>>) dst(%dma_wait3A_588 : memref<112x512xf32, #tpu.memory_space<hbm>>)
    %add3A_593 = arith.constant 1232 : i32
    %add3A_594 = arith.addi %multiple_of3A, %add3A_593 : i32
    %dma_start3A_595 = arith.constant 1 : i32
    %dma_start3A_596 = arith.constant 0 : i32
    %dma_start3A_597 = arith.constant 0 : i32
    %dma_start3A_598 = tpu.memref_slice %arg4[%dma_start3A_595, %dma_start3A_596, %dma_start3A_597] : memref<2x112x512xf32, #tpu.memory_space<vmem>> -> memref<1x112x512xf32, #tpu.memory_space<vmem>>
    %dma_start3A_599 = tpu.memref_squeeze %dma_start3A_598 : memref<1x112x512xf32, #tpu.memory_space<vmem>> -> memref<112x512xf32, #tpu.memory_space<vmem>>
    %dma_start3A_600 = arith.constant 0 : i32
    %dma_start3A_601 = tpu.memref_slice %arg2[%add3A_594, %dma_start3A_600] : memref<100000x512xf32, #tpu.memory_space<hbm>> -> memref<112x512xf32, #tpu.memory_space<hbm>>
    %dma_start3A_602 = arith.constant 0 : i32
    %dma_start3A_603 = arith.constant 0 : i32
    %dma_start3A_604 = tpu.memref_slice %arg4[%dma_start3A_595, %dma_start3A_602, %dma_start3A_603] : memref<2x112x512xf32, #tpu.memory_space<vmem>> -> memref<1x112x512xf32, #tpu.memory_space<vmem>>
    %dma_start3A_605 = tpu.memref_squeeze %dma_start3A_604 : memref<1x112x512xf32, #tpu.memory_space<vmem>> -> memref<112x512xf32, #tpu.memory_space<vmem>>
    %dma_start3A_606 = arith.constant 0 : i32
    %dma_start3A_607 = tpu.memref_slice %arg2[%add3A_594, %dma_start3A_606] : memref<100000x512xf32, #tpu.memory_space<hbm>> -> memref<112x512xf32, #tpu.memory_space<hbm>>
    tpu.enqueue_dma source(%dma_start3A_607 : memref<112x512xf32, #tpu.memory_space<hbm>>) target(%dma_start3A_605 : memref<112x512xf32, #tpu.memory_space<vmem>>) target_semaphore(%arg6 : memref<!tpu.dma_semaphore, #tpu.memory_space<semaphore_mem>>)
    %add3A_608 = arith.constant 1120 : i32
    %add3A_609 = arith.addi %multiple_of3A, %add3A_608 : i32
    %dma_start3A_610 = arith.constant 0 : i32
    %dma_start3A_611 = arith.constant 0 : i32
    %dma_start3A_612 = arith.constant 0 : i32
    %dma_start3A_613 = tpu.memref_slice %arg4[%dma_start3A_610, %dma_start3A_611, %dma_start3A_612] : memref<2x112x512xf32, #tpu.memory_space<vmem>> -> memref<1x112x512xf32, #tpu.memory_space<vmem>>
    %dma_start3A_614 = tpu.memref_squeeze %dma_start3A_613 : memref<1x112x512xf32, #tpu.memory_space<vmem>> -> memref<112x512xf32, #tpu.memory_space<vmem>>
    %dma_start3A_615 = arith.constant 0 : i32
    %dma_start3A_616 = tpu.memref_slice %arg3[%add3A_609, %dma_start3A_615] : memref<100000x512xf32, #tpu.memory_space<hbm>> -> memref<112x512xf32, #tpu.memory_space<hbm>>
    %dma_start3A_617 = arith.constant 0 : i32
    %dma_start3A_618 = tpu.memref_slice %arg3[%add3A_609, %dma_start3A_617] : memref<100000x512xf32, #tpu.memory_space<hbm>> -> memref<112x512xf32, #tpu.memory_space<hbm>>
    %dma_start3A_619 = arith.constant 0 : i32
    %dma_start3A_620 = arith.constant 0 : i32
    %dma_start3A_621 = tpu.memref_slice %arg4[%dma_start3A_610, %dma_start3A_619, %dma_start3A_620] : memref<2x112x512xf32, #tpu.memory_space<vmem>> -> memref<1x112x512xf32, #tpu.memory_space<vmem>>
    %dma_start3A_622 = tpu.memref_squeeze %dma_start3A_621 : memref<1x112x512xf32, #tpu.memory_space<vmem>> -> memref<112x512xf32, #tpu.memory_space<vmem>>
    tpu.enqueue_dma source(%dma_start3A_622 : memref<112x512xf32, #tpu.memory_space<vmem>>) target(%dma_start3A_618 : memref<112x512xf32, #tpu.memory_space<hbm>>) target_semaphore(%arg7 : memref<!tpu.dma_semaphore, #tpu.memory_space<semaphore_mem>>)
    %dma_wait3A_623 = arith.constant 1 : i32
    %dma_wait3A_624 = arith.constant 0 : i32
    %dma_wait3A_625 = arith.constant 0 : i32
    %dma_wait3A_626 = tpu.memref_slice %arg4[%dma_wait3A_623, %dma_wait3A_624, %dma_wait3A_625] : memref<2x112x512xf32, #tpu.memory_space<vmem>> -> memref<1x112x512xf32, #tpu.memory_space<vmem>>
    %dma_wait3A_627 = tpu.memref_squeeze %dma_wait3A_626 : memref<1x112x512xf32, #tpu.memory_space<vmem>> -> memref<112x512xf32, #tpu.memory_space<vmem>>
    %dma_wait3A_628 = arith.constant 0 : i32
    %dma_wait3A_629 = tpu.memref_slice %arg2[%add3A_594, %dma_wait3A_628] : memref<100000x512xf32, #tpu.memory_space<hbm>> -> memref<112x512xf32, #tpu.memory_space<hbm>>
    %dma_wait3A_630 = arith.constant 0 : i32
    %dma_wait3A_631 = arith.constant 0 : i32
    %dma_wait3A_632 = tpu.memref_slice %arg4[%dma_wait3A_623, %dma_wait3A_630, %dma_wait3A_631] : memref<2x112x512xf32, #tpu.memory_space<vmem>> -> memref<1x112x512xf32, #tpu.memory_space<vmem>>
    %dma_wait3A_633 = tpu.memref_squeeze %dma_wait3A_632 : memref<1x112x512xf32, #tpu.memory_space<vmem>> -> memref<112x512xf32, #tpu.memory_space<vmem>>
    %dma_wait3A_634 = arith.constant 0 : i32
    %dma_wait3A_635 = tpu.memref_slice %arg2[%add3A_594, %dma_wait3A_634] : memref<100000x512xf32, #tpu.memory_space<hbm>> -> memref<112x512xf32, #tpu.memory_space<hbm>>
    tpu.wait_dma2 semaphore(%arg6 : memref<!tpu.dma_semaphore, #tpu.memory_space<semaphore_mem>>) src(%dma_wait3A_635 : memref<112x512xf32, #tpu.memory_space<hbm>>) dst(%dma_wait3A_633 : memref<112x512xf32, #tpu.memory_space<vmem>>)
    %dma_wait3A_636 = arith.constant 0 : i32
    %dma_wait3A_637 = arith.constant 0 : i32
    %dma_wait3A_638 = arith.constant 0 : i32
    %dma_wait3A_639 = tpu.memref_slice %arg4[%dma_wait3A_636, %dma_wait3A_637, %dma_wait3A_638] : memref<2x112x512xf32, #tpu.memory_space<vmem>> -> memref<1x112x512xf32, #tpu.memory_space<vmem>>
    %dma_wait3A_640 = tpu.memref_squeeze %dma_wait3A_639 : memref<1x112x512xf32, #tpu.memory_space<vmem>> -> memref<112x512xf32, #tpu.memory_space<vmem>>
    %dma_wait3A_641 = arith.constant 0 : i32
    %dma_wait3A_642 = tpu.memref_slice %arg3[%add3A_609, %dma_wait3A_641] : memref<100000x512xf32, #tpu.memory_space<hbm>> -> memref<112x512xf32, #tpu.memory_space<hbm>>
    %dma_wait3A_643 = arith.constant 0 : i32
    %dma_wait3A_644 = tpu.memref_slice %arg3[%add3A_609, %dma_wait3A_643] : memref<100000x512xf32, #tpu.memory_space<hbm>> -> memref<112x512xf32, #tpu.memory_space<hbm>>
    %dma_wait3A_645 = arith.constant 0 : i32
    %dma_wait3A_646 = arith.constant 0 : i32
    %dma_wait3A_647 = tpu.memref_slice %arg4[%dma_wait3A_636, %dma_wait3A_645, %dma_wait3A_646] : memref<2x112x512xf32, #tpu.memory_space<vmem>> -> memref<1x112x512xf32, #tpu.memory_space<vmem>>
    %dma_wait3A_648 = tpu.memref_squeeze %dma_wait3A_647 : memref<1x112x512xf32, #tpu.memory_space<vmem>> -> memref<112x512xf32, #tpu.memory_space<vmem>>
    tpu.wait_dma2 semaphore(%arg7 : memref<!tpu.dma_semaphore, #tpu.memory_space<semaphore_mem>>) src(%dma_wait3A_648 : memref<112x512xf32, #tpu.memory_space<vmem>>) dst(%dma_wait3A_644 : memref<112x512xf32, #tpu.memory_space<hbm>>)
    %add3A_649 = arith.constant 1344 : i32
    %add3A_650 = arith.addi %multiple_of3A, %add3A_649 : i32
    %dma_start3A_651 = arith.constant 0 : i32
    %dma_start3A_652 = arith.constant 0 : i32
    %dma_start3A_653 = arith.constant 0 : i32
    %dma_start3A_654 = tpu.memref_slice %arg4[%dma_start3A_651, %dma_start3A_652, %dma_start3A_653] : memref<2x112x512xf32, #tpu.memory_space<vmem>> -> memref<1x112x512xf32, #tpu.memory_space<vmem>>
    %dma_start3A_655 = tpu.memref_squeeze %dma_start3A_654 : memref<1x112x512xf32, #tpu.memory_space<vmem>> -> memref<112x512xf32, #tpu.memory_space<vmem>>
    %dma_start3A_656 = arith.constant 0 : i32
    %dma_start3A_657 = tpu.memref_slice %arg2[%add3A_650, %dma_start3A_656] : memref<100000x512xf32, #tpu.memory_space<hbm>> -> memref<112x512xf32, #tpu.memory_space<hbm>>
    %dma_start3A_658 = arith.constant 0 : i32
    %dma_start3A_659 = arith.constant 0 : i32
    %dma_start3A_660 = tpu.memref_slice %arg4[%dma_start3A_651, %dma_start3A_658, %dma_start3A_659] : memref<2x112x512xf32, #tpu.memory_space<vmem>> -> memref<1x112x512xf32, #tpu.memory_space<vmem>>
    %dma_start3A_661 = tpu.memref_squeeze %dma_start3A_660 : memref<1x112x512xf32, #tpu.memory_space<vmem>> -> memref<112x512xf32, #tpu.memory_space<vmem>>
    %dma_start3A_662 = arith.constant 0 : i32
    %dma_start3A_663 = tpu.memref_slice %arg2[%add3A_650, %dma_start3A_662] : memref<100000x512xf32, #tpu.memory_space<hbm>> -> memref<112x512xf32, #tpu.memory_space<hbm>>
    tpu.enqueue_dma source(%dma_start3A_663 : memref<112x512xf32, #tpu.memory_space<hbm>>) target(%dma_start3A_661 : memref<112x512xf32, #tpu.memory_space<vmem>>) target_semaphore(%arg5 : memref<!tpu.dma_semaphore, #tpu.memory_space<semaphore_mem>>)
    %add3A_664 = arith.constant 1232 : i32
    %add3A_665 = arith.addi %multiple_of3A, %add3A_664 : i32
    %dma_start3A_666 = arith.constant 1 : i32
    %dma_start3A_667 = arith.constant 0 : i32
    %dma_start3A_668 = arith.constant 0 : i32
    %dma_start3A_669 = tpu.memref_slice %arg4[%dma_start3A_666, %dma_start3A_667, %dma_start3A_668] : memref<2x112x512xf32, #tpu.memory_space<vmem>> -> memref<1x112x512xf32, #tpu.memory_space<vmem>>
    %dma_start3A_670 = tpu.memref_squeeze %dma_start3A_669 : memref<1x112x512xf32, #tpu.memory_space<vmem>> -> memref<112x512xf32, #tpu.memory_space<vmem>>
    %dma_start3A_671 = arith.constant 0 : i32
    %dma_start3A_672 = tpu.memref_slice %arg3[%add3A_665, %dma_start3A_671] : memref<100000x512xf32, #tpu.memory_space<hbm>> -> memref<112x512xf32, #tpu.memory_space<hbm>>
    %dma_start3A_673 = arith.constant 0 : i32
    %dma_start3A_674 = tpu.memref_slice %arg3[%add3A_665, %dma_start3A_673] : memref<100000x512xf32, #tpu.memory_space<hbm>> -> memref<112x512xf32, #tpu.memory_space<hbm>>
    %dma_start3A_675 = arith.constant 0 : i32
    %dma_start3A_676 = arith.constant 0 : i32
    %dma_start3A_677 = tpu.memref_slice %arg4[%dma_start3A_666, %dma_start3A_675, %dma_start3A_676] : memref<2x112x512xf32, #tpu.memory_space<vmem>> -> memref<1x112x512xf32, #tpu.memory_space<vmem>>
    %dma_start3A_678 = tpu.memref_squeeze %dma_start3A_677 : memref<1x112x512xf32, #tpu.memory_space<vmem>> -> memref<112x512xf32, #tpu.memory_space<vmem>>
    tpu.enqueue_dma source(%dma_start3A_678 : memref<112x512xf32, #tpu.memory_space<vmem>>) target(%dma_start3A_674 : memref<112x512xf32, #tpu.memory_space<hbm>>) target_semaphore(%arg8 : memref<!tpu.dma_semaphore, #tpu.memory_space<semaphore_mem>>)
    %dma_wait3A_679 = arith.constant 0 : i32
    %dma_wait3A_680 = arith.constant 0 : i32
    %dma_wait3A_681 = arith.constant 0 : i32
    %dma_wait3A_682 = tpu.memref_slice %arg4[%dma_wait3A_679, %dma_wait3A_680, %dma_wait3A_681] : memref<2x112x512xf32, #tpu.memory_space<vmem>> -> memref<1x112x512xf32, #tpu.memory_space<vmem>>
    %dma_wait3A_683 = tpu.memref_squeeze %dma_wait3A_682 : memref<1x112x512xf32, #tpu.memory_space<vmem>> -> memref<112x512xf32, #tpu.memory_space<vmem>>
    %dma_wait3A_684 = arith.constant 0 : i32
    %dma_wait3A_685 = tpu.memref_slice %arg2[%add3A_650, %dma_wait3A_684] : memref<100000x512xf32, #tpu.memory_space<hbm>> -> memref<112x512xf32, #tpu.memory_space<hbm>>
    %dma_wait3A_686 = arith.constant 0 : i32
    %dma_wait3A_687 = arith.constant 0 : i32
    %dma_wait3A_688 = tpu.memref_slice %arg4[%dma_wait3A_679, %dma_wait3A_686, %dma_wait3A_687] : memref<2x112x512xf32, #tpu.memory_space<vmem>> -> memref<1x112x512xf32, #tpu.memory_space<vmem>>
    %dma_wait3A_689 = tpu.memref_squeeze %dma_wait3A_688 : memref<1x112x512xf32, #tpu.memory_space<vmem>> -> memref<112x512xf32, #tpu.memory_space<vmem>>
    %dma_wait3A_690 = arith.constant 0 : i32
    %dma_wait3A_691 = tpu.memref_slice %arg2[%add3A_650, %dma_wait3A_690] : memref<100000x512xf32, #tpu.memory_space<hbm>> -> memref<112x512xf32, #tpu.memory_space<hbm>>
    tpu.wait_dma2 semaphore(%arg5 : memref<!tpu.dma_semaphore, #tpu.memory_space<semaphore_mem>>) src(%dma_wait3A_691 : memref<112x512xf32, #tpu.memory_space<hbm>>) dst(%dma_wait3A_689 : memref<112x512xf32, #tpu.memory_space<vmem>>)
    %dma_wait3A_692 = arith.constant 1 : i32
    %dma_wait3A_693 = arith.constant 0 : i32
    %dma_wait3A_694 = arith.constant 0 : i32
    %dma_wait3A_695 = tpu.memref_slice %arg4[%dma_wait3A_692, %dma_wait3A_693, %dma_wait3A_694] : memref<2x112x512xf32, #tpu.memory_space<vmem>> -> memref<1x112x512xf32, #tpu.memory_space<vmem>>
    %dma_wait3A_696 = tpu.memref_squeeze %dma_wait3A_695 : memref<1x112x512xf32, #tpu.memory_space<vmem>> -> memref<112x512xf32, #tpu.memory_space<vmem>>
    %dma_wait3A_697 = arith.constant 0 : i32
    %dma_wait3A_698 = tpu.memref_slice %arg3[%add3A_665, %dma_wait3A_697] : memref<100000x512xf32, #tpu.memory_space<hbm>> -> memref<112x512xf32, #tpu.memory_space<hbm>>
    %dma_wait3A_699 = arith.constant 0 : i32
    %dma_wait3A_700 = tpu.memref_slice %arg3[%add3A_665, %dma_wait3A_699] : memref<100000x512xf32, #tpu.memory_space<hbm>> -> memref<112x512xf32, #tpu.memory_space<hbm>>
    %dma_wait3A_701 = arith.constant 0 : i32
    %dma_wait3A_702 = arith.constant 0 : i32
    %dma_wait3A_703 = tpu.memref_slice %arg4[%dma_wait3A_692, %dma_wait3A_701, %dma_wait3A_702] : memref<2x112x512xf32, #tpu.memory_space<vmem>> -> memref<1x112x512xf32, #tpu.memory_space<vmem>>
    %dma_wait3A_704 = tpu.memref_squeeze %dma_wait3A_703 : memref<1x112x512xf32, #tpu.memory_space<vmem>> -> memref<112x512xf32, #tpu.memory_space<vmem>>
    tpu.wait_dma2 semaphore(%arg8 : memref<!tpu.dma_semaphore, #tpu.memory_space<semaphore_mem>>) src(%dma_wait3A_704 : memref<112x512xf32, #tpu.memory_space<vmem>>) dst(%dma_wait3A_700 : memref<112x512xf32, #tpu.memory_space<hbm>>)
    %add3A_705 = arith.constant 1456 : i32
    %add3A_706 = arith.addi %multiple_of3A, %add3A_705 : i32
    %dma_start3A_707 = arith.constant 1 : i32
    %dma_start3A_708 = arith.constant 0 : i32
    %dma_start3A_709 = arith.constant 0 : i32
    %dma_start3A_710 = tpu.memref_slice %arg4[%dma_start3A_707, %dma_start3A_708, %dma_start3A_709] : memref<2x112x512xf32, #tpu.memory_space<vmem>> -> memref<1x112x512xf32, #tpu.memory_space<vmem>>
    %dma_start3A_711 = tpu.memref_squeeze %dma_start3A_710 : memref<1x112x512xf32, #tpu.memory_space<vmem>> -> memref<112x512xf32, #tpu.memory_space<vmem>>
    %dma_start3A_712 = arith.constant 0 : i32
    %dma_start3A_713 = tpu.memref_slice %arg2[%add3A_706, %dma_start3A_712] : memref<100000x512xf32, #tpu.memory_space<hbm>> -> memref<112x512xf32, #tpu.memory_space<hbm>>
    %dma_start3A_714 = arith.constant 0 : i32
    %dma_start3A_715 = arith.constant 0 : i32
    %dma_start3A_716 = tpu.memref_slice %arg4[%dma_start3A_707, %dma_start3A_714, %dma_start3A_715] : memref<2x112x512xf32, #tpu.memory_space<vmem>> -> memref<1x112x512xf32, #tpu.memory_space<vmem>>
    %dma_start3A_717 = tpu.memref_squeeze %dma_start3A_716 : memref<1x112x512xf32, #tpu.memory_space<vmem>> -> memref<112x512xf32, #tpu.memory_space<vmem>>
    %dma_start3A_718 = arith.constant 0 : i32
    %dma_start3A_719 = tpu.memref_slice %arg2[%add3A_706, %dma_start3A_718] : memref<100000x512xf32, #tpu.memory_space<hbm>> -> memref<112x512xf32, #tpu.memory_space<hbm>>
    tpu.enqueue_dma source(%dma_start3A_719 : memref<112x512xf32, #tpu.memory_space<hbm>>) target(%dma_start3A_717 : memref<112x512xf32, #tpu.memory_space<vmem>>) target_semaphore(%arg6 : memref<!tpu.dma_semaphore, #tpu.memory_space<semaphore_mem>>)
    %add3A_720 = arith.constant 1344 : i32
    %add3A_721 = arith.addi %multiple_of3A, %add3A_720 : i32
    %dma_start3A_722 = arith.constant 0 : i32
    %dma_start3A_723 = arith.constant 0 : i32
    %dma_start3A_724 = arith.constant 0 : i32
    %dma_start3A_725 = tpu.memref_slice %arg4[%dma_start3A_722, %dma_start3A_723, %dma_start3A_724] : memref<2x112x512xf32, #tpu.memory_space<vmem>> -> memref<1x112x512xf32, #tpu.memory_space<vmem>>
    %dma_start3A_726 = tpu.memref_squeeze %dma_start3A_725 : memref<1x112x512xf32, #tpu.memory_space<vmem>> -> memref<112x512xf32, #tpu.memory_space<vmem>>
    %dma_start3A_727 = arith.constant 0 : i32
    %dma_start3A_728 = tpu.memref_slice %arg3[%add3A_721, %dma_start3A_727] : memref<100000x512xf32, #tpu.memory_space<hbm>> -> memref<112x512xf32, #tpu.memory_space<hbm>>
    %dma_start3A_729 = arith.constant 0 : i32
    %dma_start3A_730 = tpu.memref_slice %arg3[%add3A_721, %dma_start3A_729] : memref<100000x512xf32, #tpu.memory_space<hbm>> -> memref<112x512xf32, #tpu.memory_space<hbm>>
    %dma_start3A_731 = arith.constant 0 : i32
    %dma_start3A_732 = arith.constant 0 : i32
    %dma_start3A_733 = tpu.memref_slice %arg4[%dma_start3A_722, %dma_start3A_731, %dma_start3A_732] : memref<2x112x512xf32, #tpu.memory_space<vmem>> -> memref<1x112x512xf32, #tpu.memory_space<vmem>>
    %dma_start3A_734 = tpu.memref_squeeze %dma_start3A_733 : memref<1x112x512xf32, #tpu.memory_space<vmem>> -> memref<112x512xf32, #tpu.memory_space<vmem>>
    tpu.enqueue_dma source(%dma_start3A_734 : memref<112x512xf32, #tpu.memory_space<vmem>>) target(%dma_start3A_730 : memref<112x512xf32, #tpu.memory_space<hbm>>) target_semaphore(%arg7 : memref<!tpu.dma_semaphore, #tpu.memory_space<semaphore_mem>>)
    %dma_wait3A_735 = arith.constant 1 : i32
    %dma_wait3A_736 = arith.constant 0 : i32
    %dma_wait3A_737 = arith.constant 0 : i32
    %dma_wait3A_738 = tpu.memref_slice %arg4[%dma_wait3A_735, %dma_wait3A_736, %dma_wait3A_737] : memref<2x112x512xf32, #tpu.memory_space<vmem>> -> memref<1x112x512xf32, #tpu.memory_space<vmem>>
    %dma_wait3A_739 = tpu.memref_squeeze %dma_wait3A_738 : memref<1x112x512xf32, #tpu.memory_space<vmem>> -> memref<112x512xf32, #tpu.memory_space<vmem>>
    %dma_wait3A_740 = arith.constant 0 : i32
    %dma_wait3A_741 = tpu.memref_slice %arg2[%add3A_706, %dma_wait3A_740] : memref<100000x512xf32, #tpu.memory_space<hbm>> -> memref<112x512xf32, #tpu.memory_space<hbm>>
    %dma_wait3A_742 = arith.constant 0 : i32
    %dma_wait3A_743 = arith.constant 0 : i32
    %dma_wait3A_744 = tpu.memref_slice %arg4[%dma_wait3A_735, %dma_wait3A_742, %dma_wait3A_743] : memref<2x112x512xf32, #tpu.memory_space<vmem>> -> memref<1x112x512xf32, #tpu.memory_space<vmem>>
    %dma_wait3A_745 = tpu.memref_squeeze %dma_wait3A_744 : memref<1x112x512xf32, #tpu.memory_space<vmem>> -> memref<112x512xf32, #tpu.memory_space<vmem>>
    %dma_wait3A_746 = arith.constant 0 : i32
    %dma_wait3A_747 = tpu.memref_slice %arg2[%add3A_706, %dma_wait3A_746] : memref<100000x512xf32, #tpu.memory_space<hbm>> -> memref<112x512xf32, #tpu.memory_space<hbm>>
    tpu.wait_dma2 semaphore(%arg6 : memref<!tpu.dma_semaphore, #tpu.memory_space<semaphore_mem>>) src(%dma_wait3A_747 : memref<112x512xf32, #tpu.memory_space<hbm>>) dst(%dma_wait3A_745 : memref<112x512xf32, #tpu.memory_space<vmem>>)
    %dma_wait3A_748 = arith.constant 0 : i32
    %dma_wait3A_749 = arith.constant 0 : i32
    %dma_wait3A_750 = arith.constant 0 : i32
    %dma_wait3A_751 = tpu.memref_slice %arg4[%dma_wait3A_748, %dma_wait3A_749, %dma_wait3A_750] : memref<2x112x512xf32, #tpu.memory_space<vmem>> -> memref<1x112x512xf32, #tpu.memory_space<vmem>>
    %dma_wait3A_752 = tpu.memref_squeeze %dma_wait3A_751 : memref<1x112x512xf32, #tpu.memory_space<vmem>> -> memref<112x512xf32, #tpu.memory_space<vmem>>
    %dma_wait3A_753 = arith.constant 0 : i32
    %dma_wait3A_754 = tpu.memref_slice %arg3[%add3A_721, %dma_wait3A_753] : memref<100000x512xf32, #tpu.memory_space<hbm>> -> memref<112x512xf32, #tpu.memory_space<hbm>>
    %dma_wait3A_755 = arith.constant 0 : i32
    %dma_wait3A_756 = tpu.memref_slice %arg3[%add3A_721, %dma_wait3A_755] : memref<100000x512xf32, #tpu.memory_space<hbm>> -> memref<112x512xf32, #tpu.memory_space<hbm>>
    %dma_wait3A_757 = arith.constant 0 : i32
    %dma_wait3A_758 = arith.constant 0 : i32
    %dma_wait3A_759 = tpu.memref_slice %arg4[%dma_wait3A_748, %dma_wait3A_757, %dma_wait3A_758] : memref<2x112x512xf32, #tpu.memory_space<vmem>> -> memref<1x112x512xf32, #tpu.memory_space<vmem>>
    %dma_wait3A_760 = tpu.memref_squeeze %dma_wait3A_759 : memref<1x112x512xf32, #tpu.memory_space<vmem>> -> memref<112x512xf32, #tpu.memory_space<vmem>>
    tpu.wait_dma2 semaphore(%arg7 : memref<!tpu.dma_semaphore, #tpu.memory_space<semaphore_mem>>) src(%dma_wait3A_760 : memref<112x512xf32, #tpu.memory_space<vmem>>) dst(%dma_wait3A_756 : memref<112x512xf32, #tpu.memory_space<hbm>>)
    %add3A_761 = arith.constant 1568 : i32
    %add3A_762 = arith.addi %multiple_of3A, %add3A_761 : i32
    %dma_start3A_763 = arith.constant 0 : i32
    %dma_start3A_764 = arith.constant 0 : i32
    %dma_start3A_765 = arith.constant 0 : i32
    %dma_start3A_766 = tpu.memref_slice %arg4[%dma_start3A_763, %dma_start3A_764, %dma_start3A_765] : memref<2x112x512xf32, #tpu.memory_space<vmem>> -> memref<1x112x512xf32, #tpu.memory_space<vmem>>
    %dma_start3A_767 = tpu.memref_squeeze %dma_start3A_766 : memref<1x112x512xf32, #tpu.memory_space<vmem>> -> memref<112x512xf32, #tpu.memory_space<vmem>>
    %dma_start3A_768 = arith.constant 0 : i32
    %dma_start3A_769 = tpu.memref_slice %arg2[%add3A_762, %dma_start3A_768] : memref<100000x512xf32, #tpu.memory_space<hbm>> -> memref<112x512xf32, #tpu.memory_space<hbm>>
    %dma_start3A_770 = arith.constant 0 : i32
    %dma_start3A_771 = arith.constant 0 : i32
    %dma_start3A_772 = tpu.memref_slice %arg4[%dma_start3A_763, %dma_start3A_770, %dma_start3A_771] : memref<2x112x512xf32, #tpu.memory_space<vmem>> -> memref<1x112x512xf32, #tpu.memory_space<vmem>>
    %dma_start3A_773 = tpu.memref_squeeze %dma_start3A_772 : memref<1x112x512xf32, #tpu.memory_space<vmem>> -> memref<112x512xf32, #tpu.memory_space<vmem>>
    %dma_start3A_774 = arith.constant 0 : i32
    %dma_start3A_775 = tpu.memref_slice %arg2[%add3A_762, %dma_start3A_774] : memref<100000x512xf32, #tpu.memory_space<hbm>> -> memref<112x512xf32, #tpu.memory_space<hbm>>
    tpu.enqueue_dma source(%dma_start3A_775 : memref<112x512xf32, #tpu.memory_space<hbm>>) target(%dma_start3A_773 : memref<112x512xf32, #tpu.memory_space<vmem>>) target_semaphore(%arg5 : memref<!tpu.dma_semaphore, #tpu.memory_space<semaphore_mem>>)
    %add3A_776 = arith.constant 1456 : i32
    %add3A_777 = arith.addi %multiple_of3A, %add3A_776 : i32
    %dma_start3A_778 = arith.constant 1 : i32
    %dma_start3A_779 = arith.constant 0 : i32
    %dma_start3A_780 = arith.constant 0 : i32
    %dma_start3A_781 = tpu.memref_slice %arg4[%dma_start3A_778, %dma_start3A_779, %dma_start3A_780] : memref<2x112x512xf32, #tpu.memory_space<vmem>> -> memref<1x112x512xf32, #tpu.memory_space<vmem>>
    %dma_start3A_782 = tpu.memref_squeeze %dma_start3A_781 : memref<1x112x512xf32, #tpu.memory_space<vmem>> -> memref<112x512xf32, #tpu.memory_space<vmem>>
    %dma_start3A_783 = arith.constant 0 : i32
    %dma_start3A_784 = tpu.memref_slice %arg3[%add3A_777, %dma_start3A_783] : memref<100000x512xf32, #tpu.memory_space<hbm>> -> memref<112x512xf32, #tpu.memory_space<hbm>>
    %dma_start3A_785 = arith.constant 0 : i32
    %dma_start3A_786 = tpu.memref_slice %arg3[%add3A_777, %dma_start3A_785] : memref<100000x512xf32, #tpu.memory_space<hbm>> -> memref<112x512xf32, #tpu.memory_space<hbm>>
    %dma_start3A_787 = arith.constant 0 : i32
    %dma_start3A_788 = arith.constant 0 : i32
    %dma_start3A_789 = tpu.memref_slice %arg4[%dma_start3A_778, %dma_start3A_787, %dma_start3A_788] : memref<2x112x512xf32, #tpu.memory_space<vmem>> -> memref<1x112x512xf32, #tpu.memory_space<vmem>>
    %dma_start3A_790 = tpu.memref_squeeze %dma_start3A_789 : memref<1x112x512xf32, #tpu.memory_space<vmem>> -> memref<112x512xf32, #tpu.memory_space<vmem>>
    tpu.enqueue_dma source(%dma_start3A_790 : memref<112x512xf32, #tpu.memory_space<vmem>>) target(%dma_start3A_786 : memref<112x512xf32, #tpu.memory_space<hbm>>) target_semaphore(%arg8 : memref<!tpu.dma_semaphore, #tpu.memory_space<semaphore_mem>>)
    %dma_wait3A_791 = arith.constant 0 : i32
    %dma_wait3A_792 = arith.constant 0 : i32
    %dma_wait3A_793 = arith.constant 0 : i32
    %dma_wait3A_794 = tpu.memref_slice %arg4[%dma_wait3A_791, %dma_wait3A_792, %dma_wait3A_793] : memref<2x112x512xf32, #tpu.memory_space<vmem>> -> memref<1x112x512xf32, #tpu.memory_space<vmem>>
    %dma_wait3A_795 = tpu.memref_squeeze %dma_wait3A_794 : memref<1x112x512xf32, #tpu.memory_space<vmem>> -> memref<112x512xf32, #tpu.memory_space<vmem>>
    %dma_wait3A_796 = arith.constant 0 : i32
    %dma_wait3A_797 = tpu.memref_slice %arg2[%add3A_762, %dma_wait3A_796] : memref<100000x512xf32, #tpu.memory_space<hbm>> -> memref<112x512xf32, #tpu.memory_space<hbm>>
    %dma_wait3A_798 = arith.constant 0 : i32
    %dma_wait3A_799 = arith.constant 0 : i32
    %dma_wait3A_800 = tpu.memref_slice %arg4[%dma_wait3A_791, %dma_wait3A_798, %dma_wait3A_799] : memref<2x112x512xf32, #tpu.memory_space<vmem>> -> memref<1x112x512xf32, #tpu.memory_space<vmem>>
    %dma_wait3A_801 = tpu.memref_squeeze %dma_wait3A_800 : memref<1x112x512xf32, #tpu.memory_space<vmem>> -> memref<112x512xf32, #tpu.memory_space<vmem>>
    %dma_wait3A_802 = arith.constant 0 : i32
    %dma_wait3A_803 = tpu.memref_slice %arg2[%add3A_762, %dma_wait3A_802] : memref<100000x512xf32, #tpu.memory_space<hbm>> -> memref<112x512xf32, #tpu.memory_space<hbm>>
    tpu.wait_dma2 semaphore(%arg5 : memref<!tpu.dma_semaphore, #tpu.memory_space<semaphore_mem>>) src(%dma_wait3A_803 : memref<112x512xf32, #tpu.memory_space<hbm>>) dst(%dma_wait3A_801 : memref<112x512xf32, #tpu.memory_space<vmem>>)
    %dma_wait3A_804 = arith.constant 1 : i32
    %dma_wait3A_805 = arith.constant 0 : i32
    %dma_wait3A_806 = arith.constant 0 : i32
    %dma_wait3A_807 = tpu.memref_slice %arg4[%dma_wait3A_804, %dma_wait3A_805, %dma_wait3A_806] : memref<2x112x512xf32, #tpu.memory_space<vmem>> -> memref<1x112x512xf32, #tpu.memory_space<vmem>>
    %dma_wait3A_808 = tpu.memref_squeeze %dma_wait3A_807 : memref<1x112x512xf32, #tpu.memory_space<vmem>> -> memref<112x512xf32, #tpu.memory_space<vmem>>
    %dma_wait3A_809 = arith.constant 0 : i32
    %dma_wait3A_810 = tpu.memref_slice %arg3[%add3A_777, %dma_wait3A_809] : memref<100000x512xf32, #tpu.memory_space<hbm>> -> memref<112x512xf32, #tpu.memory_space<hbm>>
    %dma_wait3A_811 = arith.constant 0 : i32
    %dma_wait3A_812 = tpu.memref_slice %arg3[%add3A_777, %dma_wait3A_811] : memref<100000x512xf32, #tpu.memory_space<hbm>> -> memref<112x512xf32, #tpu.memory_space<hbm>>
    %dma_wait3A_813 = arith.constant 0 : i32
    %dma_wait3A_814 = arith.constant 0 : i32
    %dma_wait3A_815 = tpu.memref_slice %arg4[%dma_wait3A_804, %dma_wait3A_813, %dma_wait3A_814] : memref<2x112x512xf32, #tpu.memory_space<vmem>> -> memref<1x112x512xf32, #tpu.memory_space<vmem>>
    %dma_wait3A_816 = tpu.memref_squeeze %dma_wait3A_815 : memref<1x112x512xf32, #tpu.memory_space<vmem>> -> memref<112x512xf32, #tpu.memory_space<vmem>>
    tpu.wait_dma2 semaphore(%arg8 : memref<!tpu.dma_semaphore, #tpu.memory_space<semaphore_mem>>) src(%dma_wait3A_816 : memref<112x512xf32, #tpu.memory_space<vmem>>) dst(%dma_wait3A_812 : memref<112x512xf32, #tpu.memory_space<hbm>>)
    %add3A_817 = arith.constant 1680 : i32
    %add3A_818 = arith.addi %multiple_of3A, %add3A_817 : i32
    %dma_start3A_819 = arith.constant 1 : i32
    %dma_start3A_820 = arith.constant 0 : i32
    %dma_start3A_821 = arith.constant 0 : i32
    %dma_start3A_822 = tpu.memref_slice %arg4[%dma_start3A_819, %dma_start3A_820, %dma_start3A_821] : memref<2x112x512xf32, #tpu.memory_space<vmem>> -> memref<1x112x512xf32, #tpu.memory_space<vmem>>
    %dma_start3A_823 = tpu.memref_squeeze %dma_start3A_822 : memref<1x112x512xf32, #tpu.memory_space<vmem>> -> memref<112x512xf32, #tpu.memory_space<vmem>>
    %dma_start3A_824 = arith.constant 0 : i32
    %dma_start3A_825 = tpu.memref_slice %arg2[%add3A_818, %dma_start3A_824] : memref<100000x512xf32, #tpu.memory_space<hbm>> -> memref<112x512xf32, #tpu.memory_space<hbm>>
    %dma_start3A_826 = arith.constant 0 : i32
    %dma_start3A_827 = arith.constant 0 : i32
    %dma_start3A_828 = tpu.memref_slice %arg4[%dma_start3A_819, %dma_start3A_826, %dma_start3A_827] : memref<2x112x512xf32, #tpu.memory_space<vmem>> -> memref<1x112x512xf32, #tpu.memory_space<vmem>>
    %dma_start3A_829 = tpu.memref_squeeze %dma_start3A_828 : memref<1x112x512xf32, #tpu.memory_space<vmem>> -> memref<112x512xf32, #tpu.memory_space<vmem>>
    %dma_start3A_830 = arith.constant 0 : i32
    %dma_start3A_831 = tpu.memref_slice %arg2[%add3A_818, %dma_start3A_830] : memref<100000x512xf32, #tpu.memory_space<hbm>> -> memref<112x512xf32, #tpu.memory_space<hbm>>
    tpu.enqueue_dma source(%dma_start3A_831 : memref<112x512xf32, #tpu.memory_space<hbm>>) target(%dma_start3A_829 : memref<112x512xf32, #tpu.memory_space<vmem>>) target_semaphore(%arg6 : memref<!tpu.dma_semaphore, #tpu.memory_space<semaphore_mem>>)
    %add3A_832 = arith.constant 1568 : i32
    %add3A_833 = arith.addi %multiple_of3A, %add3A_832 : i32
    %dma_start3A_834 = arith.constant 0 : i32
    %dma_start3A_835 = arith.constant 0 : i32
    %dma_start3A_836 = arith.constant 0 : i32
    %dma_start3A_837 = tpu.memref_slice %arg4[%dma_start3A_834, %dma_start3A_835, %dma_start3A_836] : memref<2x112x512xf32, #tpu.memory_space<vmem>> -> memref<1x112x512xf32, #tpu.memory_space<vmem>>
    %dma_start3A_838 = tpu.memref_squeeze %dma_start3A_837 : memref<1x112x512xf32, #tpu.memory_space<vmem>> -> memref<112x512xf32, #tpu.memory_space<vmem>>
    %dma_start3A_839 = arith.constant 0 : i32
    %dma_start3A_840 = tpu.memref_slice %arg3[%add3A_833, %dma_start3A_839] : memref<100000x512xf32, #tpu.memory_space<hbm>> -> memref<112x512xf32, #tpu.memory_space<hbm>>
    %dma_start3A_841 = arith.constant 0 : i32
    %dma_start3A_842 = tpu.memref_slice %arg3[%add3A_833, %dma_start3A_841] : memref<100000x512xf32, #tpu.memory_space<hbm>> -> memref<112x512xf32, #tpu.memory_space<hbm>>
    %dma_start3A_843 = arith.constant 0 : i32
    %dma_start3A_844 = arith.constant 0 : i32
    %dma_start3A_845 = tpu.memref_slice %arg4[%dma_start3A_834, %dma_start3A_843, %dma_start3A_844] : memref<2x112x512xf32, #tpu.memory_space<vmem>> -> memref<1x112x512xf32, #tpu.memory_space<vmem>>
    %dma_start3A_846 = tpu.memref_squeeze %dma_start3A_845 : memref<1x112x512xf32, #tpu.memory_space<vmem>> -> memref<112x512xf32, #tpu.memory_space<vmem>>
    tpu.enqueue_dma source(%dma_start3A_846 : memref<112x512xf32, #tpu.memory_space<vmem>>) target(%dma_start3A_842 : memref<112x512xf32, #tpu.memory_space<hbm>>) target_semaphore(%arg7 : memref<!tpu.dma_semaphore, #tpu.memory_space<semaphore_mem>>)
    %dma_wait3A_847 = arith.constant 1 : i32
    %dma_wait3A_848 = arith.constant 0 : i32
    %dma_wait3A_849 = arith.constant 0 : i32
    %dma_wait3A_850 = tpu.memref_slice %arg4[%dma_wait3A_847, %dma_wait3A_848, %dma_wait3A_849] : memref<2x112x512xf32, #tpu.memory_space<vmem>> -> memref<1x112x512xf32, #tpu.memory_space<vmem>>
    %dma_wait3A_851 = tpu.memref_squeeze %dma_wait3A_850 : memref<1x112x512xf32, #tpu.memory_space<vmem>> -> memref<112x512xf32, #tpu.memory_space<vmem>>
    %dma_wait3A_852 = arith.constant 0 : i32
    %dma_wait3A_853 = tpu.memref_slice %arg2[%add3A_818, %dma_wait3A_852] : memref<100000x512xf32, #tpu.memory_space<hbm>> -> memref<112x512xf32, #tpu.memory_space<hbm>>
    %dma_wait3A_854 = arith.constant 0 : i32
    %dma_wait3A_855 = arith.constant 0 : i32
    %dma_wait3A_856 = tpu.memref_slice %arg4[%dma_wait3A_847, %dma_wait3A_854, %dma_wait3A_855] : memref<2x112x512xf32, #tpu.memory_space<vmem>> -> memref<1x112x512xf32, #tpu.memory_space<vmem>>
    %dma_wait3A_857 = tpu.memref_squeeze %dma_wait3A_856 : memref<1x112x512xf32, #tpu.memory_space<vmem>> -> memref<112x512xf32, #tpu.memory_space<vmem>>
    %dma_wait3A_858 = arith.constant 0 : i32
    %dma_wait3A_859 = tpu.memref_slice %arg2[%add3A_818, %dma_wait3A_858] : memref<100000x512xf32, #tpu.memory_space<hbm>> -> memref<112x512xf32, #tpu.memory_space<hbm>>
    tpu.wait_dma2 semaphore(%arg6 : memref<!tpu.dma_semaphore, #tpu.memory_space<semaphore_mem>>) src(%dma_wait3A_859 : memref<112x512xf32, #tpu.memory_space<hbm>>) dst(%dma_wait3A_857 : memref<112x512xf32, #tpu.memory_space<vmem>>)
    %dma_wait3A_860 = arith.constant 0 : i32
    %dma_wait3A_861 = arith.constant 0 : i32
    %dma_wait3A_862 = arith.constant 0 : i32
    %dma_wait3A_863 = tpu.memref_slice %arg4[%dma_wait3A_860, %dma_wait3A_861, %dma_wait3A_862] : memref<2x112x512xf32, #tpu.memory_space<vmem>> -> memref<1x112x512xf32, #tpu.memory_space<vmem>>
    %dma_wait3A_864 = tpu.memref_squeeze %dma_wait3A_863 : memref<1x112x512xf32, #tpu.memory_space<vmem>> -> memref<112x512xf32, #tpu.memory_space<vmem>>
    %dma_wait3A_865 = arith.constant 0 : i32
    %dma_wait3A_866 = tpu.memref_slice %arg3[%add3A_833, %dma_wait3A_865] : memref<100000x512xf32, #tpu.memory_space<hbm>> -> memref<112x512xf32, #tpu.memory_space<hbm>>
    %dma_wait3A_867 = arith.constant 0 : i32
    %dma_wait3A_868 = tpu.memref_slice %arg3[%add3A_833, %dma_wait3A_867] : memref<100000x512xf32, #tpu.memory_space<hbm>> -> memref<112x512xf32, #tpu.memory_space<hbm>>
    %dma_wait3A_869 = arith.constant 0 : i32
    %dma_wait3A_870 = arith.constant 0 : i32
    %dma_wait3A_871 = tpu.memref_slice %arg4[%dma_wait3A_860, %dma_wait3A_869, %dma_wait3A_870] : memref<2x112x512xf32, #tpu.memory_space<vmem>> -> memref<1x112x512xf32, #tpu.memory_space<vmem>>
    %dma_wait3A_872 = tpu.memref_squeeze %dma_wait3A_871 : memref<1x112x512xf32, #tpu.memory_space<vmem>> -> memref<112x512xf32, #tpu.memory_space<vmem>>
    tpu.wait_dma2 semaphore(%arg7 : memref<!tpu.dma_semaphore, #tpu.memory_space<semaphore_mem>>) src(%dma_wait3A_872 : memref<112x512xf32, #tpu.memory_space<vmem>>) dst(%dma_wait3A_868 : memref<112x512xf32, #tpu.memory_space<hbm>>)
    %add3A_873 = arith.constant 1792 : i32
    %add3A_874 = arith.addi %multiple_of3A, %add3A_873 : i32
    %dma_start3A_875 = arith.constant 0 : i32
    %dma_start3A_876 = arith.constant 0 : i32
    %dma_start3A_877 = arith.constant 0 : i32
    %dma_start3A_878 = tpu.memref_slice %arg4[%dma_start3A_875, %dma_start3A_876, %dma_start3A_877] : memref<2x112x512xf32, #tpu.memory_space<vmem>> -> memref<1x112x512xf32, #tpu.memory_space<vmem>>
    %dma_start3A_879 = tpu.memref_squeeze %dma_start3A_878 : memref<1x112x512xf32, #tpu.memory_space<vmem>> -> memref<112x512xf32, #tpu.memory_space<vmem>>
    %dma_start3A_880 = arith.constant 0 : i32
    %dma_start3A_881 = tpu.memref_slice %arg2[%add3A_874, %dma_start3A_880] : memref<100000x512xf32, #tpu.memory_space<hbm>> -> memref<112x512xf32, #tpu.memory_space<hbm>>
    %dma_start3A_882 = arith.constant 0 : i32
    %dma_start3A_883 = arith.constant 0 : i32
    %dma_start3A_884 = tpu.memref_slice %arg4[%dma_start3A_875, %dma_start3A_882, %dma_start3A_883] : memref<2x112x512xf32, #tpu.memory_space<vmem>> -> memref<1x112x512xf32, #tpu.memory_space<vmem>>
    %dma_start3A_885 = tpu.memref_squeeze %dma_start3A_884 : memref<1x112x512xf32, #tpu.memory_space<vmem>> -> memref<112x512xf32, #tpu.memory_space<vmem>>
    %dma_start3A_886 = arith.constant 0 : i32
    %dma_start3A_887 = tpu.memref_slice %arg2[%add3A_874, %dma_start3A_886] : memref<100000x512xf32, #tpu.memory_space<hbm>> -> memref<112x512xf32, #tpu.memory_space<hbm>>
    tpu.enqueue_dma source(%dma_start3A_887 : memref<112x512xf32, #tpu.memory_space<hbm>>) target(%dma_start3A_885 : memref<112x512xf32, #tpu.memory_space<vmem>>) target_semaphore(%arg5 : memref<!tpu.dma_semaphore, #tpu.memory_space<semaphore_mem>>)
    %add3A_888 = arith.constant 1680 : i32
    %add3A_889 = arith.addi %multiple_of3A, %add3A_888 : i32
    %dma_start3A_890 = arith.constant 1 : i32
    %dma_start3A_891 = arith.constant 0 : i32
    %dma_start3A_892 = arith.constant 0 : i32
    %dma_start3A_893 = tpu.memref_slice %arg4[%dma_start3A_890, %dma_start3A_891, %dma_start3A_892] : memref<2x112x512xf32, #tpu.memory_space<vmem>> -> memref<1x112x512xf32, #tpu.memory_space<vmem>>
    %dma_start3A_894 = tpu.memref_squeeze %dma_start3A_893 : memref<1x112x512xf32, #tpu.memory_space<vmem>> -> memref<112x512xf32, #tpu.memory_space<vmem>>
    %dma_start3A_895 = arith.constant 0 : i32
    %dma_start3A_896 = tpu.memref_slice %arg3[%add3A_889, %dma_start3A_895] : memref<100000x512xf32, #tpu.memory_space<hbm>> -> memref<112x512xf32, #tpu.memory_space<hbm>>
    %dma_start3A_897 = arith.constant 0 : i32
    %dma_start3A_898 = tpu.memref_slice %arg3[%add3A_889, %dma_start3A_897] : memref<100000x512xf32, #tpu.memory_space<hbm>> -> memref<112x512xf32, #tpu.memory_space<hbm>>
    %dma_start3A_899 = arith.constant 0 : i32
    %dma_start3A_900 = arith.constant 0 : i32
    %dma_start3A_901 = tpu.memref_slice %arg4[%dma_start3A_890, %dma_start3A_899, %dma_start3A_900] : memref<2x112x512xf32, #tpu.memory_space<vmem>> -> memref<1x112x512xf32, #tpu.memory_space<vmem>>
    %dma_start3A_902 = tpu.memref_squeeze %dma_start3A_901 : memref<1x112x512xf32, #tpu.memory_space<vmem>> -> memref<112x512xf32, #tpu.memory_space<vmem>>
    tpu.enqueue_dma source(%dma_start3A_902 : memref<112x512xf32, #tpu.memory_space<vmem>>) target(%dma_start3A_898 : memref<112x512xf32, #tpu.memory_space<hbm>>) target_semaphore(%arg8 : memref<!tpu.dma_semaphore, #tpu.memory_space<semaphore_mem>>)
    %dma_wait3A_903 = arith.constant 0 : i32
    %dma_wait3A_904 = arith.constant 0 : i32
    %dma_wait3A_905 = arith.constant 0 : i32
    %dma_wait3A_906 = tpu.memref_slice %arg4[%dma_wait3A_903, %dma_wait3A_904, %dma_wait3A_905] : memref<2x112x512xf32, #tpu.memory_space<vmem>> -> memref<1x112x512xf32, #tpu.memory_space<vmem>>
    %dma_wait3A_907 = tpu.memref_squeeze %dma_wait3A_906 : memref<1x112x512xf32, #tpu.memory_space<vmem>> -> memref<112x512xf32, #tpu.memory_space<vmem>>
    %dma_wait3A_908 = arith.constant 0 : i32
    %dma_wait3A_909 = tpu.memref_slice %arg2[%add3A_874, %dma_wait3A_908] : memref<100000x512xf32, #tpu.memory_space<hbm>> -> memref<112x512xf32, #tpu.memory_space<hbm>>
    %dma_wait3A_910 = arith.constant 0 : i32
    %dma_wait3A_911 = arith.constant 0 : i32
    %dma_wait3A_912 = tpu.memref_slice %arg4[%dma_wait3A_903, %dma_wait3A_910, %dma_wait3A_911] : memref<2x112x512xf32, #tpu.memory_space<vmem>> -> memref<1x112x512xf32, #tpu.memory_space<vmem>>
    %dma_wait3A_913 = tpu.memref_squeeze %dma_wait3A_912 : memref<1x112x512xf32, #tpu.memory_space<vmem>> -> memref<112x512xf32, #tpu.memory_space<vmem>>
    %dma_wait3A_914 = arith.constant 0 : i32
    %dma_wait3A_915 = tpu.memref_slice %arg2[%add3A_874, %dma_wait3A_914] : memref<100000x512xf32, #tpu.memory_space<hbm>> -> memref<112x512xf32, #tpu.memory_space<hbm>>
    tpu.wait_dma2 semaphore(%arg5 : memref<!tpu.dma_semaphore, #tpu.memory_space<semaphore_mem>>) src(%dma_wait3A_915 : memref<112x512xf32, #tpu.memory_space<hbm>>) dst(%dma_wait3A_913 : memref<112x512xf32, #tpu.memory_space<vmem>>)
    %dma_wait3A_916 = arith.constant 1 : i32
    %dma_wait3A_917 = arith.constant 0 : i32
    %dma_wait3A_918 = arith.constant 0 : i32
    %dma_wait3A_919 = tpu.memref_slice %arg4[%dma_wait3A_916, %dma_wait3A_917, %dma_wait3A_918] : memref<2x112x512xf32, #tpu.memory_space<vmem>> -> memref<1x112x512xf32, #tpu.memory_space<vmem>>
    %dma_wait3A_920 = tpu.memref_squeeze %dma_wait3A_919 : memref<1x112x512xf32, #tpu.memory_space<vmem>> -> memref<112x512xf32, #tpu.memory_space<vmem>>
    %dma_wait3A_921 = arith.constant 0 : i32
    %dma_wait3A_922 = tpu.memref_slice %arg3[%add3A_889, %dma_wait3A_921] : memref<100000x512xf32, #tpu.memory_space<hbm>> -> memref<112x512xf32, #tpu.memory_space<hbm>>
    %dma_wait3A_923 = arith.constant 0 : i32
    %dma_wait3A_924 = tpu.memref_slice %arg3[%add3A_889, %dma_wait3A_923] : memref<100000x512xf32, #tpu.memory_space<hbm>> -> memref<112x512xf32, #tpu.memory_space<hbm>>
    %dma_wait3A_925 = arith.constant 0 : i32
    %dma_wait3A_926 = arith.constant 0 : i32
    %dma_wait3A_927 = tpu.memref_slice %arg4[%dma_wait3A_916, %dma_wait3A_925, %dma_wait3A_926] : memref<2x112x512xf32, #tpu.memory_space<vmem>> -> memref<1x112x512xf32, #tpu.memory_space<vmem>>
    %dma_wait3A_928 = tpu.memref_squeeze %dma_wait3A_927 : memref<1x112x512xf32, #tpu.memory_space<vmem>> -> memref<112x512xf32, #tpu.memory_space<vmem>>
    tpu.wait_dma2 semaphore(%arg8 : memref<!tpu.dma_semaphore, #tpu.memory_space<semaphore_mem>>) src(%dma_wait3A_928 : memref<112x512xf32, #tpu.memory_space<vmem>>) dst(%dma_wait3A_924 : memref<112x512xf32, #tpu.memory_space<hbm>>)
    %add3A_929 = arith.constant 1904 : i32
    %add3A_930 = arith.addi %multiple_of3A, %add3A_929 : i32
    %dma_start3A_931 = arith.constant 1 : i32
    %dma_start3A_932 = arith.constant 0 : i32
    %dma_start3A_933 = arith.constant 0 : i32
    %dma_start3A_934 = tpu.memref_slice %arg4[%dma_start3A_931, %dma_start3A_932, %dma_start3A_933] : memref<2x112x512xf32, #tpu.memory_space<vmem>> -> memref<1x112x512xf32, #tpu.memory_space<vmem>>
    %dma_start3A_935 = tpu.memref_squeeze %dma_start3A_934 : memref<1x112x512xf32, #tpu.memory_space<vmem>> -> memref<112x512xf32, #tpu.memory_space<vmem>>
    %dma_start3A_936 = arith.constant 0 : i32
    %dma_start3A_937 = tpu.memref_slice %arg2[%add3A_930, %dma_start3A_936] : memref<100000x512xf32, #tpu.memory_space<hbm>> -> memref<112x512xf32, #tpu.memory_space<hbm>>
    %dma_start3A_938 = arith.constant 0 : i32
    %dma_start3A_939 = arith.constant 0 : i32
    %dma_start3A_940 = tpu.memref_slice %arg4[%dma_start3A_931, %dma_start3A_938, %dma_start3A_939] : memref<2x112x512xf32, #tpu.memory_space<vmem>> -> memref<1x112x512xf32, #tpu.memory_space<vmem>>
    %dma_start3A_941 = tpu.memref_squeeze %dma_start3A_940 : memref<1x112x512xf32, #tpu.memory_space<vmem>> -> memref<112x512xf32, #tpu.memory_space<vmem>>
    %dma_start3A_942 = arith.constant 0 : i32
    %dma_start3A_943 = tpu.memref_slice %arg2[%add3A_930, %dma_start3A_942] : memref<100000x512xf32, #tpu.memory_space<hbm>> -> memref<112x512xf32, #tpu.memory_space<hbm>>
    tpu.enqueue_dma source(%dma_start3A_943 : memref<112x512xf32, #tpu.memory_space<hbm>>) target(%dma_start3A_941 : memref<112x512xf32, #tpu.memory_space<vmem>>) target_semaphore(%arg6 : memref<!tpu.dma_semaphore, #tpu.memory_space<semaphore_mem>>)
    %add3A_944 = arith.constant 1792 : i32
    %add3A_945 = arith.addi %multiple_of3A, %add3A_944 : i32
    %dma_start3A_946 = arith.constant 0 : i32
    %dma_start3A_947 = arith.constant 0 : i32
    %dma_start3A_948 = arith.constant 0 : i32
    %dma_start3A_949 = tpu.memref_slice %arg4[%dma_start3A_946, %dma_start3A_947, %dma_start3A_948] : memref<2x112x512xf32, #tpu.memory_space<vmem>> -> memref<1x112x512xf32, #tpu.memory_space<vmem>>
    %dma_start3A_950 = tpu.memref_squeeze %dma_start3A_949 : memref<1x112x512xf32, #tpu.memory_space<vmem>> -> memref<112x512xf32, #tpu.memory_space<vmem>>
    %dma_start3A_951 = arith.constant 0 : i32
    %dma_start3A_952 = tpu.memref_slice %arg3[%add3A_945, %dma_start3A_951] : memref<100000x512xf32, #tpu.memory_space<hbm>> -> memref<112x512xf32, #tpu.memory_space<hbm>>
    %dma_start3A_953 = arith.constant 0 : i32
    %dma_start3A_954 = tpu.memref_slice %arg3[%add3A_945, %dma_start3A_953] : memref<100000x512xf32, #tpu.memory_space<hbm>> -> memref<112x512xf32, #tpu.memory_space<hbm>>
    %dma_start3A_955 = arith.constant 0 : i32
    %dma_start3A_956 = arith.constant 0 : i32
    %dma_start3A_957 = tpu.memref_slice %arg4[%dma_start3A_946, %dma_start3A_955, %dma_start3A_956] : memref<2x112x512xf32, #tpu.memory_space<vmem>> -> memref<1x112x512xf32, #tpu.memory_space<vmem>>
    %dma_start3A_958 = tpu.memref_squeeze %dma_start3A_957 : memref<1x112x512xf32, #tpu.memory_space<vmem>> -> memref<112x512xf32, #tpu.memory_space<vmem>>
    tpu.enqueue_dma source(%dma_start3A_958 : memref<112x512xf32, #tpu.memory_space<vmem>>) target(%dma_start3A_954 : memref<112x512xf32, #tpu.memory_space<hbm>>) target_semaphore(%arg7 : memref<!tpu.dma_semaphore, #tpu.memory_space<semaphore_mem>>)
    %dma_wait3A_959 = arith.constant 1 : i32
    %dma_wait3A_960 = arith.constant 0 : i32
    %dma_wait3A_961 = arith.constant 0 : i32
    %dma_wait3A_962 = tpu.memref_slice %arg4[%dma_wait3A_959, %dma_wait3A_960, %dma_wait3A_961] : memref<2x112x512xf32, #tpu.memory_space<vmem>> -> memref<1x112x512xf32, #tpu.memory_space<vmem>>
    %dma_wait3A_963 = tpu.memref_squeeze %dma_wait3A_962 : memref<1x112x512xf32, #tpu.memory_space<vmem>> -> memref<112x512xf32, #tpu.memory_space<vmem>>
    %dma_wait3A_964 = arith.constant 0 : i32
    %dma_wait3A_965 = tpu.memref_slice %arg2[%add3A_930, %dma_wait3A_964] : memref<100000x512xf32, #tpu.memory_space<hbm>> -> memref<112x512xf32, #tpu.memory_space<hbm>>
    %dma_wait3A_966 = arith.constant 0 : i32
    %dma_wait3A_967 = arith.constant 0 : i32
    %dma_wait3A_968 = tpu.memref_slice %arg4[%dma_wait3A_959, %dma_wait3A_966, %dma_wait3A_967] : memref<2x112x512xf32, #tpu.memory_space<vmem>> -> memref<1x112x512xf32, #tpu.memory_space<vmem>>
    %dma_wait3A_969 = tpu.memref_squeeze %dma_wait3A_968 : memref<1x112x512xf32, #tpu.memory_space<vmem>> -> memref<112x512xf32, #tpu.memory_space<vmem>>
    %dma_wait3A_970 = arith.constant 0 : i32
    %dma_wait3A_971 = tpu.memref_slice %arg2[%add3A_930, %dma_wait3A_970] : memref<100000x512xf32, #tpu.memory_space<hbm>> -> memref<112x512xf32, #tpu.memory_space<hbm>>
    tpu.wait_dma2 semaphore(%arg6 : memref<!tpu.dma_semaphore, #tpu.memory_space<semaphore_mem>>) src(%dma_wait3A_971 : memref<112x512xf32, #tpu.memory_space<hbm>>) dst(%dma_wait3A_969 : memref<112x512xf32, #tpu.memory_space<vmem>>)
    %dma_wait3A_972 = arith.constant 0 : i32
    %dma_wait3A_973 = arith.constant 0 : i32
    %dma_wait3A_974 = arith.constant 0 : i32
    %dma_wait3A_975 = tpu.memref_slice %arg4[%dma_wait3A_972, %dma_wait3A_973, %dma_wait3A_974] : memref<2x112x512xf32, #tpu.memory_space<vmem>> -> memref<1x112x512xf32, #tpu.memory_space<vmem>>
    %dma_wait3A_976 = tpu.memref_squeeze %dma_wait3A_975 : memref<1x112x512xf32, #tpu.memory_space<vmem>> -> memref<112x512xf32, #tpu.memory_space<vmem>>
    %dma_wait3A_977 = arith.constant 0 : i32
    %dma_wait3A_978 = tpu.memref_slice %arg3[%add3A_945, %dma_wait3A_977] : memref<100000x512xf32, #tpu.memory_space<hbm>> -> memref<112x512xf32, #tpu.memory_space<hbm>>
    %dma_wait3A_979 = arith.constant 0 : i32
    %dma_wait3A_980 = tpu.memref_slice %arg3[%add3A_945, %dma_wait3A_979] : memref<100000x512xf32, #tpu.memory_space<hbm>> -> memref<112x512xf32, #tpu.memory_space<hbm>>
    %dma_wait3A_981 = arith.constant 0 : i32
    %dma_wait3A_982 = arith.constant 0 : i32
    %dma_wait3A_983 = tpu.memref_slice %arg4[%dma_wait3A_972, %dma_wait3A_981, %dma_wait3A_982] : memref<2x112x512xf32, #tpu.memory_space<vmem>> -> memref<1x112x512xf32, #tpu.memory_space<vmem>>
    %dma_wait3A_984 = tpu.memref_squeeze %dma_wait3A_983 : memref<1x112x512xf32, #tpu.memory_space<vmem>> -> memref<112x512xf32, #tpu.memory_space<vmem>>
    tpu.wait_dma2 semaphore(%arg7 : memref<!tpu.dma_semaphore, #tpu.memory_space<semaphore_mem>>) src(%dma_wait3A_984 : memref<112x512xf32, #tpu.memory_space<vmem>>) dst(%dma_wait3A_980 : memref<112x512xf32, #tpu.memory_space<hbm>>)
    %add3A_985 = arith.constant 2016 : i32
    %add3A_986 = arith.addi %multiple_of3A, %add3A_985 : i32
    %dma_start3A_987 = arith.constant 0 : i32
    %dma_start3A_988 = arith.constant 0 : i32
    %dma_start3A_989 = arith.constant 0 : i32
    %dma_start3A_990 = tpu.memref_slice %arg4[%dma_start3A_987, %dma_start3A_988, %dma_start3A_989] : memref<2x112x512xf32, #tpu.memory_space<vmem>> -> memref<1x112x512xf32, #tpu.memory_space<vmem>>
    %dma_start3A_991 = tpu.memref_squeeze %dma_start3A_990 : memref<1x112x512xf32, #tpu.memory_space<vmem>> -> memref<112x512xf32, #tpu.memory_space<vmem>>
    %dma_start3A_992 = arith.constant 0 : i32
    %dma_start3A_993 = tpu.memref_slice %arg2[%add3A_986, %dma_start3A_992] : memref<100000x512xf32, #tpu.memory_space<hbm>> -> memref<112x512xf32, #tpu.memory_space<hbm>>
    %dma_start3A_994 = arith.constant 0 : i32
    %dma_start3A_995 = arith.constant 0 : i32
    %dma_start3A_996 = tpu.memref_slice %arg4[%dma_start3A_987, %dma_start3A_994, %dma_start3A_995] : memref<2x112x512xf32, #tpu.memory_space<vmem>> -> memref<1x112x512xf32, #tpu.memory_space<vmem>>
    %dma_start3A_997 = tpu.memref_squeeze %dma_start3A_996 : memref<1x112x512xf32, #tpu.memory_space<vmem>> -> memref<112x512xf32, #tpu.memory_space<vmem>>
    %dma_start3A_998 = arith.constant 0 : i32
    %dma_start3A_999 = tpu.memref_slice %arg2[%add3A_986, %dma_start3A_998] : memref<100000x512xf32, #tpu.memory_space<hbm>> -> memref<112x512xf32, #tpu.memory_space<hbm>>
    tpu.enqueue_dma source(%dma_start3A_999 : memref<112x512xf32, #tpu.memory_space<hbm>>) target(%dma_start3A_997 : memref<112x512xf32, #tpu.memory_space<vmem>>) target_semaphore(%arg5 : memref<!tpu.dma_semaphore, #tpu.memory_space<semaphore_mem>>)
    %add3A_1000 = arith.constant 1904 : i32
    %add3A_1001 = arith.addi %multiple_of3A, %add3A_1000 : i32
    %dma_start3A_1002 = arith.constant 1 : i32
    %dma_start3A_1003 = arith.constant 0 : i32
    %dma_start3A_1004 = arith.constant 0 : i32
    %dma_start3A_1005 = tpu.memref_slice %arg4[%dma_start3A_1002, %dma_start3A_1003, %dma_start3A_1004] : memref<2x112x512xf32, #tpu.memory_space<vmem>> -> memref<1x112x512xf32, #tpu.memory_space<vmem>>
    %dma_start3A_1006 = tpu.memref_squeeze %dma_start3A_1005 : memref<1x112x512xf32, #tpu.memory_space<vmem>> -> memref<112x512xf32, #tpu.memory_space<vmem>>
    %dma_start3A_1007 = arith.constant 0 : i32
    %dma_start3A_1008 = tpu.memref_slice %arg3[%add3A_1001, %dma_start3A_1007] : memref<100000x512xf32, #tpu.memory_space<hbm>> -> memref<112x512xf32, #tpu.memory_space<hbm>>
    %dma_start3A_1009 = arith.constant 0 : i32
    %dma_start3A_1010 = tpu.memref_slice %arg3[%add3A_1001, %dma_start3A_1009] : memref<100000x512xf32, #tpu.memory_space<hbm>> -> memref<112x512xf32, #tpu.memory_space<hbm>>
    %dma_start3A_1011 = arith.constant 0 : i32
    %dma_start3A_1012 = arith.constant 0 : i32
    %dma_start3A_1013 = tpu.memref_slice %arg4[%dma_start3A_1002, %dma_start3A_1011, %dma_start3A_1012] : memref<2x112x512xf32, #tpu.memory_space<vmem>> -> memref<1x112x512xf32, #tpu.memory_space<vmem>>
    %dma_start3A_1014 = tpu.memref_squeeze %dma_start3A_1013 : memref<1x112x512xf32, #tpu.memory_space<vmem>> -> memref<112x512xf32, #tpu.memory_space<vmem>>
    tpu.enqueue_dma source(%dma_start3A_1014 : memref<112x512xf32, #tpu.memory_space<vmem>>) target(%dma_start3A_1010 : memref<112x512xf32, #tpu.memory_space<hbm>>) target_semaphore(%arg8 : memref<!tpu.dma_semaphore, #tpu.memory_space<semaphore_mem>>)
    %dma_wait3A_1015 = arith.constant 0 : i32
    %dma_wait3A_1016 = arith.constant 0 : i32
    %dma_wait3A_1017 = arith.constant 0 : i32
    %dma_wait3A_1018 = tpu.memref_slice %arg4[%dma_wait3A_1015, %dma_wait3A_1016, %dma_wait3A_1017] : memref<2x112x512xf32, #tpu.memory_space<vmem>> -> memref<1x112x512xf32, #tpu.memory_space<vmem>>
    %dma_wait3A_1019 = tpu.memref_squeeze %dma_wait3A_1018 : memref<1x112x512xf32, #tpu.memory_space<vmem>> -> memref<112x512xf32, #tpu.memory_space<vmem>>
    %dma_wait3A_1020 = arith.constant 0 : i32
    %dma_wait3A_1021 = tpu.memref_slice %arg2[%add3A_986, %dma_wait3A_1020] : memref<100000x512xf32, #tpu.memory_space<hbm>> -> memref<112x512xf32, #tpu.memory_space<hbm>>
    %dma_wait3A_1022 = arith.constant 0 : i32
    %dma_wait3A_1023 = arith.constant 0 : i32
    %dma_wait3A_1024 = tpu.memref_slice %arg4[%dma_wait3A_1015, %dma_wait3A_1022, %dma_wait3A_1023] : memref<2x112x512xf32, #tpu.memory_space<vmem>> -> memref<1x112x512xf32, #tpu.memory_space<vmem>>
    %dma_wait3A_1025 = tpu.memref_squeeze %dma_wait3A_1024 : memref<1x112x512xf32, #tpu.memory_space<vmem>> -> memref<112x512xf32, #tpu.memory_space<vmem>>
    %dma_wait3A_1026 = arith.constant 0 : i32
    %dma_wait3A_1027 = tpu.memref_slice %arg2[%add3A_986, %dma_wait3A_1026] : memref<100000x512xf32, #tpu.memory_space<hbm>> -> memref<112x512xf32, #tpu.memory_space<hbm>>
    tpu.wait_dma2 semaphore(%arg5 : memref<!tpu.dma_semaphore, #tpu.memory_space<semaphore_mem>>) src(%dma_wait3A_1027 : memref<112x512xf32, #tpu.memory_space<hbm>>) dst(%dma_wait3A_1025 : memref<112x512xf32, #tpu.memory_space<vmem>>)
    %dma_wait3A_1028 = arith.constant 1 : i32
    %dma_wait3A_1029 = arith.constant 0 : i32
    %dma_wait3A_1030 = arith.constant 0 : i32
    %dma_wait3A_1031 = tpu.memref_slice %arg4[%dma_wait3A_1028, %dma_wait3A_1029, %dma_wait3A_1030] : memref<2x112x512xf32, #tpu.memory_space<vmem>> -> memref<1x112x512xf32, #tpu.memory_space<vmem>>
    %dma_wait3A_1032 = tpu.memref_squeeze %dma_wait3A_1031 : memref<1x112x512xf32, #tpu.memory_space<vmem>> -> memref<112x512xf32, #tpu.memory_space<vmem>>
    %dma_wait3A_1033 = arith.constant 0 : i32
    %dma_wait3A_1034 = tpu.memref_slice %arg3[%add3A_1001, %dma_wait3A_1033] : memref<100000x512xf32, #tpu.memory_space<hbm>> -> memref<112x512xf32, #tpu.memory_space<hbm>>
    %dma_wait3A_1035 = arith.constant 0 : i32
    %dma_wait3A_1036 = tpu.memref_slice %arg3[%add3A_1001, %dma_wait3A_1035] : memref<100000x512xf32, #tpu.memory_space<hbm>> -> memref<112x512xf32, #tpu.memory_space<hbm>>
    %dma_wait3A_1037 = arith.constant 0 : i32
    %dma_wait3A_1038 = arith.constant 0 : i32
    %dma_wait3A_1039 = tpu.memref_slice %arg4[%dma_wait3A_1028, %dma_wait3A_1037, %dma_wait3A_1038] : memref<2x112x512xf32, #tpu.memory_space<vmem>> -> memref<1x112x512xf32, #tpu.memory_space<vmem>>
    %dma_wait3A_1040 = tpu.memref_squeeze %dma_wait3A_1039 : memref<1x112x512xf32, #tpu.memory_space<vmem>> -> memref<112x512xf32, #tpu.memory_space<vmem>>
    tpu.wait_dma2 semaphore(%arg8 : memref<!tpu.dma_semaphore, #tpu.memory_space<semaphore_mem>>) src(%dma_wait3A_1040 : memref<112x512xf32, #tpu.memory_space<vmem>>) dst(%dma_wait3A_1036 : memref<112x512xf32, #tpu.memory_space<hbm>>)
    %add3A_1041 = arith.constant 2128 : i32
    %add3A_1042 = arith.addi %multiple_of3A, %add3A_1041 : i32
    %dma_start3A_1043 = arith.constant 1 : i32
    %dma_start3A_1044 = arith.constant 0 : i32
    %dma_start3A_1045 = arith.constant 0 : i32
    %dma_start3A_1046 = tpu.memref_slice %arg4[%dma_start3A_1043, %dma_start3A_1044, %dma_start3A_1045] : memref<2x112x512xf32, #tpu.memory_space<vmem>> -> memref<1x112x512xf32, #tpu.memory_space<vmem>>
    %dma_start3A_1047 = tpu.memref_squeeze %dma_start3A_1046 : memref<1x112x512xf32, #tpu.memory_space<vmem>> -> memref<112x512xf32, #tpu.memory_space<vmem>>
    %dma_start3A_1048 = arith.constant 0 : i32
    %dma_start3A_1049 = tpu.memref_slice %arg2[%add3A_1042, %dma_start3A_1048] : memref<100000x512xf32, #tpu.memory_space<hbm>> -> memref<112x512xf32, #tpu.memory_space<hbm>>
    %dma_start3A_1050 = arith.constant 0 : i32
    %dma_start3A_1051 = arith.constant 0 : i32
    %dma_start3A_1052 = tpu.memref_slice %arg4[%dma_start3A_1043, %dma_start3A_1050, %dma_start3A_1051] : memref<2x112x512xf32, #tpu.memory_space<vmem>> -> memref<1x112x512xf32, #tpu.memory_space<vmem>>
    %dma_start3A_1053 = tpu.memref_squeeze %dma_start3A_1052 : memref<1x112x512xf32, #tpu.memory_space<vmem>> -> memref<112x512xf32, #tpu.memory_space<vmem>>
    %dma_start3A_1054 = arith.constant 0 : i32
    %dma_start3A_1055 = tpu.memref_slice %arg2[%add3A_1042, %dma_start3A_1054] : memref<100000x512xf32, #tpu.memory_space<hbm>> -> memref<112x512xf32, #tpu.memory_space<hbm>>
    tpu.enqueue_dma source(%dma_start3A_1055 : memref<112x512xf32, #tpu.memory_space<hbm>>) target(%dma_start3A_1053 : memref<112x512xf32, #tpu.memory_space<vmem>>) target_semaphore(%arg6 : memref<!tpu.dma_semaphore, #tpu.memory_space<semaphore_mem>>)
    %add3A_1056 = arith.constant 2016 : i32
    %add3A_1057 = arith.addi %multiple_of3A, %add3A_1056 : i32
    %dma_start3A_1058 = arith.constant 0 : i32
    %dma_start3A_1059 = arith.constant 0 : i32
    %dma_start3A_1060 = arith.constant 0 : i32
    %dma_start3A_1061 = tpu.memref_slice %arg4[%dma_start3A_1058, %dma_start3A_1059, %dma_start3A_1060] : memref<2x112x512xf32, #tpu.memory_space<vmem>> -> memref<1x112x512xf32, #tpu.memory_space<vmem>>
    %dma_start3A_1062 = tpu.memref_squeeze %dma_start3A_1061 : memref<1x112x512xf32, #tpu.memory_space<vmem>> -> memref<112x512xf32, #tpu.memory_space<vmem>>
    %dma_start3A_1063 = arith.constant 0 : i32
    %dma_start3A_1064 = tpu.memref_slice %arg3[%add3A_1057, %dma_start3A_1063] : memref<100000x512xf32, #tpu.memory_space<hbm>> -> memref<112x512xf32, #tpu.memory_space<hbm>>
    %dma_start3A_1065 = arith.constant 0 : i32
    %dma_start3A_1066 = tpu.memref_slice %arg3[%add3A_1057, %dma_start3A_1065] : memref<100000x512xf32, #tpu.memory_space<hbm>> -> memref<112x512xf32, #tpu.memory_space<hbm>>
    %dma_start3A_1067 = arith.constant 0 : i32
    %dma_start3A_1068 = arith.constant 0 : i32
    %dma_start3A_1069 = tpu.memref_slice %arg4[%dma_start3A_1058, %dma_start3A_1067, %dma_start3A_1068] : memref<2x112x512xf32, #tpu.memory_space<vmem>> -> memref<1x112x512xf32, #tpu.memory_space<vmem>>
    %dma_start3A_1070 = tpu.memref_squeeze %dma_start3A_1069 : memref<1x112x512xf32, #tpu.memory_space<vmem>> -> memref<112x512xf32, #tpu.memory_space<vmem>>
    tpu.enqueue_dma source(%dma_start3A_1070 : memref<112x512xf32, #tpu.memory_space<vmem>>) target(%dma_start3A_1066 : memref<112x512xf32, #tpu.memory_space<hbm>>) target_semaphore(%arg7 : memref<!tpu.dma_semaphore, #tpu.memory_space<semaphore_mem>>)
    %dma_wait3A_1071 = arith.constant 1 : i32
    %dma_wait3A_1072 = arith.constant 0 : i32
    %dma_wait3A_1073 = arith.constant 0 : i32
    %dma_wait3A_1074 = tpu.memref_slice %arg4[%dma_wait3A_1071, %dma_wait3A_1072, %dma_wait3A_1073] : memref<2x112x512xf32, #tpu.memory_space<vmem>> -> memref<1x112x512xf32, #tpu.memory_space<vmem>>
    %dma_wait3A_1075 = tpu.memref_squeeze %dma_wait3A_1074 : memref<1x112x512xf32, #tpu.memory_space<vmem>> -> memref<112x512xf32, #tpu.memory_space<vmem>>
    %dma_wait3A_1076 = arith.constant 0 : i32
    %dma_wait3A_1077 = tpu.memref_slice %arg2[%add3A_1042, %dma_wait3A_1076] : memref<100000x512xf32, #tpu.memory_space<hbm>> -> memref<112x512xf32, #tpu.memory_space<hbm>>
    %dma_wait3A_1078 = arith.constant 0 : i32
    %dma_wait3A_1079 = arith.constant 0 : i32
    %dma_wait3A_1080 = tpu.memref_slice %arg4[%dma_wait3A_1071, %dma_wait3A_1078, %dma_wait3A_1079] : memref<2x112x512xf32, #tpu.memory_space<vmem>> -> memref<1x112x512xf32, #tpu.memory_space<vmem>>
    %dma_wait3A_1081 = tpu.memref_squeeze %dma_wait3A_1080 : memref<1x112x512xf32, #tpu.memory_space<vmem>> -> memref<112x512xf32, #tpu.memory_space<vmem>>
    %dma_wait3A_1082 = arith.constant 0 : i32
    %dma_wait3A_1083 = tpu.memref_slice %arg2[%add3A_1042, %dma_wait3A_1082] : memref<100000x512xf32, #tpu.memory_space<hbm>> -> memref<112x512xf32, #tpu.memory_space<hbm>>
    tpu.wait_dma2 semaphore(%arg6 : memref<!tpu.dma_semaphore, #tpu.memory_space<semaphore_mem>>) src(%dma_wait3A_1083 : memref<112x512xf32, #tpu.memory_space<hbm>>) dst(%dma_wait3A_1081 : memref<112x512xf32, #tpu.memory_space<vmem>>)
    %dma_wait3A_1084 = arith.constant 0 : i32
    %dma_wait3A_1085 = arith.constant 0 : i32
    %dma_wait3A_1086 = arith.constant 0 : i32
    %dma_wait3A_1087 = tpu.memref_slice %arg4[%dma_wait3A_1084, %dma_wait3A_1085, %dma_wait3A_1086] : memref<2x112x512xf32, #tpu.memory_space<vmem>> -> memref<1x112x512xf32, #tpu.memory_space<vmem>>
    %dma_wait3A_1088 = tpu.memref_squeeze %dma_wait3A_1087 : memref<1x112x512xf32, #tpu.memory_space<vmem>> -> memref<112x512xf32, #tpu.memory_space<vmem>>
    %dma_wait3A_1089 = arith.constant 0 : i32
    %dma_wait3A_1090 = tpu.memref_slice %arg3[%add3A_1057, %dma_wait3A_1089] : memref<100000x512xf32, #tpu.memory_space<hbm>> -> memref<112x512xf32, #tpu.memory_space<hbm>>
    %dma_wait3A_1091 = arith.constant 0 : i32
    %dma_wait3A_1092 = tpu.memref_slice %arg3[%add3A_1057, %dma_wait3A_1091] : memref<100000x512xf32, #tpu.memory_space<hbm>> -> memref<112x512xf32, #tpu.memory_space<hbm>>
    %dma_wait3A_1093 = arith.constant 0 : i32
    %dma_wait3A_1094 = arith.constant 0 : i32
    %dma_wait3A_1095 = tpu.memref_slice %arg4[%dma_wait3A_1084, %dma_wait3A_1093, %dma_wait3A_1094] : memref<2x112x512xf32, #tpu.memory_space<vmem>> -> memref<1x112x512xf32, #tpu.memory_space<vmem>>
    %dma_wait3A_1096 = tpu.memref_squeeze %dma_wait3A_1095 : memref<1x112x512xf32, #tpu.memory_space<vmem>> -> memref<112x512xf32, #tpu.memory_space<vmem>>
    tpu.wait_dma2 semaphore(%arg7 : memref<!tpu.dma_semaphore, #tpu.memory_space<semaphore_mem>>) src(%dma_wait3A_1096 : memref<112x512xf32, #tpu.memory_space<vmem>>) dst(%dma_wait3A_1092 : memref<112x512xf32, #tpu.memory_space<hbm>>)
    %add3A_1097 = arith.constant 2240 : i32
    %add3A_1098 = arith.addi %multiple_of3A, %add3A_1097 : i32
    %dma_start3A_1099 = arith.constant 0 : i32
    %dma_start3A_1100 = arith.constant 0 : i32
    %dma_start3A_1101 = arith.constant 0 : i32
    %dma_start3A_1102 = tpu.memref_slice %arg4[%dma_start3A_1099, %dma_start3A_1100, %dma_start3A_1101] : memref<2x112x512xf32, #tpu.memory_space<vmem>> -> memref<1x112x512xf32, #tpu.memory_space<vmem>>
    %dma_start3A_1103 = tpu.memref_squeeze %dma_start3A_1102 : memref<1x112x512xf32, #tpu.memory_space<vmem>> -> memref<112x512xf32, #tpu.memory_space<vmem>>
    %dma_start3A_1104 = arith.constant 0 : i32
    %dma_start3A_1105 = tpu.memref_slice %arg2[%add3A_1098, %dma_start3A_1104] : memref<100000x512xf32, #tpu.memory_space<hbm>> -> memref<112x512xf32, #tpu.memory_space<hbm>>
    %dma_start3A_1106 = arith.constant 0 : i32
    %dma_start3A_1107 = arith.constant 0 : i32
    %dma_start3A_1108 = tpu.memref_slice %arg4[%dma_start3A_1099, %dma_start3A_1106, %dma_start3A_1107] : memref<2x112x512xf32, #tpu.memory_space<vmem>> -> memref<1x112x512xf32, #tpu.memory_space<vmem>>
    %dma_start3A_1109 = tpu.memref_squeeze %dma_start3A_1108 : memref<1x112x512xf32, #tpu.memory_space<vmem>> -> memref<112x512xf32, #tpu.memory_space<vmem>>
    %dma_start3A_1110 = arith.constant 0 : i32
    %dma_start3A_1111 = tpu.memref_slice %arg2[%add3A_1098, %dma_start3A_1110] : memref<100000x512xf32, #tpu.memory_space<hbm>> -> memref<112x512xf32, #tpu.memory_space<hbm>>
    tpu.enqueue_dma source(%dma_start3A_1111 : memref<112x512xf32, #tpu.memory_space<hbm>>) target(%dma_start3A_1109 : memref<112x512xf32, #tpu.memory_space<vmem>>) target_semaphore(%arg5 : memref<!tpu.dma_semaphore, #tpu.memory_space<semaphore_mem>>)
    %add3A_1112 = arith.constant 2128 : i32
    %add3A_1113 = arith.addi %multiple_of3A, %add3A_1112 : i32
    %dma_start3A_1114 = arith.constant 1 : i32
    %dma_start3A_1115 = arith.constant 0 : i32
    %dma_start3A_1116 = arith.constant 0 : i32
    %dma_start3A_1117 = tpu.memref_slice %arg4[%dma_start3A_1114, %dma_start3A_1115, %dma_start3A_1116] : memref<2x112x512xf32, #tpu.memory_space<vmem>> -> memref<1x112x512xf32, #tpu.memory_space<vmem>>
    %dma_start3A_1118 = tpu.memref_squeeze %dma_start3A_1117 : memref<1x112x512xf32, #tpu.memory_space<vmem>> -> memref<112x512xf32, #tpu.memory_space<vmem>>
    %dma_start3A_1119 = arith.constant 0 : i32
    %dma_start3A_1120 = tpu.memref_slice %arg3[%add3A_1113, %dma_start3A_1119] : memref<100000x512xf32, #tpu.memory_space<hbm>> -> memref<112x512xf32, #tpu.memory_space<hbm>>
    %dma_start3A_1121 = arith.constant 0 : i32
    %dma_start3A_1122 = tpu.memref_slice %arg3[%add3A_1113, %dma_start3A_1121] : memref<100000x512xf32, #tpu.memory_space<hbm>> -> memref<112x512xf32, #tpu.memory_space<hbm>>
    %dma_start3A_1123 = arith.constant 0 : i32
    %dma_start3A_1124 = arith.constant 0 : i32
    %dma_start3A_1125 = tpu.memref_slice %arg4[%dma_start3A_1114, %dma_start3A_1123, %dma_start3A_1124] : memref<2x112x512xf32, #tpu.memory_space<vmem>> -> memref<1x112x512xf32, #tpu.memory_space<vmem>>
    %dma_start3A_1126 = tpu.memref_squeeze %dma_start3A_1125 : memref<1x112x512xf32, #tpu.memory_space<vmem>> -> memref<112x512xf32, #tpu.memory_space<vmem>>
    tpu.enqueue_dma source(%dma_start3A_1126 : memref<112x512xf32, #tpu.memory_space<vmem>>) target(%dma_start3A_1122 : memref<112x512xf32, #tpu.memory_space<hbm>>) target_semaphore(%arg8 : memref<!tpu.dma_semaphore, #tpu.memory_space<semaphore_mem>>)
    %dma_wait3A_1127 = arith.constant 0 : i32
    %dma_wait3A_1128 = arith.constant 0 : i32
    %dma_wait3A_1129 = arith.constant 0 : i32
    %dma_wait3A_1130 = tpu.memref_slice %arg4[%dma_wait3A_1127, %dma_wait3A_1128, %dma_wait3A_1129] : memref<2x112x512xf32, #tpu.memory_space<vmem>> -> memref<1x112x512xf32, #tpu.memory_space<vmem>>
    %dma_wait3A_1131 = tpu.memref_squeeze %dma_wait3A_1130 : memref<1x112x512xf32, #tpu.memory_space<vmem>> -> memref<112x512xf32, #tpu.memory_space<vmem>>
    %dma_wait3A_1132 = arith.constant 0 : i32
    %dma_wait3A_1133 = tpu.memref_slice %arg2[%add3A_1098, %dma_wait3A_1132] : memref<100000x512xf32, #tpu.memory_space<hbm>> -> memref<112x512xf32, #tpu.memory_space<hbm>>
    %dma_wait3A_1134 = arith.constant 0 : i32
    %dma_wait3A_1135 = arith.constant 0 : i32
    %dma_wait3A_1136 = tpu.memref_slice %arg4[%dma_wait3A_1127, %dma_wait3A_1134, %dma_wait3A_1135] : memref<2x112x512xf32, #tpu.memory_space<vmem>> -> memref<1x112x512xf32, #tpu.memory_space<vmem>>
    %dma_wait3A_1137 = tpu.memref_squeeze %dma_wait3A_1136 : memref<1x112x512xf32, #tpu.memory_space<vmem>> -> memref<112x512xf32, #tpu.memory_space<vmem>>
    %dma_wait3A_1138 = arith.constant 0 : i32
    %dma_wait3A_1139 = tpu.memref_slice %arg2[%add3A_1098, %dma_wait3A_1138] : memref<100000x512xf32, #tpu.memory_space<hbm>> -> memref<112x512xf32, #tpu.memory_space<hbm>>
    tpu.wait_dma2 semaphore(%arg5 : memref<!tpu.dma_semaphore, #tpu.memory_space<semaphore_mem>>) src(%dma_wait3A_1139 : memref<112x512xf32, #tpu.memory_space<hbm>>) dst(%dma_wait3A_1137 : memref<112x512xf32, #tpu.memory_space<vmem>>)
    %dma_wait3A_1140 = arith.constant 1 : i32
    %dma_wait3A_1141 = arith.constant 0 : i32
    %dma_wait3A_1142 = arith.constant 0 : i32
    %dma_wait3A_1143 = tpu.memref_slice %arg4[%dma_wait3A_1140, %dma_wait3A_1141, %dma_wait3A_1142] : memref<2x112x512xf32, #tpu.memory_space<vmem>> -> memref<1x112x512xf32, #tpu.memory_space<vmem>>
    %dma_wait3A_1144 = tpu.memref_squeeze %dma_wait3A_1143 : memref<1x112x512xf32, #tpu.memory_space<vmem>> -> memref<112x512xf32, #tpu.memory_space<vmem>>
    %dma_wait3A_1145 = arith.constant 0 : i32
    %dma_wait3A_1146 = tpu.memref_slice %arg3[%add3A_1113, %dma_wait3A_1145] : memref<100000x512xf32, #tpu.memory_space<hbm>> -> memref<112x512xf32, #tpu.memory_space<hbm>>
    %dma_wait3A_1147 = arith.constant 0 : i32
    %dma_wait3A_1148 = tpu.memref_slice %arg3[%add3A_1113, %dma_wait3A_1147] : memref<100000x512xf32, #tpu.memory_space<hbm>> -> memref<112x512xf32, #tpu.memory_space<hbm>>
    %dma_wait3A_1149 = arith.constant 0 : i32
    %dma_wait3A_1150 = arith.constant 0 : i32
    %dma_wait3A_1151 = tpu.memref_slice %arg4[%dma_wait3A_1140, %dma_wait3A_1149, %dma_wait3A_1150] : memref<2x112x512xf32, #tpu.memory_space<vmem>> -> memref<1x112x512xf32, #tpu.memory_space<vmem>>
    %dma_wait3A_1152 = tpu.memref_squeeze %dma_wait3A_1151 : memref<1x112x512xf32, #tpu.memory_space<vmem>> -> memref<112x512xf32, #tpu.memory_space<vmem>>
    tpu.wait_dma2 semaphore(%arg8 : memref<!tpu.dma_semaphore, #tpu.memory_space<semaphore_mem>>) src(%dma_wait3A_1152 : memref<112x512xf32, #tpu.memory_space<vmem>>) dst(%dma_wait3A_1148 : memref<112x512xf32, #tpu.memory_space<hbm>>)
    %add3A_1153 = arith.constant 2352 : i32
    %add3A_1154 = arith.addi %multiple_of3A, %add3A_1153 : i32
    %dma_start3A_1155 = arith.constant 1 : i32
    %dma_start3A_1156 = arith.constant 0 : i32
    %dma_start3A_1157 = arith.constant 0 : i32
    %dma_start3A_1158 = tpu.memref_slice %arg4[%dma_start3A_1155, %dma_start3A_1156, %dma_start3A_1157] : memref<2x112x512xf32, #tpu.memory_space<vmem>> -> memref<1x112x512xf32, #tpu.memory_space<vmem>>
    %dma_start3A_1159 = tpu.memref_squeeze %dma_start3A_1158 : memref<1x112x512xf32, #tpu.memory_space<vmem>> -> memref<112x512xf32, #tpu.memory_space<vmem>>
    %dma_start3A_1160 = arith.constant 0 : i32
    %dma_start3A_1161 = tpu.memref_slice %arg2[%add3A_1154, %dma_start3A_1160] : memref<100000x512xf32, #tpu.memory_space<hbm>> -> memref<112x512xf32, #tpu.memory_space<hbm>>
    %dma_start3A_1162 = arith.constant 0 : i32
    %dma_start3A_1163 = arith.constant 0 : i32
    %dma_start3A_1164 = tpu.memref_slice %arg4[%dma_start3A_1155, %dma_start3A_1162, %dma_start3A_1163] : memref<2x112x512xf32, #tpu.memory_space<vmem>> -> memref<1x112x512xf32, #tpu.memory_space<vmem>>
    %dma_start3A_1165 = tpu.memref_squeeze %dma_start3A_1164 : memref<1x112x512xf32, #tpu.memory_space<vmem>> -> memref<112x512xf32, #tpu.memory_space<vmem>>
    %dma_start3A_1166 = arith.constant 0 : i32
    %dma_start3A_1167 = tpu.memref_slice %arg2[%add3A_1154, %dma_start3A_1166] : memref<100000x512xf32, #tpu.memory_space<hbm>> -> memref<112x512xf32, #tpu.memory_space<hbm>>
    tpu.enqueue_dma source(%dma_start3A_1167 : memref<112x512xf32, #tpu.memory_space<hbm>>) target(%dma_start3A_1165 : memref<112x512xf32, #tpu.memory_space<vmem>>) target_semaphore(%arg6 : memref<!tpu.dma_semaphore, #tpu.memory_space<semaphore_mem>>)
    %add3A_1168 = arith.constant 2240 : i32
    %add3A_1169 = arith.addi %multiple_of3A, %add3A_1168 : i32
    %dma_start3A_1170 = arith.constant 0 : i32
    %dma_start3A_1171 = arith.constant 0 : i32
    %dma_start3A_1172 = arith.constant 0 : i32
    %dma_start3A_1173 = tpu.memref_slice %arg4[%dma_start3A_1170, %dma_start3A_1171, %dma_start3A_1172] : memref<2x112x512xf32, #tpu.memory_space<vmem>> -> memref<1x112x512xf32, #tpu.memory_space<vmem>>
    %dma_start3A_1174 = tpu.memref_squeeze %dma_start3A_1173 : memref<1x112x512xf32, #tpu.memory_space<vmem>> -> memref<112x512xf32, #tpu.memory_space<vmem>>
    %dma_start3A_1175 = arith.constant 0 : i32
    %dma_start3A_1176 = tpu.memref_slice %arg3[%add3A_1169, %dma_start3A_1175] : memref<100000x512xf32, #tpu.memory_space<hbm>> -> memref<112x512xf32, #tpu.memory_space<hbm>>
    %dma_start3A_1177 = arith.constant 0 : i32
    %dma_start3A_1178 = tpu.memref_slice %arg3[%add3A_1169, %dma_start3A_1177] : memref<100000x512xf32, #tpu.memory_space<hbm>> -> memref<112x512xf32, #tpu.memory_space<hbm>>
    %dma_start3A_1179 = arith.constant 0 : i32
    %dma_start3A_1180 = arith.constant 0 : i32
    %dma_start3A_1181 = tpu.memref_slice %arg4[%dma_start3A_1170, %dma_start3A_1179, %dma_start3A_1180] : memref<2x112x512xf32, #tpu.memory_space<vmem>> -> memref<1x112x512xf32, #tpu.memory_space<vmem>>
    %dma_start3A_1182 = tpu.memref_squeeze %dma_start3A_1181 : memref<1x112x512xf32, #tpu.memory_space<vmem>> -> memref<112x512xf32, #tpu.memory_space<vmem>>
    tpu.enqueue_dma source(%dma_start3A_1182 : memref<112x512xf32, #tpu.memory_space<vmem>>) target(%dma_start3A_1178 : memref<112x512xf32, #tpu.memory_space<hbm>>) target_semaphore(%arg7 : memref<!tpu.dma_semaphore, #tpu.memory_space<semaphore_mem>>)
    %dma_wait3A_1183 = arith.constant 1 : i32
    %dma_wait3A_1184 = arith.constant 0 : i32
    %dma_wait3A_1185 = arith.constant 0 : i32
    %dma_wait3A_1186 = tpu.memref_slice %arg4[%dma_wait3A_1183, %dma_wait3A_1184, %dma_wait3A_1185] : memref<2x112x512xf32, #tpu.memory_space<vmem>> -> memref<1x112x512xf32, #tpu.memory_space<vmem>>
    %dma_wait3A_1187 = tpu.memref_squeeze %dma_wait3A_1186 : memref<1x112x512xf32, #tpu.memory_space<vmem>> -> memref<112x512xf32, #tpu.memory_space<vmem>>
    %dma_wait3A_1188 = arith.constant 0 : i32
    %dma_wait3A_1189 = tpu.memref_slice %arg2[%add3A_1154, %dma_wait3A_1188] : memref<100000x512xf32, #tpu.memory_space<hbm>> -> memref<112x512xf32, #tpu.memory_space<hbm>>
    %dma_wait3A_1190 = arith.constant 0 : i32
    %dma_wait3A_1191 = arith.constant 0 : i32
    %dma_wait3A_1192 = tpu.memref_slice %arg4[%dma_wait3A_1183, %dma_wait3A_1190, %dma_wait3A_1191] : memref<2x112x512xf32, #tpu.memory_space<vmem>> -> memref<1x112x512xf32, #tpu.memory_space<vmem>>
    %dma_wait3A_1193 = tpu.memref_squeeze %dma_wait3A_1192 : memref<1x112x512xf32, #tpu.memory_space<vmem>> -> memref<112x512xf32, #tpu.memory_space<vmem>>
    %dma_wait3A_1194 = arith.constant 0 : i32
    %dma_wait3A_1195 = tpu.memref_slice %arg2[%add3A_1154, %dma_wait3A_1194] : memref<100000x512xf32, #tpu.memory_space<hbm>> -> memref<112x512xf32, #tpu.memory_space<hbm>>
    tpu.wait_dma2 semaphore(%arg6 : memref<!tpu.dma_semaphore, #tpu.memory_space<semaphore_mem>>) src(%dma_wait3A_1195 : memref<112x512xf32, #tpu.memory_space<hbm>>) dst(%dma_wait3A_1193 : memref<112x512xf32, #tpu.memory_space<vmem>>)
    %dma_wait3A_1196 = arith.constant 0 : i32
    %dma_wait3A_1197 = arith.constant 0 : i32
    %dma_wait3A_1198 = arith.constant 0 : i32
    %dma_wait3A_1199 = tpu.memref_slice %arg4[%dma_wait3A_1196, %dma_wait3A_1197, %dma_wait3A_1198] : memref<2x112x512xf32, #tpu.memory_space<vmem>> -> memref<1x112x512xf32, #tpu.memory_space<vmem>>
    %dma_wait3A_1200 = tpu.memref_squeeze %dma_wait3A_1199 : memref<1x112x512xf32, #tpu.memory_space<vmem>> -> memref<112x512xf32, #tpu.memory_space<vmem>>
    %dma_wait3A_1201 = arith.constant 0 : i32
    %dma_wait3A_1202 = tpu.memref_slice %arg3[%add3A_1169, %dma_wait3A_1201] : memref<100000x512xf32, #tpu.memory_space<hbm>> -> memref<112x512xf32, #tpu.memory_space<hbm>>
    %dma_wait3A_1203 = arith.constant 0 : i32
    %dma_wait3A_1204 = tpu.memref_slice %arg3[%add3A_1169, %dma_wait3A_1203] : memref<100000x512xf32, #tpu.memory_space<hbm>> -> memref<112x512xf32, #tpu.memory_space<hbm>>
    %dma_wait3A_1205 = arith.constant 0 : i32
    %dma_wait3A_1206 = arith.constant 0 : i32
    %dma_wait3A_1207 = tpu.memref_slice %arg4[%dma_wait3A_1196, %dma_wait3A_1205, %dma_wait3A_1206] : memref<2x112x512xf32, #tpu.memory_space<vmem>> -> memref<1x112x512xf32, #tpu.memory_space<vmem>>
    %dma_wait3A_1208 = tpu.memref_squeeze %dma_wait3A_1207 : memref<1x112x512xf32, #tpu.memory_space<vmem>> -> memref<112x512xf32, #tpu.memory_space<vmem>>
    tpu.wait_dma2 semaphore(%arg7 : memref<!tpu.dma_semaphore, #tpu.memory_space<semaphore_mem>>) src(%dma_wait3A_1208 : memref<112x512xf32, #tpu.memory_space<vmem>>) dst(%dma_wait3A_1204 : memref<112x512xf32, #tpu.memory_space<hbm>>)
    %add3A_1209 = arith.constant 2464 : i32
    %add3A_1210 = arith.addi %multiple_of3A, %add3A_1209 : i32
    %dma_start3A_1211 = arith.constant 0 : i32
    %dma_start3A_1212 = arith.constant 0 : i32
    %dma_start3A_1213 = arith.constant 0 : i32
    %dma_start3A_1214 = tpu.memref_slice %arg4[%dma_start3A_1211, %dma_start3A_1212, %dma_start3A_1213] : memref<2x112x512xf32, #tpu.memory_space<vmem>> -> memref<1x112x512xf32, #tpu.memory_space<vmem>>
    %dma_start3A_1215 = tpu.memref_squeeze %dma_start3A_1214 : memref<1x112x512xf32, #tpu.memory_space<vmem>> -> memref<112x512xf32, #tpu.memory_space<vmem>>
    %dma_start3A_1216 = arith.constant 0 : i32
    %dma_start3A_1217 = tpu.memref_slice %arg2[%add3A_1210, %dma_start3A_1216] : memref<100000x512xf32, #tpu.memory_space<hbm>> -> memref<112x512xf32, #tpu.memory_space<hbm>>
    %dma_start3A_1218 = arith.constant 0 : i32
    %dma_start3A_1219 = arith.constant 0 : i32
    %dma_start3A_1220 = tpu.memref_slice %arg4[%dma_start3A_1211, %dma_start3A_1218, %dma_start3A_1219] : memref<2x112x512xf32, #tpu.memory_space<vmem>> -> memref<1x112x512xf32, #tpu.memory_space<vmem>>
    %dma_start3A_1221 = tpu.memref_squeeze %dma_start3A_1220 : memref<1x112x512xf32, #tpu.memory_space<vmem>> -> memref<112x512xf32, #tpu.memory_space<vmem>>
    %dma_start3A_1222 = arith.constant 0 : i32
    %dma_start3A_1223 = tpu.memref_slice %arg2[%add3A_1210, %dma_start3A_1222] : memref<100000x512xf32, #tpu.memory_space<hbm>> -> memref<112x512xf32, #tpu.memory_space<hbm>>
    tpu.enqueue_dma source(%dma_start3A_1223 : memref<112x512xf32, #tpu.memory_space<hbm>>) target(%dma_start3A_1221 : memref<112x512xf32, #tpu.memory_space<vmem>>) target_semaphore(%arg5 : memref<!tpu.dma_semaphore, #tpu.memory_space<semaphore_mem>>)
    %add3A_1224 = arith.constant 2352 : i32
    %add3A_1225 = arith.addi %multiple_of3A, %add3A_1224 : i32
    %dma_start3A_1226 = arith.constant 1 : i32
    %dma_start3A_1227 = arith.constant 0 : i32
    %dma_start3A_1228 = arith.constant 0 : i32
    %dma_start3A_1229 = tpu.memref_slice %arg4[%dma_start3A_1226, %dma_start3A_1227, %dma_start3A_1228] : memref<2x112x512xf32, #tpu.memory_space<vmem>> -> memref<1x112x512xf32, #tpu.memory_space<vmem>>
    %dma_start3A_1230 = tpu.memref_squeeze %dma_start3A_1229 : memref<1x112x512xf32, #tpu.memory_space<vmem>> -> memref<112x512xf32, #tpu.memory_space<vmem>>
    %dma_start3A_1231 = arith.constant 0 : i32
    %dma_start3A_1232 = tpu.memref_slice %arg3[%add3A_1225, %dma_start3A_1231] : memref<100000x512xf32, #tpu.memory_space<hbm>> -> memref<112x512xf32, #tpu.memory_space<hbm>>
    %dma_start3A_1233 = arith.constant 0 : i32
    %dma_start3A_1234 = tpu.memref_slice %arg3[%add3A_1225, %dma_start3A_1233] : memref<100000x512xf32, #tpu.memory_space<hbm>> -> memref<112x512xf32, #tpu.memory_space<hbm>>
    %dma_start3A_1235 = arith.constant 0 : i32
    %dma_start3A_1236 = arith.constant 0 : i32
    %dma_start3A_1237 = tpu.memref_slice %arg4[%dma_start3A_1226, %dma_start3A_1235, %dma_start3A_1236] : memref<2x112x512xf32, #tpu.memory_space<vmem>> -> memref<1x112x512xf32, #tpu.memory_space<vmem>>
    %dma_start3A_1238 = tpu.memref_squeeze %dma_start3A_1237 : memref<1x112x512xf32, #tpu.memory_space<vmem>> -> memref<112x512xf32, #tpu.memory_space<vmem>>
    tpu.enqueue_dma source(%dma_start3A_1238 : memref<112x512xf32, #tpu.memory_space<vmem>>) target(%dma_start3A_1234 : memref<112x512xf32, #tpu.memory_space<hbm>>) target_semaphore(%arg8 : memref<!tpu.dma_semaphore, #tpu.memory_space<semaphore_mem>>)
    %dma_wait3A_1239 = arith.constant 0 : i32
    %dma_wait3A_1240 = arith.constant 0 : i32
    %dma_wait3A_1241 = arith.constant 0 : i32
    %dma_wait3A_1242 = tpu.memref_slice %arg4[%dma_wait3A_1239, %dma_wait3A_1240, %dma_wait3A_1241] : memref<2x112x512xf32, #tpu.memory_space<vmem>> -> memref<1x112x512xf32, #tpu.memory_space<vmem>>
    %dma_wait3A_1243 = tpu.memref_squeeze %dma_wait3A_1242 : memref<1x112x512xf32, #tpu.memory_space<vmem>> -> memref<112x512xf32, #tpu.memory_space<vmem>>
    %dma_wait3A_1244 = arith.constant 0 : i32
    %dma_wait3A_1245 = tpu.memref_slice %arg2[%add3A_1210, %dma_wait3A_1244] : memref<100000x512xf32, #tpu.memory_space<hbm>> -> memref<112x512xf32, #tpu.memory_space<hbm>>
    %dma_wait3A_1246 = arith.constant 0 : i32
    %dma_wait3A_1247 = arith.constant 0 : i32
    %dma_wait3A_1248 = tpu.memref_slice %arg4[%dma_wait3A_1239, %dma_wait3A_1246, %dma_wait3A_1247] : memref<2x112x512xf32, #tpu.memory_space<vmem>> -> memref<1x112x512xf32, #tpu.memory_space<vmem>>
    %dma_wait3A_1249 = tpu.memref_squeeze %dma_wait3A_1248 : memref<1x112x512xf32, #tpu.memory_space<vmem>> -> memref<112x512xf32, #tpu.memory_space<vmem>>
    %dma_wait3A_1250 = arith.constant 0 : i32
    %dma_wait3A_1251 = tpu.memref_slice %arg2[%add3A_1210, %dma_wait3A_1250] : memref<100000x512xf32, #tpu.memory_space<hbm>> -> memref<112x512xf32, #tpu.memory_space<hbm>>
    tpu.wait_dma2 semaphore(%arg5 : memref<!tpu.dma_semaphore, #tpu.memory_space<semaphore_mem>>) src(%dma_wait3A_1251 : memref<112x512xf32, #tpu.memory_space<hbm>>) dst(%dma_wait3A_1249 : memref<112x512xf32, #tpu.memory_space<vmem>>)
    %dma_wait3A_1252 = arith.constant 1 : i32
    %dma_wait3A_1253 = arith.constant 0 : i32
    %dma_wait3A_1254 = arith.constant 0 : i32
    %dma_wait3A_1255 = tpu.memref_slice %arg4[%dma_wait3A_1252, %dma_wait3A_1253, %dma_wait3A_1254] : memref<2x112x512xf32, #tpu.memory_space<vmem>> -> memref<1x112x512xf32, #tpu.memory_space<vmem>>
    %dma_wait3A_1256 = tpu.memref_squeeze %dma_wait3A_1255 : memref<1x112x512xf32, #tpu.memory_space<vmem>> -> memref<112x512xf32, #tpu.memory_space<vmem>>
    %dma_wait3A_1257 = arith.constant 0 : i32
    %dma_wait3A_1258 = tpu.memref_slice %arg3[%add3A_1225, %dma_wait3A_1257] : memref<100000x512xf32, #tpu.memory_space<hbm>> -> memref<112x512xf32, #tpu.memory_space<hbm>>
    %dma_wait3A_1259 = arith.constant 0 : i32
    %dma_wait3A_1260 = tpu.memref_slice %arg3[%add3A_1225, %dma_wait3A_1259] : memref<100000x512xf32, #tpu.memory_space<hbm>> -> memref<112x512xf32, #tpu.memory_space<hbm>>
    %dma_wait3A_1261 = arith.constant 0 : i32
    %dma_wait3A_1262 = arith.constant 0 : i32
    %dma_wait3A_1263 = tpu.memref_slice %arg4[%dma_wait3A_1252, %dma_wait3A_1261, %dma_wait3A_1262] : memref<2x112x512xf32, #tpu.memory_space<vmem>> -> memref<1x112x512xf32, #tpu.memory_space<vmem>>
    %dma_wait3A_1264 = tpu.memref_squeeze %dma_wait3A_1263 : memref<1x112x512xf32, #tpu.memory_space<vmem>> -> memref<112x512xf32, #tpu.memory_space<vmem>>
    tpu.wait_dma2 semaphore(%arg8 : memref<!tpu.dma_semaphore, #tpu.memory_space<semaphore_mem>>) src(%dma_wait3A_1264 : memref<112x512xf32, #tpu.memory_space<vmem>>) dst(%dma_wait3A_1260 : memref<112x512xf32, #tpu.memory_space<hbm>>)
    %add3A_1265 = arith.constant 2576 : i32
    %add3A_1266 = arith.addi %multiple_of3A, %add3A_1265 : i32
    %dma_start3A_1267 = arith.constant 1 : i32
    %dma_start3A_1268 = arith.constant 0 : i32
    %dma_start3A_1269 = arith.constant 0 : i32
    %dma_start3A_1270 = tpu.memref_slice %arg4[%dma_start3A_1267, %dma_start3A_1268, %dma_start3A_1269] : memref<2x112x512xf32, #tpu.memory_space<vmem>> -> memref<1x112x512xf32, #tpu.memory_space<vmem>>
    %dma_start3A_1271 = tpu.memref_squeeze %dma_start3A_1270 : memref<1x112x512xf32, #tpu.memory_space<vmem>> -> memref<112x512xf32, #tpu.memory_space<vmem>>
    %dma_start3A_1272 = arith.constant 0 : i32
    %dma_start3A_1273 = tpu.memref_slice %arg2[%add3A_1266, %dma_start3A_1272] : memref<100000x512xf32, #tpu.memory_space<hbm>> -> memref<112x512xf32, #tpu.memory_space<hbm>>
    %dma_start3A_1274 = arith.constant 0 : i32
    %dma_start3A_1275 = arith.constant 0 : i32
    %dma_start3A_1276 = tpu.memref_slice %arg4[%dma_start3A_1267, %dma_start3A_1274, %dma_start3A_1275] : memref<2x112x512xf32, #tpu.memory_space<vmem>> -> memref<1x112x512xf32, #tpu.memory_space<vmem>>
    %dma_start3A_1277 = tpu.memref_squeeze %dma_start3A_1276 : memref<1x112x512xf32, #tpu.memory_space<vmem>> -> memref<112x512xf32, #tpu.memory_space<vmem>>
    %dma_start3A_1278 = arith.constant 0 : i32
    %dma_start3A_1279 = tpu.memref_slice %arg2[%add3A_1266, %dma_start3A_1278] : memref<100000x512xf32, #tpu.memory_space<hbm>> -> memref<112x512xf32, #tpu.memory_space<hbm>>
    tpu.enqueue_dma source(%dma_start3A_1279 : memref<112x512xf32, #tpu.memory_space<hbm>>) target(%dma_start3A_1277 : memref<112x512xf32, #tpu.memory_space<vmem>>) target_semaphore(%arg6 : memref<!tpu.dma_semaphore, #tpu.memory_space<semaphore_mem>>)
    %add3A_1280 = arith.constant 2464 : i32
    %add3A_1281 = arith.addi %multiple_of3A, %add3A_1280 : i32
    %dma_start3A_1282 = arith.constant 0 : i32
    %dma_start3A_1283 = arith.constant 0 : i32
    %dma_start3A_1284 = arith.constant 0 : i32
    %dma_start3A_1285 = tpu.memref_slice %arg4[%dma_start3A_1282, %dma_start3A_1283, %dma_start3A_1284] : memref<2x112x512xf32, #tpu.memory_space<vmem>> -> memref<1x112x512xf32, #tpu.memory_space<vmem>>
    %dma_start3A_1286 = tpu.memref_squeeze %dma_start3A_1285 : memref<1x112x512xf32, #tpu.memory_space<vmem>> -> memref<112x512xf32, #tpu.memory_space<vmem>>
    %dma_start3A_1287 = arith.constant 0 : i32
    %dma_start3A_1288 = tpu.memref_slice %arg3[%add3A_1281, %dma_start3A_1287] : memref<100000x512xf32, #tpu.memory_space<hbm>> -> memref<112x512xf32, #tpu.memory_space<hbm>>
    %dma_start3A_1289 = arith.constant 0 : i32
    %dma_start3A_1290 = tpu.memref_slice %arg3[%add3A_1281, %dma_start3A_1289] : memref<100000x512xf32, #tpu.memory_space<hbm>> -> memref<112x512xf32, #tpu.memory_space<hbm>>
    %dma_start3A_1291 = arith.constant 0 : i32
    %dma_start3A_1292 = arith.constant 0 : i32
    %dma_start3A_1293 = tpu.memref_slice %arg4[%dma_start3A_1282, %dma_start3A_1291, %dma_start3A_1292] : memref<2x112x512xf32, #tpu.memory_space<vmem>> -> memref<1x112x512xf32, #tpu.memory_space<vmem>>
    %dma_start3A_1294 = tpu.memref_squeeze %dma_start3A_1293 : memref<1x112x512xf32, #tpu.memory_space<vmem>> -> memref<112x512xf32, #tpu.memory_space<vmem>>
    tpu.enqueue_dma source(%dma_start3A_1294 : memref<112x512xf32, #tpu.memory_space<vmem>>) target(%dma_start3A_1290 : memref<112x512xf32, #tpu.memory_space<hbm>>) target_semaphore(%arg7 : memref<!tpu.dma_semaphore, #tpu.memory_space<semaphore_mem>>)
    %dma_wait3A_1295 = arith.constant 1 : i32
    %dma_wait3A_1296 = arith.constant 0 : i32
    %dma_wait3A_1297 = arith.constant 0 : i32
    %dma_wait3A_1298 = tpu.memref_slice %arg4[%dma_wait3A_1295, %dma_wait3A_1296, %dma_wait3A_1297] : memref<2x112x512xf32, #tpu.memory_space<vmem>> -> memref<1x112x512xf32, #tpu.memory_space<vmem>>
    %dma_wait3A_1299 = tpu.memref_squeeze %dma_wait3A_1298 : memref<1x112x512xf32, #tpu.memory_space<vmem>> -> memref<112x512xf32, #tpu.memory_space<vmem>>
    %dma_wait3A_1300 = arith.constant 0 : i32
    %dma_wait3A_1301 = tpu.memref_slice %arg2[%add3A_1266, %dma_wait3A_1300] : memref<100000x512xf32, #tpu.memory_space<hbm>> -> memref<112x512xf32, #tpu.memory_space<hbm>>
    %dma_wait3A_1302 = arith.constant 0 : i32
    %dma_wait3A_1303 = arith.constant 0 : i32
    %dma_wait3A_1304 = tpu.memref_slice %arg4[%dma_wait3A_1295, %dma_wait3A_1302, %dma_wait3A_1303] : memref<2x112x512xf32, #tpu.memory_space<vmem>> -> memref<1x112x512xf32, #tpu.memory_space<vmem>>
    %dma_wait3A_1305 = tpu.memref_squeeze %dma_wait3A_1304 : memref<1x112x512xf32, #tpu.memory_space<vmem>> -> memref<112x512xf32, #tpu.memory_space<vmem>>
    %dma_wait3A_1306 = arith.constant 0 : i32
    %dma_wait3A_1307 = tpu.memref_slice %arg2[%add3A_1266, %dma_wait3A_1306] : memref<100000x512xf32, #tpu.memory_space<hbm>> -> memref<112x512xf32, #tpu.memory_space<hbm>>
    tpu.wait_dma2 semaphore(%arg6 : memref<!tpu.dma_semaphore, #tpu.memory_space<semaphore_mem>>) src(%dma_wait3A_1307 : memref<112x512xf32, #tpu.memory_space<hbm>>) dst(%dma_wait3A_1305 : memref<112x512xf32, #tpu.memory_space<vmem>>)
    %dma_wait3A_1308 = arith.constant 0 : i32
    %dma_wait3A_1309 = arith.constant 0 : i32
    %dma_wait3A_1310 = arith.constant 0 : i32
    %dma_wait3A_1311 = tpu.memref_slice %arg4[%dma_wait3A_1308, %dma_wait3A_1309, %dma_wait3A_1310] : memref<2x112x512xf32, #tpu.memory_space<vmem>> -> memref<1x112x512xf32, #tpu.memory_space<vmem>>
    %dma_wait3A_1312 = tpu.memref_squeeze %dma_wait3A_1311 : memref<1x112x512xf32, #tpu.memory_space<vmem>> -> memref<112x512xf32, #tpu.memory_space<vmem>>
    %dma_wait3A_1313 = arith.constant 0 : i32
    %dma_wait3A_1314 = tpu.memref_slice %arg3[%add3A_1281, %dma_wait3A_1313] : memref<100000x512xf32, #tpu.memory_space<hbm>> -> memref<112x512xf32, #tpu.memory_space<hbm>>
    %dma_wait3A_1315 = arith.constant 0 : i32
    %dma_wait3A_1316 = tpu.memref_slice %arg3[%add3A_1281, %dma_wait3A_1315] : memref<100000x512xf32, #tpu.memory_space<hbm>> -> memref<112x512xf32, #tpu.memory_space<hbm>>
    %dma_wait3A_1317 = arith.constant 0 : i32
    %dma_wait3A_1318 = arith.constant 0 : i32
    %dma_wait3A_1319 = tpu.memref_slice %arg4[%dma_wait3A_1308, %dma_wait3A_1317, %dma_wait3A_1318] : memref<2x112x512xf32, #tpu.memory_space<vmem>> -> memref<1x112x512xf32, #tpu.memory_space<vmem>>
    %dma_wait3A_1320 = tpu.memref_squeeze %dma_wait3A_1319 : memref<1x112x512xf32, #tpu.memory_space<vmem>> -> memref<112x512xf32, #tpu.memory_space<vmem>>
    tpu.wait_dma2 semaphore(%arg7 : memref<!tpu.dma_semaphore, #tpu.memory_space<semaphore_mem>>) src(%dma_wait3A_1320 : memref<112x512xf32, #tpu.memory_space<vmem>>) dst(%dma_wait3A_1316 : memref<112x512xf32, #tpu.memory_space<hbm>>)
    %add3A_1321 = arith.constant 2688 : i32
    %add3A_1322 = arith.addi %multiple_of3A, %add3A_1321 : i32
    %dma_start3A_1323 = arith.constant 0 : i32
    %dma_start3A_1324 = arith.constant 0 : i32
    %dma_start3A_1325 = arith.constant 0 : i32
    %dma_start3A_1326 = tpu.memref_slice %arg4[%dma_start3A_1323, %dma_start3A_1324, %dma_start3A_1325] : memref<2x112x512xf32, #tpu.memory_space<vmem>> -> memref<1x112x512xf32, #tpu.memory_space<vmem>>
    %dma_start3A_1327 = tpu.memref_squeeze %dma_start3A_1326 : memref<1x112x512xf32, #tpu.memory_space<vmem>> -> memref<112x512xf32, #tpu.memory_space<vmem>>
    %dma_start3A_1328 = arith.constant 0 : i32
    %dma_start3A_1329 = tpu.memref_slice %arg2[%add3A_1322, %dma_start3A_1328] : memref<100000x512xf32, #tpu.memory_space<hbm>> -> memref<112x512xf32, #tpu.memory_space<hbm>>
    %dma_start3A_1330 = arith.constant 0 : i32
    %dma_start3A_1331 = arith.constant 0 : i32
    %dma_start3A_1332 = tpu.memref_slice %arg4[%dma_start3A_1323, %dma_start3A_1330, %dma_start3A_1331] : memref<2x112x512xf32, #tpu.memory_space<vmem>> -> memref<1x112x512xf32, #tpu.memory_space<vmem>>
    %dma_start3A_1333 = tpu.memref_squeeze %dma_start3A_1332 : memref<1x112x512xf32, #tpu.memory_space<vmem>> -> memref<112x512xf32, #tpu.memory_space<vmem>>
    %dma_start3A_1334 = arith.constant 0 : i32
    %dma_start3A_1335 = tpu.memref_slice %arg2[%add3A_1322, %dma_start3A_1334] : memref<100000x512xf32, #tpu.memory_space<hbm>> -> memref<112x512xf32, #tpu.memory_space<hbm>>
    tpu.enqueue_dma source(%dma_start3A_1335 : memref<112x512xf32, #tpu.memory_space<hbm>>) target(%dma_start3A_1333 : memref<112x512xf32, #tpu.memory_space<vmem>>) target_semaphore(%arg5 : memref<!tpu.dma_semaphore, #tpu.memory_space<semaphore_mem>>)
    %add3A_1336 = arith.constant 2576 : i32
    %add3A_1337 = arith.addi %multiple_of3A, %add3A_1336 : i32
    %dma_start3A_1338 = arith.constant 1 : i32
    %dma_start3A_1339 = arith.constant 0 : i32
    %dma_start3A_1340 = arith.constant 0 : i32
    %dma_start3A_1341 = tpu.memref_slice %arg4[%dma_start3A_1338, %dma_start3A_1339, %dma_start3A_1340] : memref<2x112x512xf32, #tpu.memory_space<vmem>> -> memref<1x112x512xf32, #tpu.memory_space<vmem>>
    %dma_start3A_1342 = tpu.memref_squeeze %dma_start3A_1341 : memref<1x112x512xf32, #tpu.memory_space<vmem>> -> memref<112x512xf32, #tpu.memory_space<vmem>>
    %dma_start3A_1343 = arith.constant 0 : i32
    %dma_start3A_1344 = tpu.memref_slice %arg3[%add3A_1337, %dma_start3A_1343] : memref<100000x512xf32, #tpu.memory_space<hbm>> -> memref<112x512xf32, #tpu.memory_space<hbm>>
    %dma_start3A_1345 = arith.constant 0 : i32
    %dma_start3A_1346 = tpu.memref_slice %arg3[%add3A_1337, %dma_start3A_1345] : memref<100000x512xf32, #tpu.memory_space<hbm>> -> memref<112x512xf32, #tpu.memory_space<hbm>>
    %dma_start3A_1347 = arith.constant 0 : i32
    %dma_start3A_1348 = arith.constant 0 : i32
    %dma_start3A_1349 = tpu.memref_slice %arg4[%dma_start3A_1338, %dma_start3A_1347, %dma_start3A_1348] : memref<2x112x512xf32, #tpu.memory_space<vmem>> -> memref<1x112x512xf32, #tpu.memory_space<vmem>>
    %dma_start3A_1350 = tpu.memref_squeeze %dma_start3A_1349 : memref<1x112x512xf32, #tpu.memory_space<vmem>> -> memref<112x512xf32, #tpu.memory_space<vmem>>
    tpu.enqueue_dma source(%dma_start3A_1350 : memref<112x512xf32, #tpu.memory_space<vmem>>) target(%dma_start3A_1346 : memref<112x512xf32, #tpu.memory_space<hbm>>) target_semaphore(%arg8 : memref<!tpu.dma_semaphore, #tpu.memory_space<semaphore_mem>>)
    %dma_wait3A_1351 = arith.constant 0 : i32
    %dma_wait3A_1352 = arith.constant 0 : i32
    %dma_wait3A_1353 = arith.constant 0 : i32
    %dma_wait3A_1354 = tpu.memref_slice %arg4[%dma_wait3A_1351, %dma_wait3A_1352, %dma_wait3A_1353] : memref<2x112x512xf32, #tpu.memory_space<vmem>> -> memref<1x112x512xf32, #tpu.memory_space<vmem>>
    %dma_wait3A_1355 = tpu.memref_squeeze %dma_wait3A_1354 : memref<1x112x512xf32, #tpu.memory_space<vmem>> -> memref<112x512xf32, #tpu.memory_space<vmem>>
    %dma_wait3A_1356 = arith.constant 0 : i32
    %dma_wait3A_1357 = tpu.memref_slice %arg2[%add3A_1322, %dma_wait3A_1356] : memref<100000x512xf32, #tpu.memory_space<hbm>> -> memref<112x512xf32, #tpu.memory_space<hbm>>
    %dma_wait3A_1358 = arith.constant 0 : i32
    %dma_wait3A_1359 = arith.constant 0 : i32
    %dma_wait3A_1360 = tpu.memref_slice %arg4[%dma_wait3A_1351, %dma_wait3A_1358, %dma_wait3A_1359] : memref<2x112x512xf32, #tpu.memory_space<vmem>> -> memref<1x112x512xf32, #tpu.memory_space<vmem>>
    %dma_wait3A_1361 = tpu.memref_squeeze %dma_wait3A_1360 : memref<1x112x512xf32, #tpu.memory_space<vmem>> -> memref<112x512xf32, #tpu.memory_space<vmem>>
    %dma_wait3A_1362 = arith.constant 0 : i32
    %dma_wait3A_1363 = tpu.memref_slice %arg2[%add3A_1322, %dma_wait3A_1362] : memref<100000x512xf32, #tpu.memory_space<hbm>> -> memref<112x512xf32, #tpu.memory_space<hbm>>
    tpu.wait_dma2 semaphore(%arg5 : memref<!tpu.dma_semaphore, #tpu.memory_space<semaphore_mem>>) src(%dma_wait3A_1363 : memref<112x512xf32, #tpu.memory_space<hbm>>) dst(%dma_wait3A_1361 : memref<112x512xf32, #tpu.memory_space<vmem>>)
    %dma_wait3A_1364 = arith.constant 1 : i32
    %dma_wait3A_1365 = arith.constant 0 : i32
    %dma_wait3A_1366 = arith.constant 0 : i32
    %dma_wait3A_1367 = tpu.memref_slice %arg4[%dma_wait3A_1364, %dma_wait3A_1365, %dma_wait3A_1366] : memref<2x112x512xf32, #tpu.memory_space<vmem>> -> memref<1x112x512xf32, #tpu.memory_space<vmem>>
    %dma_wait3A_1368 = tpu.memref_squeeze %dma_wait3A_1367 : memref<1x112x512xf32, #tpu.memory_space<vmem>> -> memref<112x512xf32, #tpu.memory_space<vmem>>
    %dma_wait3A_1369 = arith.constant 0 : i32
    %dma_wait3A_1370 = tpu.memref_slice %arg3[%add3A_1337, %dma_wait3A_1369] : memref<100000x512xf32, #tpu.memory_space<hbm>> -> memref<112x512xf32, #tpu.memory_space<hbm>>
    %dma_wait3A_1371 = arith.constant 0 : i32
    %dma_wait3A_1372 = tpu.memref_slice %arg3[%add3A_1337, %dma_wait3A_1371] : memref<100000x512xf32, #tpu.memory_space<hbm>> -> memref<112x512xf32, #tpu.memory_space<hbm>>
    %dma_wait3A_1373 = arith.constant 0 : i32
    %dma_wait3A_1374 = arith.constant 0 : i32
    %dma_wait3A_1375 = tpu.memref_slice %arg4[%dma_wait3A_1364, %dma_wait3A_1373, %dma_wait3A_1374] : memref<2x112x512xf32, #tpu.memory_space<vmem>> -> memref<1x112x512xf32, #tpu.memory_space<vmem>>
    %dma_wait3A_1376 = tpu.memref_squeeze %dma_wait3A_1375 : memref<1x112x512xf32, #tpu.memory_space<vmem>> -> memref<112x512xf32, #tpu.memory_space<vmem>>
    tpu.wait_dma2 semaphore(%arg8 : memref<!tpu.dma_semaphore, #tpu.memory_space<semaphore_mem>>) src(%dma_wait3A_1376 : memref<112x512xf32, #tpu.memory_space<vmem>>) dst(%dma_wait3A_1372 : memref<112x512xf32, #tpu.memory_space<hbm>>)
    %add3A_1377 = arith.constant 2800 : i32
    %add3A_1378 = arith.addi %multiple_of3A, %add3A_1377 : i32
    %dma_start3A_1379 = arith.constant 1 : i32
    %dma_start3A_1380 = arith.constant 0 : i32
    %dma_start3A_1381 = arith.constant 0 : i32
    %dma_start3A_1382 = tpu.memref_slice %arg4[%dma_start3A_1379, %dma_start3A_1380, %dma_start3A_1381] : memref<2x112x512xf32, #tpu.memory_space<vmem>> -> memref<1x112x512xf32, #tpu.memory_space<vmem>>
    %dma_start3A_1383 = tpu.memref_squeeze %dma_start3A_1382 : memref<1x112x512xf32, #tpu.memory_space<vmem>> -> memref<112x512xf32, #tpu.memory_space<vmem>>
    %dma_start3A_1384 = arith.constant 0 : i32
    %dma_start3A_1385 = tpu.memref_slice %arg2[%add3A_1378, %dma_start3A_1384] : memref<100000x512xf32, #tpu.memory_space<hbm>> -> memref<112x512xf32, #tpu.memory_space<hbm>>
    %dma_start3A_1386 = arith.constant 0 : i32
    %dma_start3A_1387 = arith.constant 0 : i32
    %dma_start3A_1388 = tpu.memref_slice %arg4[%dma_start3A_1379, %dma_start3A_1386, %dma_start3A_1387] : memref<2x112x512xf32, #tpu.memory_space<vmem>> -> memref<1x112x512xf32, #tpu.memory_space<vmem>>
    %dma_start3A_1389 = tpu.memref_squeeze %dma_start3A_1388 : memref<1x112x512xf32, #tpu.memory_space<vmem>> -> memref<112x512xf32, #tpu.memory_space<vmem>>
    %dma_start3A_1390 = arith.constant 0 : i32
    %dma_start3A_1391 = tpu.memref_slice %arg2[%add3A_1378, %dma_start3A_1390] : memref<100000x512xf32, #tpu.memory_space<hbm>> -> memref<112x512xf32, #tpu.memory_space<hbm>>
    tpu.enqueue_dma source(%dma_start3A_1391 : memref<112x512xf32, #tpu.memory_space<hbm>>) target(%dma_start3A_1389 : memref<112x512xf32, #tpu.memory_space<vmem>>) target_semaphore(%arg6 : memref<!tpu.dma_semaphore, #tpu.memory_space<semaphore_mem>>)
    %add3A_1392 = arith.constant 2688 : i32
    %add3A_1393 = arith.addi %multiple_of3A, %add3A_1392 : i32
    %dma_start3A_1394 = arith.constant 0 : i32
    %dma_start3A_1395 = arith.constant 0 : i32
    %dma_start3A_1396 = arith.constant 0 : i32
    %dma_start3A_1397 = tpu.memref_slice %arg4[%dma_start3A_1394, %dma_start3A_1395, %dma_start3A_1396] : memref<2x112x512xf32, #tpu.memory_space<vmem>> -> memref<1x112x512xf32, #tpu.memory_space<vmem>>
    %dma_start3A_1398 = tpu.memref_squeeze %dma_start3A_1397 : memref<1x112x512xf32, #tpu.memory_space<vmem>> -> memref<112x512xf32, #tpu.memory_space<vmem>>
    %dma_start3A_1399 = arith.constant 0 : i32
    %dma_start3A_1400 = tpu.memref_slice %arg3[%add3A_1393, %dma_start3A_1399] : memref<100000x512xf32, #tpu.memory_space<hbm>> -> memref<112x512xf32, #tpu.memory_space<hbm>>
    %dma_start3A_1401 = arith.constant 0 : i32
    %dma_start3A_1402 = tpu.memref_slice %arg3[%add3A_1393, %dma_start3A_1401] : memref<100000x512xf32, #tpu.memory_space<hbm>> -> memref<112x512xf32, #tpu.memory_space<hbm>>
    %dma_start3A_1403 = arith.constant 0 : i32
    %dma_start3A_1404 = arith.constant 0 : i32
    %dma_start3A_1405 = tpu.memref_slice %arg4[%dma_start3A_1394, %dma_start3A_1403, %dma_start3A_1404] : memref<2x112x512xf32, #tpu.memory_space<vmem>> -> memref<1x112x512xf32, #tpu.memory_space<vmem>>
    %dma_start3A_1406 = tpu.memref_squeeze %dma_start3A_1405 : memref<1x112x512xf32, #tpu.memory_space<vmem>> -> memref<112x512xf32, #tpu.memory_space<vmem>>
    tpu.enqueue_dma source(%dma_start3A_1406 : memref<112x512xf32, #tpu.memory_space<vmem>>) target(%dma_start3A_1402 : memref<112x512xf32, #tpu.memory_space<hbm>>) target_semaphore(%arg7 : memref<!tpu.dma_semaphore, #tpu.memory_space<semaphore_mem>>)
    %dma_wait3A_1407 = arith.constant 1 : i32
    %dma_wait3A_1408 = arith.constant 0 : i32
    %dma_wait3A_1409 = arith.constant 0 : i32
    %dma_wait3A_1410 = tpu.memref_slice %arg4[%dma_wait3A_1407, %dma_wait3A_1408, %dma_wait3A_1409] : memref<2x112x512xf32, #tpu.memory_space<vmem>> -> memref<1x112x512xf32, #tpu.memory_space<vmem>>
    %dma_wait3A_1411 = tpu.memref_squeeze %dma_wait3A_1410 : memref<1x112x512xf32, #tpu.memory_space<vmem>> -> memref<112x512xf32, #tpu.memory_space<vmem>>
    %dma_wait3A_1412 = arith.constant 0 : i32
    %dma_wait3A_1413 = tpu.memref_slice %arg2[%add3A_1378, %dma_wait3A_1412] : memref<100000x512xf32, #tpu.memory_space<hbm>> -> memref<112x512xf32, #tpu.memory_space<hbm>>
    %dma_wait3A_1414 = arith.constant 0 : i32
    %dma_wait3A_1415 = arith.constant 0 : i32
    %dma_wait3A_1416 = tpu.memref_slice %arg4[%dma_wait3A_1407, %dma_wait3A_1414, %dma_wait3A_1415] : memref<2x112x512xf32, #tpu.memory_space<vmem>> -> memref<1x112x512xf32, #tpu.memory_space<vmem>>
    %dma_wait3A_1417 = tpu.memref_squeeze %dma_wait3A_1416 : memref<1x112x512xf32, #tpu.memory_space<vmem>> -> memref<112x512xf32, #tpu.memory_space<vmem>>
    %dma_wait3A_1418 = arith.constant 0 : i32
    %dma_wait3A_1419 = tpu.memref_slice %arg2[%add3A_1378, %dma_wait3A_1418] : memref<100000x512xf32, #tpu.memory_space<hbm>> -> memref<112x512xf32, #tpu.memory_space<hbm>>
    tpu.wait_dma2 semaphore(%arg6 : memref<!tpu.dma_semaphore, #tpu.memory_space<semaphore_mem>>) src(%dma_wait3A_1419 : memref<112x512xf32, #tpu.memory_space<hbm>>) dst(%dma_wait3A_1417 : memref<112x512xf32, #tpu.memory_space<vmem>>)
    %dma_wait3A_1420 = arith.constant 0 : i32
    %dma_wait3A_1421 = arith.constant 0 : i32
    %dma_wait3A_1422 = arith.constant 0 : i32
    %dma_wait3A_1423 = tpu.memref_slice %arg4[%dma_wait3A_1420, %dma_wait3A_1421, %dma_wait3A_1422] : memref<2x112x512xf32, #tpu.memory_space<vmem>> -> memref<1x112x512xf32, #tpu.memory_space<vmem>>
    %dma_wait3A_1424 = tpu.memref_squeeze %dma_wait3A_1423 : memref<1x112x512xf32, #tpu.memory_space<vmem>> -> memref<112x512xf32, #tpu.memory_space<vmem>>
    %dma_wait3A_1425 = arith.constant 0 : i32
    %dma_wait3A_1426 = tpu.memref_slice %arg3[%add3A_1393, %dma_wait3A_1425] : memref<100000x512xf32, #tpu.memory_space<hbm>> -> memref<112x512xf32, #tpu.memory_space<hbm>>
    %dma_wait3A_1427 = arith.constant 0 : i32
    %dma_wait3A_1428 = tpu.memref_slice %arg3[%add3A_1393, %dma_wait3A_1427] : memref<100000x512xf32, #tpu.memory_space<hbm>> -> memref<112x512xf32, #tpu.memory_space<hbm>>
    %dma_wait3A_1429 = arith.constant 0 : i32
    %dma_wait3A_1430 = arith.constant 0 : i32
    %dma_wait3A_1431 = tpu.memref_slice %arg4[%dma_wait3A_1420, %dma_wait3A_1429, %dma_wait3A_1430] : memref<2x112x512xf32, #tpu.memory_space<vmem>> -> memref<1x112x512xf32, #tpu.memory_space<vmem>>
    %dma_wait3A_1432 = tpu.memref_squeeze %dma_wait3A_1431 : memref<1x112x512xf32, #tpu.memory_space<vmem>> -> memref<112x512xf32, #tpu.memory_space<vmem>>
    tpu.wait_dma2 semaphore(%arg7 : memref<!tpu.dma_semaphore, #tpu.memory_space<semaphore_mem>>) src(%dma_wait3A_1432 : memref<112x512xf32, #tpu.memory_space<vmem>>) dst(%dma_wait3A_1428 : memref<112x512xf32, #tpu.memory_space<hbm>>)
    %add3A_1433 = arith.constant 2912 : i32
    %add3A_1434 = arith.addi %multiple_of3A, %add3A_1433 : i32
    %dma_start3A_1435 = arith.constant 0 : i32
    %dma_start3A_1436 = arith.constant 0 : i32
    %dma_start3A_1437 = arith.constant 0 : i32
    %dma_start3A_1438 = tpu.memref_slice %arg4[%dma_start3A_1435, %dma_start3A_1436, %dma_start3A_1437] : memref<2x112x512xf32, #tpu.memory_space<vmem>> -> memref<1x112x512xf32, #tpu.memory_space<vmem>>
    %dma_start3A_1439 = tpu.memref_squeeze %dma_start3A_1438 : memref<1x112x512xf32, #tpu.memory_space<vmem>> -> memref<112x512xf32, #tpu.memory_space<vmem>>
    %dma_start3A_1440 = arith.constant 0 : i32
    %dma_start3A_1441 = tpu.memref_slice %arg2[%add3A_1434, %dma_start3A_1440] : memref<100000x512xf32, #tpu.memory_space<hbm>> -> memref<112x512xf32, #tpu.memory_space<hbm>>
    %dma_start3A_1442 = arith.constant 0 : i32
    %dma_start3A_1443 = arith.constant 0 : i32
    %dma_start3A_1444 = tpu.memref_slice %arg4[%dma_start3A_1435, %dma_start3A_1442, %dma_start3A_1443] : memref<2x112x512xf32, #tpu.memory_space<vmem>> -> memref<1x112x512xf32, #tpu.memory_space<vmem>>
    %dma_start3A_1445 = tpu.memref_squeeze %dma_start3A_1444 : memref<1x112x512xf32, #tpu.memory_space<vmem>> -> memref<112x512xf32, #tpu.memory_space<vmem>>
    %dma_start3A_1446 = arith.constant 0 : i32
    %dma_start3A_1447 = tpu.memref_slice %arg2[%add3A_1434, %dma_start3A_1446] : memref<100000x512xf32, #tpu.memory_space<hbm>> -> memref<112x512xf32, #tpu.memory_space<hbm>>
    tpu.enqueue_dma source(%dma_start3A_1447 : memref<112x512xf32, #tpu.memory_space<hbm>>) target(%dma_start3A_1445 : memref<112x512xf32, #tpu.memory_space<vmem>>) target_semaphore(%arg5 : memref<!tpu.dma_semaphore, #tpu.memory_space<semaphore_mem>>)
    %add3A_1448 = arith.constant 2800 : i32
    %add3A_1449 = arith.addi %multiple_of3A, %add3A_1448 : i32
    %dma_start3A_1450 = arith.constant 1 : i32
    %dma_start3A_1451 = arith.constant 0 : i32
    %dma_start3A_1452 = arith.constant 0 : i32
    %dma_start3A_1453 = tpu.memref_slice %arg4[%dma_start3A_1450, %dma_start3A_1451, %dma_start3A_1452] : memref<2x112x512xf32, #tpu.memory_space<vmem>> -> memref<1x112x512xf32, #tpu.memory_space<vmem>>
    %dma_start3A_1454 = tpu.memref_squeeze %dma_start3A_1453 : memref<1x112x512xf32, #tpu.memory_space<vmem>> -> memref<112x512xf32, #tpu.memory_space<vmem>>
    %dma_start3A_1455 = arith.constant 0 : i32
    %dma_start3A_1456 = tpu.memref_slice %arg3[%add3A_1449, %dma_start3A_1455] : memref<100000x512xf32, #tpu.memory_space<hbm>> -> memref<112x512xf32, #tpu.memory_space<hbm>>
    %dma_start3A_1457 = arith.constant 0 : i32
    %dma_start3A_1458 = tpu.memref_slice %arg3[%add3A_1449, %dma_start3A_1457] : memref<100000x512xf32, #tpu.memory_space<hbm>> -> memref<112x512xf32, #tpu.memory_space<hbm>>
    %dma_start3A_1459 = arith.constant 0 : i32
    %dma_start3A_1460 = arith.constant 0 : i32
    %dma_start3A_1461 = tpu.memref_slice %arg4[%dma_start3A_1450, %dma_start3A_1459, %dma_start3A_1460] : memref<2x112x512xf32, #tpu.memory_space<vmem>> -> memref<1x112x512xf32, #tpu.memory_space<vmem>>
    %dma_start3A_1462 = tpu.memref_squeeze %dma_start3A_1461 : memref<1x112x512xf32, #tpu.memory_space<vmem>> -> memref<112x512xf32, #tpu.memory_space<vmem>>
    tpu.enqueue_dma source(%dma_start3A_1462 : memref<112x512xf32, #tpu.memory_space<vmem>>) target(%dma_start3A_1458 : memref<112x512xf32, #tpu.memory_space<hbm>>) target_semaphore(%arg8 : memref<!tpu.dma_semaphore, #tpu.memory_space<semaphore_mem>>)
    %dma_wait3A_1463 = arith.constant 0 : i32
    %dma_wait3A_1464 = arith.constant 0 : i32
    %dma_wait3A_1465 = arith.constant 0 : i32
    %dma_wait3A_1466 = tpu.memref_slice %arg4[%dma_wait3A_1463, %dma_wait3A_1464, %dma_wait3A_1465] : memref<2x112x512xf32, #tpu.memory_space<vmem>> -> memref<1x112x512xf32, #tpu.memory_space<vmem>>
    %dma_wait3A_1467 = tpu.memref_squeeze %dma_wait3A_1466 : memref<1x112x512xf32, #tpu.memory_space<vmem>> -> memref<112x512xf32, #tpu.memory_space<vmem>>
    %dma_wait3A_1468 = arith.constant 0 : i32
    %dma_wait3A_1469 = tpu.memref_slice %arg2[%add3A_1434, %dma_wait3A_1468] : memref<100000x512xf32, #tpu.memory_space<hbm>> -> memref<112x512xf32, #tpu.memory_space<hbm>>
    %dma_wait3A_1470 = arith.constant 0 : i32
    %dma_wait3A_1471 = arith.constant 0 : i32
    %dma_wait3A_1472 = tpu.memref_slice %arg4[%dma_wait3A_1463, %dma_wait3A_1470, %dma_wait3A_1471] : memref<2x112x512xf32, #tpu.memory_space<vmem>> -> memref<1x112x512xf32, #tpu.memory_space<vmem>>
    %dma_wait3A_1473 = tpu.memref_squeeze %dma_wait3A_1472 : memref<1x112x512xf32, #tpu.memory_space<vmem>> -> memref<112x512xf32, #tpu.memory_space<vmem>>
    %dma_wait3A_1474 = arith.constant 0 : i32
    %dma_wait3A_1475 = tpu.memref_slice %arg2[%add3A_1434, %dma_wait3A_1474] : memref<100000x512xf32, #tpu.memory_space<hbm>> -> memref<112x512xf32, #tpu.memory_space<hbm>>
    tpu.wait_dma2 semaphore(%arg5 : memref<!tpu.dma_semaphore, #tpu.memory_space<semaphore_mem>>) src(%dma_wait3A_1475 : memref<112x512xf32, #tpu.memory_space<hbm>>) dst(%dma_wait3A_1473 : memref<112x512xf32, #tpu.memory_space<vmem>>)
    %dma_wait3A_1476 = arith.constant 1 : i32
    %dma_wait3A_1477 = arith.constant 0 : i32
    %dma_wait3A_1478 = arith.constant 0 : i32
    %dma_wait3A_1479 = tpu.memref_slice %arg4[%dma_wait3A_1476, %dma_wait3A_1477, %dma_wait3A_1478] : memref<2x112x512xf32, #tpu.memory_space<vmem>> -> memref<1x112x512xf32, #tpu.memory_space<vmem>>
    %dma_wait3A_1480 = tpu.memref_squeeze %dma_wait3A_1479 : memref<1x112x512xf32, #tpu.memory_space<vmem>> -> memref<112x512xf32, #tpu.memory_space<vmem>>
    %dma_wait3A_1481 = arith.constant 0 : i32
    %dma_wait3A_1482 = tpu.memref_slice %arg3[%add3A_1449, %dma_wait3A_1481] : memref<100000x512xf32, #tpu.memory_space<hbm>> -> memref<112x512xf32, #tpu.memory_space<hbm>>
    %dma_wait3A_1483 = arith.constant 0 : i32
    %dma_wait3A_1484 = tpu.memref_slice %arg3[%add3A_1449, %dma_wait3A_1483] : memref<100000x512xf32, #tpu.memory_space<hbm>> -> memref<112x512xf32, #tpu.memory_space<hbm>>
    %dma_wait3A_1485 = arith.constant 0 : i32
    %dma_wait3A_1486 = arith.constant 0 : i32
    %dma_wait3A_1487 = tpu.memref_slice %arg4[%dma_wait3A_1476, %dma_wait3A_1485, %dma_wait3A_1486] : memref<2x112x512xf32, #tpu.memory_space<vmem>> -> memref<1x112x512xf32, #tpu.memory_space<vmem>>
    %dma_wait3A_1488 = tpu.memref_squeeze %dma_wait3A_1487 : memref<1x112x512xf32, #tpu.memory_space<vmem>> -> memref<112x512xf32, #tpu.memory_space<vmem>>
    tpu.wait_dma2 semaphore(%arg8 : memref<!tpu.dma_semaphore, #tpu.memory_space<semaphore_mem>>) src(%dma_wait3A_1488 : memref<112x512xf32, #tpu.memory_space<vmem>>) dst(%dma_wait3A_1484 : memref<112x512xf32, #tpu.memory_space<hbm>>)
    %add3A_1489 = arith.constant 3016 : i32
    %add3A_1490 = arith.addi %multiple_of3A, %add3A_1489 : i32
    %dma_start3A_1491 = arith.constant 1 : i32
    %dma_start3A_1492 = arith.constant 0 : i32
    %dma_start3A_1493 = arith.constant 0 : i32
    %dma_start3A_1494 = tpu.memref_slice %arg4[%dma_start3A_1491, %dma_start3A_1492, %dma_start3A_1493] : memref<2x112x512xf32, #tpu.memory_space<vmem>> -> memref<1x112x512xf32, #tpu.memory_space<vmem>>
    %dma_start3A_1495 = tpu.memref_squeeze %dma_start3A_1494 : memref<1x112x512xf32, #tpu.memory_space<vmem>> -> memref<112x512xf32, #tpu.memory_space<vmem>>
    %dma_start3A_1496 = arith.constant 0 : i32
    %dma_start3A_1497 = tpu.memref_slice %arg2[%add3A_1490, %dma_start3A_1496] : memref<100000x512xf32, #tpu.memory_space<hbm>> -> memref<112x512xf32, #tpu.memory_space<hbm>>
    %dma_start3A_1498 = arith.constant 0 : i32
    %dma_start3A_1499 = arith.constant 0 : i32
    %dma_start3A_1500 = tpu.memref_slice %arg4[%dma_start3A_1491, %dma_start3A_1498, %dma_start3A_1499] : memref<2x112x512xf32, #tpu.memory_space<vmem>> -> memref<1x112x512xf32, #tpu.memory_space<vmem>>
    %dma_start3A_1501 = tpu.memref_squeeze %dma_start3A_1500 : memref<1x112x512xf32, #tpu.memory_space<vmem>> -> memref<112x512xf32, #tpu.memory_space<vmem>>
    %dma_start3A_1502 = arith.constant 0 : i32
    %dma_start3A_1503 = tpu.memref_slice %arg2[%add3A_1490, %dma_start3A_1502] : memref<100000x512xf32, #tpu.memory_space<hbm>> -> memref<112x512xf32, #tpu.memory_space<hbm>>
    tpu.enqueue_dma source(%dma_start3A_1503 : memref<112x512xf32, #tpu.memory_space<hbm>>) target(%dma_start3A_1501 : memref<112x512xf32, #tpu.memory_space<vmem>>) target_semaphore(%arg6 : memref<!tpu.dma_semaphore, #tpu.memory_space<semaphore_mem>>)
    %add3A_1504 = arith.constant 2912 : i32
    %add3A_1505 = arith.addi %multiple_of3A, %add3A_1504 : i32
    %dma_start3A_1506 = arith.constant 0 : i32
    %dma_start3A_1507 = arith.constant 0 : i32
    %dma_start3A_1508 = arith.constant 0 : i32
    %dma_start3A_1509 = tpu.memref_slice %arg4[%dma_start3A_1506, %dma_start3A_1507, %dma_start3A_1508] : memref<2x112x512xf32, #tpu.memory_space<vmem>> -> memref<1x112x512xf32, #tpu.memory_space<vmem>>
    %dma_start3A_1510 = tpu.memref_squeeze %dma_start3A_1509 : memref<1x112x512xf32, #tpu.memory_space<vmem>> -> memref<112x512xf32, #tpu.memory_space<vmem>>
    %dma_start3A_1511 = arith.constant 0 : i32
    %dma_start3A_1512 = tpu.memref_slice %arg3[%add3A_1505, %dma_start3A_1511] : memref<100000x512xf32, #tpu.memory_space<hbm>> -> memref<112x512xf32, #tpu.memory_space<hbm>>
    %dma_start3A_1513 = arith.constant 0 : i32
    %dma_start3A_1514 = tpu.memref_slice %arg3[%add3A_1505, %dma_start3A_1513] : memref<100000x512xf32, #tpu.memory_space<hbm>> -> memref<112x512xf32, #tpu.memory_space<hbm>>
    %dma_start3A_1515 = arith.constant 0 : i32
    %dma_start3A_1516 = arith.constant 0 : i32
    %dma_start3A_1517 = tpu.memref_slice %arg4[%dma_start3A_1506, %dma_start3A_1515, %dma_start3A_1516] : memref<2x112x512xf32, #tpu.memory_space<vmem>> -> memref<1x112x512xf32, #tpu.memory_space<vmem>>
    %dma_start3A_1518 = tpu.memref_squeeze %dma_start3A_1517 : memref<1x112x512xf32, #tpu.memory_space<vmem>> -> memref<112x512xf32, #tpu.memory_space<vmem>>
    tpu.enqueue_dma source(%dma_start3A_1518 : memref<112x512xf32, #tpu.memory_space<vmem>>) target(%dma_start3A_1514 : memref<112x512xf32, #tpu.memory_space<hbm>>) target_semaphore(%arg7 : memref<!tpu.dma_semaphore, #tpu.memory_space<semaphore_mem>>)
    %dma_wait3A_1519 = arith.constant 1 : i32
    %dma_wait3A_1520 = arith.constant 0 : i32
    %dma_wait3A_1521 = arith.constant 0 : i32
    %dma_wait3A_1522 = tpu.memref_slice %arg4[%dma_wait3A_1519, %dma_wait3A_1520, %dma_wait3A_1521] : memref<2x112x512xf32, #tpu.memory_space<vmem>> -> memref<1x112x512xf32, #tpu.memory_space<vmem>>
    %dma_wait3A_1523 = tpu.memref_squeeze %dma_wait3A_1522 : memref<1x112x512xf32, #tpu.memory_space<vmem>> -> memref<112x512xf32, #tpu.memory_space<vmem>>
    %dma_wait3A_1524 = arith.constant 0 : i32
    %dma_wait3A_1525 = tpu.memref_slice %arg2[%add3A_1490, %dma_wait3A_1524] : memref<100000x512xf32, #tpu.memory_space<hbm>> -> memref<112x512xf32, #tpu.memory_space<hbm>>
    %dma_wait3A_1526 = arith.constant 0 : i32
    %dma_wait3A_1527 = arith.constant 0 : i32
    %dma_wait3A_1528 = tpu.memref_slice %arg4[%dma_wait3A_1519, %dma_wait3A_1526, %dma_wait3A_1527] : memref<2x112x512xf32, #tpu.memory_space<vmem>> -> memref<1x112x512xf32, #tpu.memory_space<vmem>>
    %dma_wait3A_1529 = tpu.memref_squeeze %dma_wait3A_1528 : memref<1x112x512xf32, #tpu.memory_space<vmem>> -> memref<112x512xf32, #tpu.memory_space<vmem>>
    %dma_wait3A_1530 = arith.constant 0 : i32
    %dma_wait3A_1531 = tpu.memref_slice %arg2[%add3A_1490, %dma_wait3A_1530] : memref<100000x512xf32, #tpu.memory_space<hbm>> -> memref<112x512xf32, #tpu.memory_space<hbm>>
    tpu.wait_dma2 semaphore(%arg6 : memref<!tpu.dma_semaphore, #tpu.memory_space<semaphore_mem>>) src(%dma_wait3A_1531 : memref<112x512xf32, #tpu.memory_space<hbm>>) dst(%dma_wait3A_1529 : memref<112x512xf32, #tpu.memory_space<vmem>>)
    %add3A_1532 = arith.constant 3016 : i32
    %add3A_1533 = arith.addi %multiple_of3A, %add3A_1532 : i32
    %dma_start3A_1534 = arith.constant 1 : i32
    %dma_start3A_1535 = arith.constant 0 : i32
    %dma_start3A_1536 = arith.constant 0 : i32
    %dma_start3A_1537 = tpu.memref_slice %arg4[%dma_start3A_1534, %dma_start3A_1535, %dma_start3A_1536] : memref<2x112x512xf32, #tpu.memory_space<vmem>> -> memref<1x112x512xf32, #tpu.memory_space<vmem>>
    %dma_start3A_1538 = tpu.memref_squeeze %dma_start3A_1537 : memref<1x112x512xf32, #tpu.memory_space<vmem>> -> memref<112x512xf32, #tpu.memory_space<vmem>>
    %dma_start3A_1539 = arith.constant 0 : i32
    %dma_start3A_1540 = tpu.memref_slice %arg3[%add3A_1533, %dma_start3A_1539] : memref<100000x512xf32, #tpu.memory_space<hbm>> -> memref<112x512xf32, #tpu.memory_space<hbm>>
    %dma_start3A_1541 = arith.constant 0 : i32
    %dma_start3A_1542 = tpu.memref_slice %arg3[%add3A_1533, %dma_start3A_1541] : memref<100000x512xf32, #tpu.memory_space<hbm>> -> memref<112x512xf32, #tpu.memory_space<hbm>>
    %dma_start3A_1543 = arith.constant 0 : i32
    %dma_start3A_1544 = arith.constant 0 : i32
    %dma_start3A_1545 = tpu.memref_slice %arg4[%dma_start3A_1534, %dma_start3A_1543, %dma_start3A_1544] : memref<2x112x512xf32, #tpu.memory_space<vmem>> -> memref<1x112x512xf32, #tpu.memory_space<vmem>>
    %dma_start3A_1546 = tpu.memref_squeeze %dma_start3A_1545 : memref<1x112x512xf32, #tpu.memory_space<vmem>> -> memref<112x512xf32, #tpu.memory_space<vmem>>
    tpu.enqueue_dma source(%dma_start3A_1546 : memref<112x512xf32, #tpu.memory_space<vmem>>) target(%dma_start3A_1542 : memref<112x512xf32, #tpu.memory_space<hbm>>) target_semaphore(%arg8 : memref<!tpu.dma_semaphore, #tpu.memory_space<semaphore_mem>>)
    %dma_wait3A_1547 = arith.constant 0 : i32
    %dma_wait3A_1548 = arith.constant 0 : i32
    %dma_wait3A_1549 = arith.constant 0 : i32
    %dma_wait3A_1550 = tpu.memref_slice %arg4[%dma_wait3A_1547, %dma_wait3A_1548, %dma_wait3A_1549] : memref<2x112x512xf32, #tpu.memory_space<vmem>> -> memref<1x112x512xf32, #tpu.memory_space<vmem>>
    %dma_wait3A_1551 = tpu.memref_squeeze %dma_wait3A_1550 : memref<1x112x512xf32, #tpu.memory_space<vmem>> -> memref<112x512xf32, #tpu.memory_space<vmem>>
    %dma_wait3A_1552 = arith.constant 0 : i32
    %dma_wait3A_1553 = tpu.memref_slice %arg3[%add3A_1505, %dma_wait3A_1552] : memref<100000x512xf32, #tpu.memory_space<hbm>> -> memref<112x512xf32, #tpu.memory_space<hbm>>
    %dma_wait3A_1554 = arith.constant 0 : i32
    %dma_wait3A_1555 = tpu.memref_slice %arg3[%add3A_1505, %dma_wait3A_1554] : memref<100000x512xf32, #tpu.memory_space<hbm>> -> memref<112x512xf32, #tpu.memory_space<hbm>>
    %dma_wait3A_1556 = arith.constant 0 : i32
    %dma_wait3A_1557 = arith.constant 0 : i32
    %dma_wait3A_1558 = tpu.memref_slice %arg4[%dma_wait3A_1547, %dma_wait3A_1556, %dma_wait3A_1557] : memref<2x112x512xf32, #tpu.memory_space<vmem>> -> memref<1x112x512xf32, #tpu.memory_space<vmem>>
    %dma_wait3A_1559 = tpu.memref_squeeze %dma_wait3A_1558 : memref<1x112x512xf32, #tpu.memory_space<vmem>> -> memref<112x512xf32, #tpu.memory_space<vmem>>
    tpu.wait_dma2 semaphore(%arg7 : memref<!tpu.dma_semaphore, #tpu.memory_space<semaphore_mem>>) src(%dma_wait3A_1559 : memref<112x512xf32, #tpu.memory_space<vmem>>) dst(%dma_wait3A_1555 : memref<112x512xf32, #tpu.memory_space<hbm>>)
    %dma_wait3A_1560 = arith.constant 1 : i32
    %dma_wait3A_1561 = arith.constant 0 : i32
    %dma_wait3A_1562 = arith.constant 0 : i32
    %dma_wait3A_1563 = tpu.memref_slice %arg4[%dma_wait3A_1560, %dma_wait3A_1561, %dma_wait3A_1562] : memref<2x112x512xf32, #tpu.memory_space<vmem>> -> memref<1x112x512xf32, #tpu.memory_space<vmem>>
    %dma_wait3A_1564 = tpu.memref_squeeze %dma_wait3A_1563 : memref<1x112x512xf32, #tpu.memory_space<vmem>> -> memref<112x512xf32, #tpu.memory_space<vmem>>
    %dma_wait3A_1565 = arith.constant 0 : i32
    %dma_wait3A_1566 = tpu.memref_slice %arg3[%add3A_1533, %dma_wait3A_1565] : memref<100000x512xf32, #tpu.memory_space<hbm>> -> memref<112x512xf32, #tpu.memory_space<hbm>>
    %dma_wait3A_1567 = arith.constant 0 : i32
    %dma_wait3A_1568 = tpu.memref_slice %arg3[%add3A_1533, %dma_wait3A_1567] : memref<100000x512xf32, #tpu.memory_space<hbm>> -> memref<112x512xf32, #tpu.memory_space<hbm>>
    %dma_wait3A_1569 = arith.constant 0 : i32
    %dma_wait3A_1570 = arith.constant 0 : i32
    %dma_wait3A_1571 = tpu.memref_slice %arg4[%dma_wait3A_1560, %dma_wait3A_1569, %dma_wait3A_1570] : memref<2x112x512xf32, #tpu.memory_space<vmem>> -> memref<1x112x512xf32, #tpu.memory_space<vmem>>
    %dma_wait3A_1572 = tpu.memref_squeeze %dma_wait3A_1571 : memref<1x112x512xf32, #tpu.memory_space<vmem>> -> memref<112x512xf32, #tpu.memory_space<vmem>>
    tpu.wait_dma2 semaphore(%arg8 : memref<!tpu.dma_semaphore, #tpu.memory_space<semaphore_mem>>) src(%dma_wait3A_1572 : memref<112x512xf32, #tpu.memory_space<vmem>>) dst(%dma_wait3A_1568 : memref<112x512xf32, #tpu.memory_space<hbm>>)
    return
  }
}

</mosaic_0001>

<sc_bundles>
// kernel: kernel.3.cloned.1.call-start
scs
__scs_entry_jumppad:
0x0: {  	(pc) =	sbr.rel $0x88, $3  }
0x1: {  	(tag) =	ssettag $0x0;
	lr =	simm.s32 $0x1  }
0x2: {  	[smem:$0x3FA0] =	sst lr;
	_ =	strace $0xD0000000  }
0x3: {  	_ = 	snop  }
0x4: {  	_ = 	snop  }
0x5: {  	_ = 	snop  }
0x6: {  	_ = 	snop  }
0x7: {  	_ = 	snop  }
__scs_overlays_trampoline_lowered:
0x8: {  	[smem:$0x3FAF] =	sst s0  }
0x9: {  	[smem:$0x3FB0] =	sst s1  }
0xa: {  	[smem:$0x3FB1] =	sst s2  }
0xb: {  	[smem:$0x3FB2] =	sst s3  }
0xc: {  	[smem:$0x3FB3] =	sst s4  }
0xd: {  	[smem:$0x3FB4] =	sst s5  }
0xe: {  	[smem:$0x3FB5] =	sst s6  }
0xf: {  	[smem:$0x3FB6] =	sst s7  }
0x10: {  	[smem:$0x3FB7] =	sst s8  }
0x11: {  	[smem:$0x3FB8] =	sst s9;
	s0 =	simm.s32 @!p0 $0x0  }
0x12: {  	s1 =	sld [smem:$0x3F9E];
	s0 =	simm.s32 @p0 $0x1  }
0x13: {  	[smem:$0x3FB9] =	sst s0;
	s0 =	simm.s32 @!p1 $0x0  }
0x14: {  	s2 =	sld [smem:$0x3F9D];
	s0 =	simm.s32 @p1 $0x1  }
0x15: {  	[smem:$0x3FBA] =	sst s0;
	s0 =	simm.s32 @!p2 $0x0  }
0x16: {  	s3 =	sld [smem:$0x3FDB];
	s0 =	simm.s32 @p2 $0x1  }
0x17: {  	s4 =	simm.s32 $0x1BF5;
	[smem:$0x3FBC] =	sst s0  }
0x18: {  	s0 =	sld [smem:$0x3F9F];
	_ =	swait.ge [sflag:s4], $0x0  }
0x19: {  	s7 =	sld [smem:$0x3FA0]  }
0x1a: {  	s8 =	sadd.s32 $0xFFFFE003, lr  }
0x1b: {  	s9 =	sadd.s32 $0xFFFFFEF7, lr;
	s5 =	simm.s32 $0xFFFFFFFF;
	p2 =	slt.u32 s8, $0xFFFFF086  }
0x1c: {  	p1 =	slt.u32 s9, $0xF7A;
	s5 =	simm.s32 @!p2 $0x0  }
0x1d: {  	s5 =	simm.s32 @p1 $0x1;
	p0 =	seq.s32 s7, s2  }
0x1e: {  	s7 =	smul.u32 @!p0 $0xF7A, s2;
	p2 =	seq.s32 @!p0 s5, $0x0  }
0x1f: {  	s9 =	smul.u32 $0xF7A, s1;
	s8 =	simm.s32 @!p0 $0x1BF5;
	p2 =	por !p2, p0  }
0x20: {  	[sflag:s8] =	ssyncset.s32 @!p0 $0xFFFFF086;
	s6 =	sadd.s32 @!p0 s3, s7;
	s7 =	simm.s32 @!p0 $0x108  }
0x21: {  	s3 =	sadd.s32 s3, s9;
	s6 =	sadd.s32 @!p0 $0x88, s6;
	s7 =	simm.s32 @p2 $0x1082  }
0x22: {  	[simem:s7], [sflag:s8] =	dma.local @!p0 [hbm:s6], $0xF7A  }
0x23: {  	s9 =	sor.u32 $0xD0000000, s2;
	s6 =	simm.s32 $0x108;
	_ =	swait.ge @!p0 [sflag:s8], $0x0  }
0x24: {  	s3 =	sadd.s32 $0x88, s3;
	s6 =	simm.s32 @!p1 $0x1082;
	[sflag:s4] =	ssyncset.s32 $0xFFFFF086  }
0x25: {  	[simem:s6], [sflag:s4] =	dma.local [hbm:s3], $0xF7A  }
0x26: {  	[smem:$0x3FA0] =	sst s1;
	(tag) =	ssettag s2;
	_ =	strace s9  }
0x27: {  	s1 =	sld [smem:$0x3FB0]  }
0x28: {  	s2 =	sld [smem:$0x3FB1]  }
0x29: {  	s4 =	sld [smem:$0x3FB3]  }
0x2a: {  	p0 =	seq.s32 s5, $0x0;
	s5 =	sld [smem:$0x3FB4]  }
0x2b: {  	s6 =	sld [smem:$0x3FB5]  }
0x2c: {  	s7 =	sld [smem:$0x3FB6]  }
0x2d: {  	s3 =	simm.s32 $0x108;
	s8 =	sld [smem:$0x3FB7]  }
0x2e: {  	s3 =	simm.s32 @!p0 $0x1082;
	s9 =	sld [smem:$0x3FB8]  }
0x2f: {  	lr =	sadd.s32 s0, s3;
	s0 =	sld [smem:$0x3FAF]  }
0x30: {  	s3 =	sld [smem:$0x3FB2]  }
0x31: {  	[smem:$0x3FBB] =	sst s10  }
0x32: {  	s10 =	sld [smem:$0x3FB9];
	_ =	sdelay $0x3  }
0x33: {  	p0 =	seq.s32 s10, $0x1;
	s10 =	sld [smem:$0x3FBB];
	_ =	sdelay $0x3  }
0x34: {  	[smem:$0x3FBB] =	sst s10  }
0x35: {  	s10 =	sld [smem:$0x3FBA];
	_ =	sdelay $0x3  }
0x36: {  	p1 =	seq.s32 s10, $0x1;
	s10 =	sld [smem:$0x3FBB];
	_ =	sdelay $0x3  }
0x37: {  	[smem:$0x3FBB] =	sst s10  }
0x38: {  	s10 =	sld [smem:$0x3FBC]  }
0x39: {  	_ = 	snop;
	(pc) =	sbr.ind lr, $3  }
0x3a: {  	_ = 	snop  }
0x3b: {  	_ = 	snop  }
0x3c: {  	p2 =	seq.s32 s10, $0x1;
	s10 =	sld [smem:$0x3FBB]  }
0x3d: {  	_ =	shalt  }
0x3e: {  	_ =	shalt  }
0x3f: {  	_ =	shalt  }
0x40: {  	_ =	shalt  }
0x41: {  	_ =	shalt  }
0x42: {  	_ =	shalt  }
0x43: {  	_ =	shalt  }
0x44: {  	_ =	shalt  }
0x45: {  	_ =	shalt  }
0x46: {  	_ =	shalt  }
0x47: {  	_ =	shalt  }
0x48: {  	_ =	shalt  }
0x49: {  	_ =	shalt  }
0x4a: {  	_ =	shalt  }
0x4b: {  	_ =	shalt  }
0x4c: {  	_ =	shalt  }
0x4d: {  	_ =	shalt  }
0x4e: {  	_ =	shalt  }
0x4f: {  	_ =	shalt  }
0x50: {  	_ =	shalt  }
0x51: {  	_ =	shalt  }
0x52: {  	_ =	shalt  }
0x53: {  	_ =	shalt  }
0x54: {  	_ =	shalt  }
0x55: {  	_ =	shalt  }
0x56: {  	_ =	shalt  }
0x57: {  	_ =	shalt  }
0x58: {  	_ =	shalt  }
0x59: {  	_ =	shalt  }
0x5a: {  	_ =	shalt  }
0x5b: {  	_ =	shalt  }
0x5c: {  	_ =	shalt  }
0x5d: {  	_ =	shalt  }
0x5e: {  	_ =	shalt  }
0x5f: {  	_ =	shalt  }
0x60: {  	_ =	shalt  }
0x61: {  	_ =	shalt  }
0x62: {  	_ =	shalt  }
0x63: {  	_ =	shalt  }
0x64: {  	_ =	shalt  }
0x65: {  	_ =	shalt  }
0x66: {  	_ =	shalt  }
0x67: {  	_ =	shalt  }
0x68: {  	_ =	shalt  }
0x69: {  	_ =	shalt  }
0x6a: {  	_ =	shalt  }
0x6b: {  	_ =	shalt  }
0x6c: {  	_ =	shalt  }
0x6d: {  	_ =	shalt  }
0x6e: {  	_ =	shalt  }
0x6f: {  	_ =	shalt  }
0x70: {  	_ =	shalt  }
0x71: {  	_ =	shalt  }
0x72: {  	_ =	shalt  }
0x73: {  	_ =	shalt  }
0x74: {  	_ =	shalt  }
0x75: {  	_ =	shalt  }
0x76: {  	_ =	shalt  }
0x77: {  	_ =	shalt  }
0x78: {  	_ =	shalt  }
0x79: {  	_ =	shalt  }
0x7a: {  	_ =	shalt  }
0x7b: {  	_ =	shalt  }
0x7c: {  	_ =	shalt  }
0x7d: {  	_ =	shalt  }
0x7e: {  	_ =	shalt  }
0x7f: {  	_ =	shalt  }
0x80: {  	_ =	shalt  }
0x81: {  	_ =	shalt  }
0x82: {  	_ =	shalt  }
0x83: {  	_ =	shalt  }
0x84: {  	_ =	shalt  }
0x85: {  	_ =	shalt  }
0x86: {  	_ =	shalt  }
0x87: {  	_ =	shalt  }
.Lfunc_end0:
.L_simem_size_0:
called_computation_lowered:
.L_overlay_start_0:
0x88: {  	s2 =	sld [smem:$0x3FD9]  }
0x89: {  	s3 =	sld [smem:$0x3FFE];
	_ =	sdelay $0x1  }
0x8a: {  	s1 =	srdreg.scid  }
0x8b: {  	s0 =	sand.u32 $0x1, s1  }
0x8c: {  	s18 =	sshll.u32 s0, $0xA;
	s2 =	sadd.s32 s3, s2  }
0x8d: {  	s2 =	sadd.s32 s2, s18  }
0x8e: {  	[smem:$0x3FC7] =	sst s2  }
0x8f: {  	_ = 	snop  }
0x90: {  	s2 =	sld [smem:$0x3FC9]  }
0x91: {  	s19 =	sld [smem:$0x3FD0];
	(tm) =	ssettm $0x1  }
0x92: {  	s4 =	sld [smem:$0x3FFB];
	_ =	sdelay $0x3  }
0x93: {  	_ =	strace s4  }
0x94: {  	s4 =	sld [smem:$0x3FFC];
	_ =	sdelay $0x3  }
0x95: {  	_ =	strace s4  }
0x96: {  	s4 =	sld [smem:$0x3FFD];
	_ =	sdelay $0x3  }
0x97: {  	_ =	strace s4  }
0x98: {  	_ =	strace $0x8FFFFFFF  }
0x99: {  	s20 =	sld [smem:$0x3FDB];
	_ =	sdelay $0x1  }
0x9a: {  	s5 =	simm.s32 $_scs_section_size  }
0x9b: {  	s6 =	simm.s32 $_size__tile_overlayer_lowered;
	s7 =	simm.s32 $_tile_overlayer_lowered  }
0x9c: {  	s23 =	simm.s32 $0x1BFF;
	s22 =	sshll.u32 s7, $0x1;
	s4 =	sadd.s32 s5, s20  }
0x9d: {  	s8 =	simm.s32 $0x0;
	s21 =	sshll.u32 s6, $0x1;
	s6 =	sadd.s32 s22, s4  }
0x9e: {  	[timem:s8], [sflag:s23] =	dma.local [hbm:s6], s21  }
0x9f: {  	_ =	swait.ge [sflag:s23], s21  }
0xa0: {  	s5 =	ssub.s32 $0x0, s21;
	[sflag:s23] =	ssyncset.done $0x0  }
0xa1: {  	[sflag:s23] =	ssyncadd.s32 s5;
	_ =	sdelay $0x1  }
0xa2: {  	s24 =	simm.s32 $0x1B8B  }
0xa3: {  	_ =	swait.ge [sflag:s24], $0x1  }
0xa4: {  	[sflag:s24] =	ssyncset.done $0x0  }
0xa5: {  	s25 =	simm.s32 $0x1B8E;
	[sflag:s24] =	ssyncadd.s32 $0xFFFFFFFF  }
0xa6: {  	s26 =	simm.s32 $execute0_lowered;
	[smem:$0x3FD2] =	sst s25  }
0xa7: {  	s5 =	sshll.u32 s26, $0x1;
	_ =	strace $0x80000046;
	[dreg:$0x1] =	wrdreg $0xFFFFFFFF  }
0xa8: {  	s28 =	simm.s32 $_size_execute0_lowered;
	s4 =	sadd.s32 s4, s5;
	[dreg:$0x0] =	wrdreg $0x0  }
0xa9: {  	s5 =	sshll.u32 s28, $0x1;
	[dreg:$0x2] =	wrdreg s4  }
0xaa: {  	[dreg:$0x3] =	wrdreg s5  }
0xab: {  	[dreg:$0x4] =	wrdreg $0xC0  }
0xac: {  	_ =	task [dreg:s8], $0x5FFFF  }
0xad: {  	[dreg:$0x1] =	wrdreg $0xFFFFFFFF  }
0xae: {  	[dreg:$0x0] =	wrdreg $0x60  }
0xaf: {  	[dreg:$0x2] =	wrdreg s2  }
0xb0: {  	[dreg:$0x3] =	wrdreg s19  }
0xb1: {  	[dreg:$0x4] =	wrdreg $0x9  }
0xb2: {  	_ =	task.clear_ibuf [dreg:s8], $0x5FFFF;
	_ =	strace $0x90000046  }
0xb3: {  	s29 =	simm.s32 $0x9;
	_ =	strace $0x80000048  }
0xb4: {  	_ =	swait.ge [sflag:s29], $0x1  }
0xb5: {  	[sflag:s29] =	ssyncadd.s32 $0xFFFFFFFF  }
0xb6: {  	_ =	strace $0x90000048  }
0xb7: {  	_ =	sfence  }
0xb8: {  	s30 =	sld [smem:$0x0];
	_ =	sdelay $0x2  }
0xb9: {  	s31 =	sshll.u32 s1, $0xD;
	s1 =	sshrl.u32 s1, $0x2  }
0xba: {  	s3 =	sand.u32 $0x4000, s31;
	s1 =	sadd.s32 s1, s30  }
0xbb: {  	s0 =	sor.u32 s3, s0;
	s1 =	sshll.u32 s1, $0x11  }
0xbc: {  	s0 =	sor.u32 s1, s0  }
0xbd: {  	s0 =	sadd.s32 $0x8F2B, s0  }
0xbe: {  	[sflag:s0] =	ssyncadd.remote.s32 $0x1  }
0xbf: {  	_ =	sfence.sel $0xFFFF  }
0xc0: {  	[dreg:$0x0] =	wrdreg $0xFFFFFFFF;
	(pc) =	sbr.abs _section_cstart, $3  }
0xc1: {  	[dreg:$0x1] =	wrdreg $0xFFFFFFFF  }
0xc2: {  	_ =	task.clear_ibuf [dreg:s8], $0x2FFFF;
	_ =	strace $0x9FFFFFFF  }
0xc3: {  	(tm) =	ssettm $0x7FFFFFFF  }
tec
execute0_lowered:
.L_overlay_start_1:
0x0: {  	(tag) =	ssettag $0x1  }
0x1: {  	s0 =	srdreg.scid;
	s1 =	stileid.u32  }
0x2: {  	s4 =	sand.u32 $0x1, s0;
	s6 =	sshll.u32 s1, $0x1  }
0x3: {  	s3 =	rddreg [dreg:$0x0];
	s0 =	sor.u32 s4, s6  }
0x4: {  	s2 =	rddreg [dreg:$0x1];
	s30 =	simm.s32 $0x1;
	s5 =	smul.u32 $0xC38, s0  }
0x5: {  	s31 =	simm.s32 $0xE000;
	s4 =	ssub.s32 $0x2, s4;
	p0 =	seq.s32 s0, $0x1F  }
0x6: {  	s1 =	simm.s32 $0x0;
	s6 =	sshrl.u32 s4, $0x1;
	s5 =	simm.s32 @p0 $0x17A68  }
0x7: {  	[smem:$0x7FF] =	sst s1;
	s29 =	ssub.s32 s4, s6;
	s24 =	sshll.u32 s5, $0x6  }
0x8: {  	p0 =	sne.s32 s0, $0x0;
	s29 =	smax.u32 s29, $0x1;
	s7 =	sadd.s32 $0x1C00, s24  }
0x9: {  	s0 =	simm.s32 $0x2;
	s5 =	sadd.s32 $0x3800, s24;
	s8 =	sadd.s32 s3, s7  }
0xa: {  	s10 =	sadd.s32 $0x5400, s24;
	s9 =	sadd.s32 s3, s5;
	[dreg:$0x3] =	wrdreg s8  }
0xb: {  	s12 =	sadd.s32 $0x7000, s24;
	s4 =	sadd.s32 s2, s7;
	[dreg:$0x4] =	wrdreg s9  }
0xc: {  	s14 =	sadd.s32 $0x8C00, s24;
	s11 =	sadd.s32 s3, s10;
	[dreg:$0x5] =	wrdreg s4  }
0xd: {  	s16 =	sadd.s32 $0xA800, s24;
	s5 =	sadd.s32 s2, s5;
	[dreg:$0x6] =	wrdreg s11  }
0xe: {  	s18 =	sadd.s32 $0xC400, s24;
	s13 =	sadd.s32 s3, s12;
	[dreg:$0x7] =	wrdreg s5  }
0xf: {  	s20 =	sadd.s32 $0xE000, s24;
	s6 =	sadd.s32 s2, s10;
	[dreg:$0x8] =	wrdreg s13  }
0x10: {  	s22 =	sadd.s32 $0xFC00, s24;
	s15 =	sadd.s32 s3, s14;
	[dreg:$0x9] =	wrdreg s6  }
0x11: {  	s26 =	sadd.s32 $0x11800, s24;
	s17 =	sadd.s32 s3, s16;
	[dreg:$0xa] =	wrdreg s15  }
0x12: {  	s28 =	sadd.s32 $0x2F200, s24;
	s19 =	sadd.s32 s3, s18;
	[dreg:$0xc] =	wrdreg s17  }
0x13: {  	s21 =	sadd.s32 s3, s20;
	s23 =	sadd.s32 s3, s22;
	[dreg:$0xe] =	wrdreg s19  }
0x14: {  	s25 =	sadd.s32 s2, s20;
	s7 =	sadd.s32 s2, s22;
	[dreg:$0x10] =	wrdreg s21  }
0x15: {  	s22 =	sadd.s32 $0x1C000, s24;
	s4 =	sadd.s32 s2, s12;
	[dreg:$0x12] =	wrdreg s23  }
0x16: {  	s5 =	sadd.s32 s2, s14;
	s6 =	sadd.s32 s2, s16;
	[dreg:$0x13] =	wrdreg s25  }
0x17: {  	[dreg:$0x14] =	wrdreg s7;
	s8 =	sadd.s32 $0x13400, s24;
	s9 =	sadd.s32 s3, s26  }
0x18: {  	s12 =	sadd.s32 $0x15000, s24;
	s13 =	sadd.s32 $0x16C00, s24;
	[dreg:$0xb] =	wrdreg s4  }
0x19: {  	s17 =	sadd.s32 $0x18800, s24;
	s23 =	sadd.s32 $0x1DC00, s24;
	[dreg:$0xd] =	wrdreg s5  }
0x1a: {  	s25 =	sadd.s32 s3, s22;
	s7 =	sadd.s32 $0x1F800, s24;
	[dreg:$0xf] =	wrdreg s6  }
0x1b: {  	s4 =	sadd.s32 s2, s18;
	[dreg:$0x15] =	wrdreg s9;
	s10 =	sadd.s32 s3, s8  }
0x1c: {  	s11 =	sadd.s32 s2, s8;
	s14 =	sadd.s32 s3, s12;
	[smem:$0x7FB] =	sst s25  }
0x1d: {  	s15 =	sadd.s32 s3, s13;
	s16 =	sadd.s32 s2, s13;
	[dreg:$0x11] =	wrdreg s4  }
0x1e: {  	s18 =	sadd.s32 $0x1A400, s24;
	s19 =	sadd.s32 s3, s17;
	[dreg:$0x17] =	wrdreg s10  }
0x1f: {  	s5 =	sadd.s32 s2, s23;
	s9 =	sadd.s32 $0x21400, s24;
	[dreg:$0x18] =	wrdreg s11  }
0x20: {  	s6 =	sadd.s32 s3, s7;
	s7 =	sadd.s32 s2, s7;
	[dreg:$0x19] =	wrdreg s14  }
0x21: {  	s13 =	sadd.s32 $0x24C00, s24;
	s25 =	sadd.s32 s3, s28;
	[dreg:$0x1b] =	wrdreg s15  }
0x22: {  	s28 =	sadd.s32 s2, s28;
	s4 =	sadd.s32 s2, s26;
	[dreg:$0x1c] =	wrdreg s16  }
0x23: {  	[dreg:$0x1d] =	wrdreg s19;
	s20 =	sadd.s32 s3, s18;
	s21 =	sadd.s32 s2, s18  }
0x24: {  	s26 =	sadd.s32 s3, s23;
	s8 =	sadd.s32 s3, s9;
	[dreg:$0x16] =	wrdreg s4  }
0x25: {  	s9 =	sadd.s32 s2, s9;
	s11 =	sadd.s32 $0x23000, s24;
	[dreg:$0x1f] =	wrdreg s20  }
0x26: {  	s15 =	sadd.s32 $0x26800, s24;
	s19 =	sadd.s32 $0x2A000, s24;
	[smem:$0x7FA] =	sst s21  }
0x27: {  	s23 =	sadd.s32 s2, s24;
	s4 =	sadd.s32 s2, s12;
	[smem:$0x7FD] =	sst s26  }
0x28: {  	s10 =	sadd.s32 s3, s11;
	s11 =	sadd.s32 s2, s11;
	s12 =	sadd.s32 s3, s13  }
0x29: {  	s13 =	sadd.s32 s2, s13;
	s14 =	sadd.s32 s3, s15;
	s15 =	sadd.s32 s2, s15  }
0x2a: {  	s21 =	sadd.s32 $0x2BC00, s24;
	s18 =	sadd.s32 s3, s19;
	s19 =	sadd.s32 s2, s19  }
0x2b: {  	s26 =	sadd.s32 $0x2D800, s24;
	[dreg:$0x1a] =	wrdreg s4;
	s4 =	sadd.s32 s2, s17  }
.Ltmp0:
0x2c: {  	s17 =	sadd.s32 $0x28400, s24;
	s20 =	sadd.s32 s3, s21;
	(pc) =	sbr.rel .LBB2_1-.Ltmp0, $4  }
0x2d: {  	s21 =	sadd.s32 s2, s21;
	[dreg:$0x1e] =	wrdreg s4;
	s4 =	sadd.s32 s2, s22  }
0x2e: {  	s16 =	sadd.s32 s3, s17;
	s17 =	sadd.s32 s2, s17;
	s22 =	sadd.s32 s3, s24  }
0x2f: {  	s24 =	sadd.s32 s3, s26;
	s26 =	sadd.s32 s2, s26;
	[smem:$0x7FC] =	sst s4  }
0x30: {  	v0 =	vimm.f32 $2.000000000e+00;
	s2 =	simm.s32 $0x3;
	s3 =	simm.s32 $0x4;
	_ =	strace $0x80000047  }
.LBB2_3:
0x31: {  	[hbm4b:s23+s1] =	stream.linear.scatter [tilespmem:s1], [sflag:$0x3], $0xE000, $0x38;
	[tilespmem:$0x1C000] =	vst v63  }
0x32: {  	_ =	swait.ge [sflag:s0], $0xE000  }
0x33: {  	[sflag:s0] =	ssyncset.done $0x0  }
0x34: {  	[sflag:s0] =	ssyncadd.s32 $0xFFFF2000  }
0x35: {  	_ =	swait.ge [sflag:s2], $0xE000  }
0x36: {  	[sflag:s2] =	ssyncset.done $0x0  }
0x37: {  	s4 =	rddreg [dreg:$0x4];
	[sflag:s2] =	ssyncadd.s32 $0xFFFF2000  }
0x38: {  	[tilespmem:s1], [sflag:$0x1] =	stream.linear.gather [hbm4b:s4+s1], $0xE000, $0x38;
	[tilespmem:$0x1C000] =	vst v63  }
0x39: {  	s4 =	rddreg [dreg:$0x5]  }
0x3a: {  	[hbm4b:s4+s1] =	stream.linear.scatter [tilespmem:s31], [sflag:$0x4], $0xE000, $0x38;
	[tilespmem:$0x1C000] =	vst v63  }
0x3b: {  	_ =	swait.ge [sflag:s30], $0xE000  }
0x3c: {  	[sflag:s30] =	ssyncset.done $0x0  }
0x3d: {  	[sflag:s30] =	ssyncadd.s32 $0xFFFF2000  }
0x3e: {  	_ =	swait.ge [sflag:s3], $0xE000  }
0x3f: {  	[sflag:s3] =	ssyncset.done $0x0  }
0x40: {  	s4 =	rddreg [dreg:$0x6];
	[sflag:s3] =	ssyncadd.s32 $0xFFFF2000  }
0x41: {  	[tilespmem:s31], [sflag:$0x2] =	stream.linear.gather [hbm4b:s4+s1], $0xE000, $0x38;
	[tilespmem:$0x1C000] =	vst v63  }
0x42: {  	s4 =	rddreg [dreg:$0x7]  }
0x43: {  	[hbm4b:s4+s1] =	stream.linear.scatter [tilespmem:s1], [sflag:$0x3], $0xE000, $0x38;
	[tilespmem:$0x1C000] =	vst v63  }
0x44: {  	_ =	swait.ge [sflag:s0], $0xE000  }
0x45: {  	[sflag:s0] =	ssyncset.done $0x0  }
0x46: {  	[sflag:s0] =	ssyncadd.s32 $0xFFFF2000  }
0x47: {  	_ =	swait.ge [sflag:s2], $0xE000  }
0x48: {  	[sflag:s2] =	ssyncset.done $0x0  }
0x49: {  	s4 =	rddreg [dreg:$0x8];
	[sflag:s2] =	ssyncadd.s32 $0xFFFF2000  }
0x4a: {  	[tilespmem:s1], [sflag:$0x1] =	stream.linear.gather [hbm4b:s4+s1], $0xE000, $0x38;
	[tilespmem:$0x1C000] =	vst v63  }
0x4b: {  	s4 =	rddreg [dreg:$0x9]  }
0x4c: {  	[hbm4b:s4+s1] =	stream.linear.scatter [tilespmem:s31], [sflag:$0x4], $0xE000, $0x38;
	[tilespmem:$0x1C000] =	vst v63  }
0x4d: {  	_ =	swait.ge [sflag:s30], $0xE000  }
0x4e: {  	[sflag:s30] =	ssyncset.done $0x0  }
0x4f: {  	[sflag:s30] =	ssyncadd.s32 $0xFFFF2000  }
0x50: {  	_ =	swait.ge [sflag:s3], $0xE000  }
0x51: {  	[sflag:s3] =	ssyncset.done $0x0  }
0x52: {  	s4 =	rddreg [dreg:$0xa];
	[sflag:s3] =	ssyncadd.s32 $0xFFFF2000  }
0x53: {  	[tilespmem:s31], [sflag:$0x2] =	stream.linear.gather [hbm4b:s4+s1], $0xE000, $0x38;
	[tilespmem:$0x1C000] =	vst v63  }
0x54: {  	s4 =	rddreg [dreg:$0xb]  }
0x55: {  	[hbm4b:s4+s1] =	stream.linear.scatter [tilespmem:s1], [sflag:$0x3], $0xE000, $0x38;
	[tilespmem:$0x1C000] =	vst v63  }
0x56: {  	_ =	swait.ge [sflag:s0], $0xE000  }
0x57: {  	[sflag:s0] =	ssyncset.done $0x0  }
0x58: {  	[sflag:s0] =	ssyncadd.s32 $0xFFFF2000  }
0x59: {  	_ =	swait.ge [sflag:s2], $0xE000  }
0x5a: {  	[sflag:s2] =	ssyncset.done $0x0  }
0x5b: {  	s4 =	rddreg [dreg:$0xc];
	[sflag:s2] =	ssyncadd.s32 $0xFFFF2000  }
0x5c: {  	[tilespmem:s1], [sflag:$0x1] =	stream.linear.gather [hbm4b:s4+s1], $0xE000, $0x38;
	[tilespmem:$0x1C000] =	vst v63  }
0x5d: {  	s4 =	rddreg [dreg:$0xd]  }
0x5e: {  	[hbm4b:s4+s1] =	stream.linear.scatter [tilespmem:s31], [sflag:$0x4], $0xE000, $0x38;
	[tilespmem:$0x1C000] =	vst v63  }
0x5f: {  	_ =	swait.ge [sflag:s30], $0xE000  }
0x60: {  	[sflag:s30] =	ssyncset.done $0x0  }
0x61: {  	[sflag:s30] =	ssyncadd.s32 $0xFFFF2000  }
0x62: {  	_ =	swait.ge [sflag:s3], $0xE000  }
0x63: {  	[sflag:s3] =	ssyncset.done $0x0  }
0x64: {  	s4 =	rddreg [dreg:$0xe];
	[sflag:s3] =	ssyncadd.s32 $0xFFFF2000  }
0x65: {  	[tilespmem:s31], [sflag:$0x2] =	stream.linear.gather [hbm4b:s4+s1], $0xE000, $0x38;
	[tilespmem:$0x1C000] =	vst v63  }
0x66: {  	s4 =	rddreg [dreg:$0xf]  }
0x67: {  	[hbm4b:s4+s1] =	stream.linear.scatter [tilespmem:s1], [sflag:$0x3], $0xE000, $0x38;
	[tilespmem:$0x1C000] =	vst v63  }
0x68: {  	_ =	swait.ge [sflag:s0], $0xE000  }
0x69: {  	[sflag:s0] =	ssyncset.done $0x0  }
0x6a: {  	[sflag:s0] =	ssyncadd.s32 $0xFFFF2000  }
0x6b: {  	_ =	swait.ge [sflag:s2], $0xE000  }
0x6c: {  	[sflag:s2] =	ssyncset.done $0x0  }
0x6d: {  	s4 =	rddreg [dreg:$0x10];
	[sflag:s2] =	ssyncadd.s32 $0xFFFF2000  }
0x6e: {  	[tilespmem:s1], [sflag:$0x1] =	stream.linear.gather [hbm4b:s4+s1], $0xE000, $0x38;
	[tilespmem:$0x1C000] =	vst v63  }
0x6f: {  	s4 =	rddreg [dreg:$0x11]  }
0x70: {  	[hbm4b:s4+s1] =	stream.linear.scatter [tilespmem:s31], [sflag:$0x4], $0xE000, $0x38;
	[tilespmem:$0x1C000] =	vst v63  }
0x71: {  	_ =	swait.ge [sflag:s30], $0xE000  }
0x72: {  	[sflag:s30] =	ssyncset.done $0x0  }
0x73: {  	[sflag:s30] =	ssyncadd.s32 $0xFFFF2000  }
0x74: {  	_ =	swait.ge [sflag:s3], $0xE000  }
0x75: {  	[sflag:s3] =	ssyncset.done $0x0  }
0x76: {  	s4 =	rddreg [dreg:$0x12];
	[sflag:s3] =	ssyncadd.s32 $0xFFFF2000  }
0x77: {  	[tilespmem:s31], [sflag:$0x2] =	stream.linear.gather [hbm4b:s4+s1], $0xE000, $0x38;
	[tilespmem:$0x1C000] =	vst v63  }
0x78: {  	s4 =	rddreg [dreg:$0x13]  }
0x79: {  	[hbm4b:s4+s1] =	stream.linear.scatter [tilespmem:s1], [sflag:$0x3], $0xE000, $0x38;
	[tilespmem:$0x1C000] =	vst v63  }
0x7a: {  	_ =	swait.ge [sflag:s0], $0xE000  }
0x7b: {  	[sflag:s0] =	ssyncset.done $0x0  }
0x7c: {  	[sflag:s0] =	ssyncadd.s32 $0xFFFF2000  }
0x7d: {  	_ =	swait.ge [sflag:s2], $0xE000  }
0x7e: {  	[sflag:s2] =	ssyncset.done $0x0  }
0x7f: {  	s4 =	rddreg [dreg:$0x15];
	[sflag:s2] =	ssyncadd.s32 $0xFFFF2000  }
0x80: {  	[tilespmem:s1], [sflag:$0x1] =	stream.linear.gather [hbm4b:s4+s1], $0xE000, $0x38;
	[tilespmem:$0x1C000] =	vst v63  }
0x81: {  	s4 =	rddreg [dreg:$0x14]  }
0x82: {  	[hbm4b:s4+s1] =	stream.linear.scatter [tilespmem:s31], [sflag:$0x4], $0xE000, $0x38;
	[tilespmem:$0x1C000] =	vst v63  }
0x83: {  	_ =	swait.ge [sflag:s30], $0xE000  }
0x84: {  	[sflag:s30] =	ssyncset.done $0x0  }
0x85: {  	[sflag:s30] =	ssyncadd.s32 $0xFFFF2000  }
0x86: {  	_ =	swait.ge [sflag:s3], $0xE000  }
0x87: {  	[sflag:s3] =	ssyncset.done $0x0  }
0x88: {  	s4 =	rddreg [dreg:$0x17];
	[sflag:s3] =	ssyncadd.s32 $0xFFFF2000  }
0x89: {  	[tilespmem:s31], [sflag:$0x2] =	stream.linear.gather [hbm4b:s4+s1], $0xE000, $0x38;
	[tilespmem:$0x1C000] =	vst v63  }
0x8a: {  	s4 =	rddreg [dreg:$0x16]  }
0x8b: {  	[hbm4b:s4+s1] =	stream.linear.scatter [tilespmem:s1], [sflag:$0x3], $0xE000, $0x38;
	[tilespmem:$0x1C000] =	vst v63  }
0x8c: {  	_ =	swait.ge [sflag:s0], $0xE000  }
0x8d: {  	[sflag:s0] =	ssyncset.done $0x0  }
0x8e: {  	[sflag:s0] =	ssyncadd.s32 $0xFFFF2000  }
0x8f: {  	_ =	swait.ge [sflag:s2], $0xE000  }
0x90: {  	[sflag:s2] =	ssyncset.done $0x0  }
0x91: {  	s4 =	rddreg [dreg:$0x19];
	[sflag:s2] =	ssyncadd.s32 $0xFFFF2000  }
0x92: {  	[tilespmem:s1], [sflag:$0x1] =	stream.linear.gather [hbm4b:s4+s1], $0xE000, $0x38;
	[tilespmem:$0x1C000] =	vst v63  }
0x93: {  	s4 =	rddreg [dreg:$0x18]  }
0x94: {  	[hbm4b:s4+s1] =	stream.linear.scatter [tilespmem:s31], [sflag:$0x4], $0xE000, $0x38;
	[tilespmem:$0x1C000] =	vst v63  }
0x95: {  	_ =	swait.ge [sflag:s30], $0xE000  }
0x96: {  	[sflag:s30] =	ssyncset.done $0x0  }
0x97: {  	[sflag:s30] =	ssyncadd.s32 $0xFFFF2000  }
0x98: {  	_ =	swait.ge [sflag:s3], $0xE000  }
0x99: {  	[sflag:s3] =	ssyncset.done $0x0  }
0x9a: {  	s4 =	rddreg [dreg:$0x1b];
	[sflag:s3] =	ssyncadd.s32 $0xFFFF2000  }
0x9b: {  	[tilespmem:s31], [sflag:$0x2] =	stream.linear.gather [hbm4b:s4+s1], $0xE000, $0x38;
	[tilespmem:$0x1C000] =	vst v63  }
0x9c: {  	s4 =	rddreg [dreg:$0x1a]  }
0x9d: {  	[hbm4b:s4+s1] =	stream.linear.scatter [tilespmem:s1], [sflag:$0x3], $0xE000, $0x38;
	[tilespmem:$0x1C000] =	vst v63  }
0x9e: {  	_ =	swait.ge [sflag:s0], $0xE000  }
0x9f: {  	[sflag:s0] =	ssyncset.done $0x0  }
0xa0: {  	[sflag:s0] =	ssyncadd.s32 $0xFFFF2000  }
0xa1: {  	_ =	swait.ge [sflag:s2], $0xE000  }
0xa2: {  	[sflag:s2] =	ssyncset.done $0x0  }
0xa3: {  	s4 =	rddreg [dreg:$0x1d];
	[sflag:s2] =	ssyncadd.s32 $0xFFFF2000  }
0xa4: {  	[tilespmem:s1], [sflag:$0x1] =	stream.linear.gather [hbm4b:s4+s1], $0xE000, $0x38;
	[tilespmem:$0x1C000] =	vst v63  }
0xa5: {  	s4 =	rddreg [dreg:$0x1c]  }
0xa6: {  	[hbm4b:s4+s1] =	stream.linear.scatter [tilespmem:s31], [sflag:$0x4], $0xE000, $0x38;
	[tilespmem:$0x1C000] =	vst v63  }
0xa7: {  	_ =	swait.ge [sflag:s30], $0xE000  }
0xa8: {  	[sflag:s30] =	ssyncset.done $0x0  }
0xa9: {  	[sflag:s30] =	ssyncadd.s32 $0xFFFF2000  }
0xaa: {  	_ =	swait.ge [sflag:s3], $0xE000  }
0xab: {  	[sflag:s3] =	ssyncset.done $0x0  }
0xac: {  	s4 =	rddreg [dreg:$0x1f];
	[sflag:s3] =	ssyncadd.s32 $0xFFFF2000  }
0xad: {  	[tilespmem:s31], [sflag:$0x2] =	stream.linear.gather [hbm4b:s4+s1], $0xE000, $0x38;
	[tilespmem:$0x1C000] =	vst v63  }
0xae: {  	s4 =	rddreg [dreg:$0x1e]  }
0xaf: {  	[hbm4b:s4+s1] =	stream.linear.scatter [tilespmem:s1], [sflag:$0x3], $0xE000, $0x38;
	[tilespmem:$0x1C000] =	vst v63  }
0xb0: {  	_ =	swait.ge [sflag:s0], $0xE000  }
0xb1: {  	[sflag:s0] =	ssyncset.done $0x0  }
0xb2: {  	[sflag:s0] =	ssyncadd.s32 $0xFFFF2000  }
0xb3: {  	_ =	swait.ge [sflag:s2], $0xE000  }
0xb4: {  	s4 =	sld [smem:$0x7FB]  }
0xb5: {  	[sflag:s2] =	ssyncset.done $0x0  }
0xb6: {  	[sflag:s2] =	ssyncadd.s32 $0xFFFF2000  }
0xb7: {  	[tilespmem:s1], [sflag:$0x1] =	stream.linear.gather [hbm4b:s4+s1], $0xE000, $0x38;
	[tilespmem:$0x1C000] =	vst v63  }
0xb8: {  	s4 =	sld [smem:$0x7FA];
	_ =	sdelay $0x2  }
0xb9: {  	[hbm4b:s4+s1] =	stream.linear.scatter [tilespmem:s31], [sflag:$0x4], $0xE000, $0x38;
	[tilespmem:$0x1C000] =	vst v63  }
0xba: {  	_ =	swait.ge [sflag:s30], $0xE000  }
0xbb: {  	[sflag:s30] =	ssyncset.done $0x0  }
0xbc: {  	[sflag:s30] =	ssyncadd.s32 $0xFFFF2000  }
0xbd: {  	_ =	swait.ge [sflag:s3], $0xE000  }
0xbe: {  	s4 =	sld [smem:$0x7FD]  }
0xbf: {  	[sflag:s3] =	ssyncset.done $0x0  }
0xc0: {  	[sflag:s3] =	ssyncadd.s32 $0xFFFF2000  }
0xc1: {  	[tilespmem:s31], [sflag:$0x2] =	stream.linear.gather [hbm4b:s4+s1], $0xE000, $0x38;
	[tilespmem:$0x1C000] =	vst v63  }
0xc2: {  	s4 =	sld [smem:$0x7FC];
	_ =	sdelay $0x2  }
0xc3: {  	[hbm4b:s4+s1] =	stream.linear.scatter [tilespmem:s1], [sflag:$0x3], $0xE000, $0x38;
	[tilespmem:$0x1C000] =	vst v63  }
0xc4: {  	_ =	swait.ge [sflag:s0], $0xE000  }
0xc5: {  	[sflag:s0] =	ssyncset.done $0x0  }
0xc6: {  	[sflag:s0] =	ssyncadd.s32 $0xFFFF2000  }
0xc7: {  	_ =	swait.ge [sflag:s2], $0xE000  }
0xc8: {  	[sflag:s2] =	ssyncset.done $0x0  }
0xc9: {  	[sflag:s2] =	ssyncadd.s32 $0xFFFF2000  }
0xca: {  	[tilespmem:s1], [sflag:$0x1] =	stream.linear.gather [hbm4b:s6+s1], $0xE000, $0x38;
	[tilespmem:$0x1C000] =	vst v63  }
0xcb: {  	_ = 	snop  }
0xcc: {  	[hbm4b:s5+s1] =	stream.linear.scatter [tilespmem:s31], [sflag:$0x4], $0xE000, $0x38;
	[tilespmem:$0x1C000] =	vst v63  }
0xcd: {  	_ =	swait.ge [sflag:s30], $0xE000  }
0xce: {  	[sflag:s30] =	ssyncset.done $0x0  }
0xcf: {  	[sflag:s30] =	ssyncadd.s32 $0xFFFF2000  }
0xd0: {  	_ =	swait.ge [sflag:s3], $0xE000  }
0xd1: {  	[sflag:s3] =	ssyncset.done $0x0  }
0xd2: {  	[sflag:s3] =	ssyncadd.s32 $0xFFFF2000  }
0xd3: {  	[tilespmem:s31], [sflag:$0x2] =	stream.linear.gather [hbm4b:s8+s1], $0xE000, $0x38;
	[tilespmem:$0x1C000] =	vst v63  }
0xd4: {  	_ = 	snop  }
0xd5: {  	[hbm4b:s7+s1] =	stream.linear.scatter [tilespmem:s1], [sflag:$0x3], $0xE000, $0x38;
	[tilespmem:$0x1C000] =	vst v63  }
0xd6: {  	_ =	swait.ge [sflag:s0], $0xE000  }
0xd7: {  	[sflag:s0] =	ssyncset.done $0x0  }
0xd8: {  	[sflag:s0] =	ssyncadd.s32 $0xFFFF2000  }
0xd9: {  	_ =	swait.ge [sflag:s2], $0xE000  }
0xda: {  	[sflag:s2] =	ssyncset.done $0x0  }
0xdb: {  	[sflag:s2] =	ssyncadd.s32 $0xFFFF2000  }
0xdc: {  	[tilespmem:s1], [sflag:$0x1] =	stream.linear.gather [hbm4b:s10+s1], $0xE000, $0x38;
	[tilespmem:$0x1C000] =	vst v63  }
0xdd: {  	_ = 	snop  }
0xde: {  	[hbm4b:s9+s1] =	stream.linear.scatter [tilespmem:s31], [sflag:$0x4], $0xE000, $0x38;
	[tilespmem:$0x1C000] =	vst v63  }
0xdf: {  	_ =	swait.ge [sflag:s30], $0xE000  }
0xe0: {  	[sflag:s30] =	ssyncset.done $0x0  }
0xe1: {  	[sflag:s30] =	ssyncadd.s32 $0xFFFF2000  }
0xe2: {  	_ =	swait.ge [sflag:s3], $0xE000  }
0xe3: {  	[sflag:s3] =	ssyncset.done $0x0  }
0xe4: {  	[sflag:s3] =	ssyncadd.s32 $0xFFFF2000  }
0xe5: {  	[tilespmem:s31], [sflag:$0x2] =	stream.linear.gather [hbm4b:s12+s1], $0xE000, $0x38;
	[tilespmem:$0x1C000] =	vst v63  }
0xe6: {  	_ = 	snop  }
0xe7: {  	[hbm4b:s11+s1] =	stream.linear.scatter [tilespmem:s1], [sflag:$0x3], $0xE000, $0x38;
	[tilespmem:$0x1C000] =	vst v63  }
0xe8: {  	_ =	swait.ge [sflag:s0], $0xE000  }
0xe9: {  	[sflag:s0] =	ssyncset.done $0x0  }
0xea: {  	[sflag:s0] =	ssyncadd.s32 $0xFFFF2000  }
0xeb: {  	_ =	swait.ge [sflag:s2], $0xE000  }
0xec: {  	[sflag:s2] =	ssyncset.done $0x0  }
0xed: {  	[sflag:s2] =	ssyncadd.s32 $0xFFFF2000  }
0xee: {  	[tilespmem:s1], [sflag:$0x1] =	stream.linear.gather [hbm4b:s14+s1], $0xE000, $0x38;
	[tilespmem:$0x1C000] =	vst v63  }
0xef: {  	_ = 	snop  }
0xf0: {  	[hbm4b:s13+s1] =	stream.linear.scatter [tilespmem:s31], [sflag:$0x4], $0xE000, $0x38;
	[tilespmem:$0x1C000] =	vst v63  }
0xf1: {  	_ =	swait.ge [sflag:s30], $0xE000  }
0xf2: {  	[sflag:s30] =	ssyncset.done $0x0  }
0xf3: {  	[sflag:s30] =	ssyncadd.s32 $0xFFFF2000  }
0xf4: {  	_ =	swait.ge [sflag:s3], $0xE000  }
0xf5: {  	[sflag:s3] =	ssyncset.done $0x0  }
0xf6: {  	[sflag:s3] =	ssyncadd.s32 $0xFFFF2000  }
0xf7: {  	[tilespmem:s31], [sflag:$0x2] =	stream.linear.gather [hbm4b:s16+s1], $0xE000, $0x38;
	[tilespmem:$0x1C000] =	vst v63  }
0xf8: {  	_ = 	snop  }
0xf9: {  	[hbm4b:s15+s1] =	stream.linear.scatter [tilespmem:s1], [sflag:$0x3], $0xE000, $0x38;
	[tilespmem:$0x1C000] =	vst v63  }
0xfa: {  	_ =	swait.ge [sflag:s0], $0xE000  }
0xfb: {  	[sflag:s0] =	ssyncset.done $0x0  }
0xfc: {  	[sflag:s0] =	ssyncadd.s32 $0xFFFF2000  }
0xfd: {  	_ =	swait.ge [sflag:s2], $0xE000  }
0xfe: {  	[sflag:s2] =	ssyncset.done $0x0  }
0xff: {  	[sflag:s2] =	ssyncadd.s32 $0xFFFF2000  }
0x100: {  	[tilespmem:s1], [sflag:$0x1] =	stream.linear.gather [hbm4b:s18+s1], $0xE000, $0x38;
	[tilespmem:$0x1C000] =	vst v63  }
0x101: {  	_ = 	snop  }
0x102: {  	[hbm4b:s17+s1] =	stream.linear.scatter [tilespmem:s31], [sflag:$0x4], $0xE000, $0x38;
	[tilespmem:$0x1C000] =	vst v63  }
0x103: {  	_ =	swait.ge [sflag:s30], $0xE000  }
0x104: {  	[sflag:s30] =	ssyncset.done $0x0  }
0x105: {  	[sflag:s30] =	ssyncadd.s32 $0xFFFF2000  }
0x106: {  	_ =	swait.ge [sflag:s3], $0xE000  }
0x107: {  	[sflag:s3] =	ssyncset.done $0x0  }
0x108: {  	[sflag:s3] =	ssyncadd.s32 $0xFFFF2000  }
0x109: {  	[tilespmem:s31], [sflag:$0x2] =	stream.linear.gather [hbm4b:s20+s1], $0xE000, $0x38;
	[tilespmem:$0x1C000] =	vst v63  }
0x10a: {  	_ = 	snop  }
0x10b: {  	[hbm4b:s19+s1] =	stream.linear.scatter [tilespmem:s1], [sflag:$0x3], $0xE000, $0x38;
	[tilespmem:$0x1C000] =	vst v63  }
0x10c: {  	_ =	swait.ge [sflag:s0], $0xE000  }
0x10d: {  	[sflag:s0] =	ssyncset.done $0x0  }
0x10e: {  	[sflag:s0] =	ssyncadd.s32 $0xFFFF2000  }
0x10f: {  	_ =	swait.ge [sflag:s2], $0xE000  }
0x110: {  	[sflag:s2] =	ssyncset.done $0x0  }
0x111: {  	[sflag:s2] =	ssyncadd.s32 $0xFFFF2000  }
0x112: {  	[tilespmem:s1], [sflag:$0x1] =	stream.linear.gather [hbm4b:s24+s1], $0xE000, $0x38;
	[tilespmem:$0x1C000] =	vst v63  }
0x113: {  	_ = 	snop  }
0x114: {  	[hbm4b:s21+s1] =	stream.linear.scatter [tilespmem:s31], [sflag:$0x4], $0xE000, $0x38;
	[tilespmem:$0x1C000] =	vst v63  }
0x115: {  	_ =	swait.ge [sflag:s30], $0xE000  }
0x116: {  	[sflag:s30] =	ssyncset.done $0x0  }
0x117: {  	[sflag:s30] =	ssyncadd.s32 $0xFFFF2000  }
0x118: {  	_ =	swait.ge [sflag:s3], $0xE000  }
0x119: {  	[sflag:s3] =	ssyncset.done $0x0  }
0x11a: {  	[sflag:s3] =	ssyncadd.s32 $0xFFFF2000  }
0x11b: {  	[tilespmem:s31], [sflag:$0x2] =	stream.linear.gather [hbm4b:s25+s1], $0xE000, $0x38;
	[tilespmem:$0x1C000] =	vst v63  }
0x11c: {  	_ = 	snop  }
0x11d: {  	[hbm4b:s26+s1] =	stream.linear.scatter [tilespmem:s1], [sflag:$0x3], $0xE000, $0x38;
	[tilespmem:$0x1C000] =	vst v63  }
0x11e: {  	_ =	swait.ge [sflag:s0], $0xE000  }
0x11f: {  	[sflag:s0] =	ssyncset.done $0x0  }
0x120: {  	s29 =	sadd.s32 $0xFFFFFFFF, s29;
	[sflag:s0] =	ssyncadd.s32 $0xFFFF2000  }
0x121: {  	[hbm4b:s28+s1] =	stream.linear.scatter [tilespmem:s31], [sflag:$0x4], $0xE000, $0x38;
	[tilespmem:$0x1C000] =	vst v63  }
0x122: {  	p1 =	sne.s32 s29, $0x0;
	_ =	swait.ge [sflag:s2], $0xE000  }
.Ltmp1:
0x123: {  	[sflag:s2] =	ssyncset.done $0x0;
	(pc) =	sbr.rel @!p1 .LBB2_4-.Ltmp1, $4  }
0x124: {  	[sflag:s2] =	ssyncadd.s32 $0xFFFF2000  }
0x125: {  	_ =	swait.ge [sflag:s3], $0xE000  }
0x126: {  	[sflag:s3] =	ssyncset.done $0x0  }
0x127: {  	[sflag:s3] =	ssyncadd.s32 $0xFFFF2000  }
.LBB2_1:
0x128: {  	[tilespmem:s1], [sflag:$0x1] =	stream.linear.gather [hbm4b:s22+s1], $0xE000, $0x38;
	[tilespmem:$0x1C000] =	vst v63  }
.Ltmp2:
0x129: {  	_ = 	snop;
	(pc) =	sbr.rel @p0 .LBB2_3-.Ltmp2, $4  }
0x12a: {  	_ =	swait.ge [sflag:s30], $0xE000  }
0x12b: {  	[sflag:s30] =	ssyncset.done $0x0  }
0x12c: {  	s4 =	rddreg [dreg:$0x3];
	[sflag:s30] =	ssyncadd.s32 $0xFFFF2000  }
0x12d: {  	[tilespmem:s31], [sflag:$0x2] =	stream.linear.gather [hbm4b:s4+s1], $0xE000, $0x38;
	[tilespmem:$0x1C000] =	vst v63  }
0x12e: {  	[tilespmem:$0x80] =	vst v0  }
0x12f: {  	[tilespmem:$0x180] =	vst v0  }
0x130: {  	[tilespmem:$0x90] =	vst v0  }
0x131: {  	[tilespmem:$0x190] =	vst v0  }
0x132: {  	[tilespmem:$0xA0] =	vst v0  }
0x133: {  	[tilespmem:$0x1A0] =	vst v0  }
0x134: {  	[tilespmem:$0xB0] =	vst v0  }
0x135: {  	[tilespmem:$0x1B0] =	vst v0  }
0x136: {  	[tilespmem:$0xC0] =	vst v0  }
0x137: {  	[tilespmem:$0x1C0] =	vst v0  }
0x138: {  	[tilespmem:$0xD0] =	vst v0  }
0x139: {  	[tilespmem:$0x1D0] =	vst v0  }
0x13a: {  	[tilespmem:$0xE0] =	vst v0  }
0x13b: {  	[tilespmem:$0x1E0] =	vst v0  }
0x13c: {  	[tilespmem:$0xF0] =	vst v0  }
0x13d: {  	[tilespmem:$0x1F0] =	vst v0  }
0x13e: {  	[tilespmem:$0x480] =	vst v0  }
0x13f: {  	[tilespmem:$0x580] =	vst v0  }
0x140: {  	[tilespmem:$0x490] =	vst v0  }
0x141: {  	[tilespmem:$0x590] =	vst v0  }
0x142: {  	[tilespmem:$0x4A0] =	vst v0  }
0x143: {  	[tilespmem:$0x5A0] =	vst v0  }
0x144: {  	[tilespmem:$0x4B0] =	vst v0  }
0x145: {  	[tilespmem:$0x5B0] =	vst v0  }
0x146: {  	[tilespmem:$0x4C0] =	vst v0  }
0x147: {  	[tilespmem:$0x5C0] =	vst v0  }
0x148: {  	[tilespmem:$0x4D0] =	vst v0  }
0x149: {  	[tilespmem:$0x5D0] =	vst v0  }
0x14a: {  	[tilespmem:$0x4E0] =	vst v0  }
0x14b: {  	[tilespmem:$0x5E0] =	vst v0  }
0x14c: {  	[tilespmem:$0x4F0] =	vst v0  }
0x14d: {  	[tilespmem:$0x5F0] =	vst v0  }
0x14e: {  	[tilespmem:$0x880] =	vst v0  }
0x14f: {  	[tilespmem:$0x980] =	vst v0  }
0x150: {  	[tilespmem:$0x890] =	vst v0  }
0x151: {  	[tilespmem:$0x990] =	vst v0  }
0x152: {  	[tilespmem:$0x8A0] =	vst v0  }
0x153: {  	[tilespmem:$0x9A0] =	vst v0  }
0x154: {  	[tilespmem:$0x8B0] =	vst v0  }
0x155: {  	[tilespmem:$0x9B0] =	vst v0  }
0x156: {  	[tilespmem:$0x8C0] =	vst v0  }
0x157: {  	[tilespmem:$0x9C0] =	vst v0  }
0x158: {  	[tilespmem:$0x8D0] =	vst v0  }
0x159: {  	[tilespmem:$0x9D0] =	vst v0  }
0x15a: {  	[tilespmem:$0x8E0] =	vst v0  }
0x15b: {  	[tilespmem:$0x9E0] =	vst v0  }
0x15c: {  	[tilespmem:$0x8F0] =	vst v0  }
0x15d: {  	[tilespmem:$0x9F0] =	vst v0  }
0x15e: {  	[tilespmem:$0xC80] =	vst v0  }
0x15f: {  	[tilespmem:$0xD80] =	vst v0  }
0x160: {  	[tilespmem:$0xC90] =	vst v0  }
0x161: {  	[tilespmem:$0xD90] =	vst v0  }
0x162: {  	[tilespmem:$0xCA0] =	vst v0  }
0x163: {  	[tilespmem:$0xDA0] =	vst v0  }
0x164: {  	[tilespmem:$0xCB0] =	vst v0  }
0x165: {  	[tilespmem:$0xDB0] =	vst v0  }
0x166: {  	[tilespmem:$0xCC0] =	vst v0  }
0x167: {  	[tilespmem:$0xDC0] =	vst v0  }
0x168: {  	[tilespmem:$0xCD0] =	vst v0  }
.Ltmp3:
0x169: {  	[tilespmem:$0xDD0] =	vst v0;
	(pc) =	sbr.rel .LBB2_3-.Ltmp3, $4  }
0x16a: {  	[tilespmem:$0xCE0] =	vst v0  }
0x16b: {  	[tilespmem:$0xDE0] =	vst v0  }
0x16c: {  	[tilespmem:$0xCF0] =	vst v0  }
0x16d: {  	[tilespmem:$0xDF0] =	vst v0  }
.LBB2_4:
0x16e: {  	_ =	sfence.sel $0x180000  }
0x16f: {  	[bflag:$0x0] =	sbarrier.arrive $0xFFFF  }
0x170: {  	_ =	strace $0x90000047  }
0x171: {  	s0 =	stileid.u32;
	[bflag:$0x2] =	sbarrier.arrive $0xFFFF  }
0x172: {  	p0 =	sne.s32 s0, $0x0;
	s0 =	rddreg [dreg:$0x2]  }
0x173: {  	s0 =	sadd.s32 @!p0 $0x100000, s0  }
0x174: {  	[sflag:s0] =	ssyncadd.tile.s32 @!p0 $0x1;
	_ =	shalt  }
.Lfunc_end2:
_tile_overlayer_lowered:
.L_overlay_start_2:
0x175: {  	(tag) =	ssettag $0x2  }
0x176: {  	s0 =	rddreg [dreg:$0x0];
	s2 =	stileid.u32  }
0x177: {  	s1 =	rddreg [dreg:$0x1];
	p0 =	sne.s32 s2, $0x0  }
0x178: {  	s3 =	rddreg [dreg:$0x2];
	[bflag:$0x3] =	sbarrier.arrive $0xFFFF;
	s2 =	simm.s32 @!p0 $0x1C05  }
0x179: {  	[timem:s3], [sflag:s2] =	dma.local @!p0 [hbm:s0], s1  }
0x17a: {  	s0 =	simm.s32 @!p0 $0x5  }
0x17b: {  	_ =	swait.ge @!p0 [sflag:s0], s1  }
0x17c: {  	s1 =	ssub.s32 @!p0 $0x0, s1;
	[sflag:s0] =	ssyncset.done @!p0 $0x0  }
0x17d: {  	[sflag:s0] =	ssyncadd.s32 @!p0 s1  }
0x17e: {  	[bflag:$0x3] =	sbarrier.arrive $0xFFFF  }
0x17f: {  	_ =	shalt  }

</sc_bundles>
